<compile_context>
chip_gen: v7x
topology: tpu7x:2x2x1
jax: 0.10.2.dev20260603
libtpu: 0.0.44.dev20260713+nightly
codegen_flags: <defaults>
</compile_context>

<pallas_src>
import functools

import jax
import jax.numpy as jnp
from jax import lax
from jax.experimental import pallas as pl
from jax.experimental.pallas import tpu as pltpu
from jax.experimental.pallas import tpu_sc as plsc

N = 10000
E = 320000
D = 128
C = 3
ED = 16
H = 128

TW = 144
EB = 2560
NBLK = E // EB
LAM = 8.0

NC = 2
NS = 16
NW = NC * NS
EPW = E // NW
EPS = E // NS
CH = 80

SL = 624
SLAST = N - SL * (NS - 1)


def _sc_mesh():
    return plsc.VectorSubcoreMesh(
        core_axis_name="c", subcore_axis_name="s",
        num_cores=NC, num_subcores=NS)


def _sc_gather(table, row, col):

    @functools.partial(
        pl.kernel, mesh=_sc_mesh(),
        out_type=(jax.ShapeDtypeStruct((E, TW), jnp.float32),
                  jax.ShapeDtypeStruct((E, TW), jnp.float32)),
        scratch_types=[
            pltpu.VMEM((EPW,), jnp.int32),
            pltpu.VMEM((EPW,), jnp.int32),
            pltpu.VMEM((CH, TW), jnp.float32),
            pltpu.VMEM((CH, TW), jnp.float32),
            pltpu.VMEM((CH, TW), jnp.float32),
            pltpu.VMEM((CH, TW), jnp.float32),
            pltpu.SemaphoreType.DMA,
            pltpu.SemaphoreType.DMA,
            pltpu.SemaphoreType.DMA,
        ],
        compiler_params=pltpu.CompilerParams(use_tc_tiling_on_sc=False),
    )
    def gather_kernel(t_hbm, row_hbm, col_hbm, outr_hbm, outc_hbm,
                      idxr_all, idxc_all, br0, bc0, br1, bc1,
                      semg0, semg1, semw):
        wid = lax.axis_index("s") * NC + lax.axis_index("c")
        base = wid * EPW
        pltpu.sync_copy(row_hbm.at[pl.ds(base, EPW)], idxr_all)
        pltpu.sync_copy(col_hbm.at[pl.ds(base, EPW)], idxc_all)

        def g_start(ch, br, bc, sem):
            s = pl.ds(ch * CH, CH)
            a = pltpu.async_copy(t_hbm.at[idxr_all.at[s]], br, sem)
            b = pltpu.async_copy(t_hbm.at[idxc_all.at[s]], bc, sem)
            return a, b

        def w_start(ch, br, bc, sem):
            off = base + ch * CH
            a = pltpu.async_copy(br, outr_hbm.at[pl.ds(off, CH)], sem)
            b = pltpu.async_copy(bc, outc_hbm.at[pl.ds(off, CH)], sem)
            return a, b

        def body(j, carry):
            c0 = 2 * j
            g0a, g0b = g_start(c0, br0, bc0, semg0)
            g1a, g1b = g_start(c0 + 1, br1, bc1, semg1)
            g0a.wait()
            g0b.wait()
            w0a, w0b = w_start(c0, br0, bc0, semw)
            g1a.wait()
            g1b.wait()
            w1a, w1b = w_start(c0 + 1, br1, bc1, semw)
            w0a.wait()
            w0b.wait()
            w1a.wait()
            w1b.wait()
            return carry

        npair = (EPW // CH) // 2
        lax.fori_loop(0, npair, body, 0)
        tc = EPW // CH - 1
        ga, gb = g_start(tc, br0, bc0, semg0)
        ga.wait()
        gb.wait()
        wa, wb = w_start(tc, br0, bc0, semw)
        wa.wait()
        wb.wait()

    return gather_kernel(table, row, col)


def _sc_gather_s1(s1, row):

    @functools.partial(
        pl.kernel, mesh=_sc_mesh(),
        out_type=jax.ShapeDtypeStruct((E, 16), jnp.float32),
        scratch_types=[
            pltpu.VMEM((EPW,), jnp.int32),
            pltpu.VMEM((CH, 16), jnp.float32),
            pltpu.VMEM((CH, 16), jnp.float32),
            pltpu.SemaphoreType.DMA,
            pltpu.SemaphoreType.DMA,
            pltpu.SemaphoreType.DMA,
        ],
        compiler_params=pltpu.CompilerParams(use_tc_tiling_on_sc=False),
    )
    def gather_kernel(s1_hbm, row_hbm, out_hbm, idx_all, b0, b1,
                      semg0, semg1, semw):
        wid = lax.axis_index("s") * NC + lax.axis_index("c")
        base = wid * EPW
        pltpu.sync_copy(row_hbm.at[pl.ds(base, EPW)], idx_all)

        def g_start(ch, b, sem):
            return pltpu.async_copy(
                s1_hbm.at[idx_all.at[pl.ds(ch * CH, CH)]], b, sem)

        def w_start(ch, b, sem):
            off = base + ch * CH
            return pltpu.async_copy(b, out_hbm.at[pl.ds(off, CH)], sem)

        def body(j, carry):
            c0 = 2 * j
            g0 = g_start(c0, b0, semg0)
            g1 = g_start(c0 + 1, b1, semg1)
            g0.wait()
            w0 = w_start(c0, b0, semw)
            g1.wait()
            w1 = w_start(c0 + 1, b1, semw)
            w0.wait()
            w1.wait()
            return carry

        lax.fori_loop(0, (EPW // CH) // 2, body, 0)
        tc = EPW // CH - 1
        g = g_start(tc, b0, semg0)
        g.wait()
        w = w_start(tc, b0, semw)
        w.wait()

    return gather_kernel(s1, row)


def _sc_scatter_s1(w1e, row, zeros_n16):

    @functools.partial(
        pl.kernel, mesh=_sc_mesh(),
        out_type=jax.ShapeDtypeStruct((N, 16), jnp.float32),
        scratch_types=[
            pltpu.VMEM((CH,), jnp.int32),
            pltpu.VMEM((CH,), jnp.int32),
            pltpu.VMEM((CH, 16), jnp.float32),
            pltpu.VMEM((CH, 16), jnp.float32),
            pltpu.VMEM_SHARED((N, 16), jnp.float32),
            pltpu.SemaphoreType.DMA,
            pltpu.SemaphoreType.DMA,
        ],
        compiler_params=pltpu.CompilerParams(use_tc_tiling_on_sc=False),
    )
    def scatter_kernel(w_hbm, row_hbm, z_hbm, out_hbm, idx0_v, idx1_v,
                       buf0_v, buf1_v, acc_sh, sem0, sem1):
        cid = lax.axis_index("c")
        sid = lax.axis_index("s")

        @pl.when(cid == 0)
        def _():
            @pl.when(sid < NS - 1)
            def _():
                pltpu.sync_copy(z_hbm.at[pl.ds(sid * SL, SL)],
                                acc_sh.at[pl.ds(sid * SL, SL)])

            @pl.when(sid == NS - 1)
            def _():
                pltpu.sync_copy(z_hbm.at[pl.ds((NS - 1) * SL, SLAST)],
                                acc_sh.at[pl.ds((NS - 1) * SL, SLAST)])

            plsc.subcore_barrier()
            base = sid * EPS

            def l_start(ch, idx_v, buf_v, sem):
                off = base + ch * CH
                a = pltpu.async_copy(row_hbm.at[pl.ds(off, CH)], idx_v, sem)
                b = pltpu.async_copy(w_hbm.at[pl.ds(off, CH)], buf_v, sem)
                return a, b

            def body(j, carry):
                c0 = 2 * j
                a0, b0 = l_start(c0, idx0_v, buf0_v, sem0)
                a1, b1 = l_start(c0 + 1, idx1_v, buf1_v, sem1)
                a0.wait()
                b0.wait()
                pltpu.sync_copy(buf0_v, acc_sh.at[idx0_v], add=True)
                a1.wait()
                b1.wait()
                pltpu.sync_copy(buf1_v, acc_sh.at[idx1_v], add=True)
                return carry

            lax.fori_loop(0, (EPS // CH) // 2, body, 0)
            plsc.subcore_barrier()

            @pl.when(sid < NS - 1)
            def _():
                pltpu.sync_copy(acc_sh.at[pl.ds(sid * SL, SL)],
                                out_hbm.at[pl.ds(sid * SL, SL)])

            @pl.when(sid == NS - 1)
            def _():
                pltpu.sync_copy(acc_sh.at[pl.ds((NS - 1) * SL, SLAST)],
                                out_hbm.at[pl.ds((NS - 1) * SL, SLAST)])

    return scatter_kernel(w1e, row, zeros_n16)


def _sc_scatter(payload, row, zeros_nt):

    @functools.partial(
        pl.kernel, mesh=_sc_mesh(),
        out_type=jax.ShapeDtypeStruct((NC, N, TW), jnp.float32),
        scratch_types=[
            pltpu.VMEM((CH,), jnp.int32),
            pltpu.VMEM((CH,), jnp.int32),
            pltpu.VMEM((CH, TW), jnp.float32),
            pltpu.VMEM((CH, TW), jnp.float32),
            pltpu.VMEM_SHARED((N, TW), jnp.float32),
            pltpu.SemaphoreType.DMA,
            pltpu.SemaphoreType.DMA,
        ],
        compiler_params=pltpu.CompilerParams(use_tc_tiling_on_sc=False),
    )
    def scatter_kernel(pay_hbm, row_hbm, z_hbm, out_hbm, idx0_v, idx1_v,
                       buf0_v, buf1_v, acc_sh, sem0, sem1):
        cid = lax.axis_index("c")
        sid = lax.axis_index("s")
        wid = sid * NC + cid
        base = wid * EPW

        @pl.when(sid < NS - 1)
        def _():
            pltpu.sync_copy(z_hbm.at[pl.ds(sid * SL, SL)],
                            acc_sh.at[pl.ds(sid * SL, SL)])

        @pl.when(sid == NS - 1)
        def _():
            pltpu.sync_copy(z_hbm.at[pl.ds((NS - 1) * SL, SLAST)],
                            acc_sh.at[pl.ds((NS - 1) * SL, SLAST)])

        plsc.subcore_barrier()

        def l_start(ch, idx_v, buf_v, sem):
            off = base + ch * CH
            a = pltpu.async_copy(row_hbm.at[pl.ds(off, CH)], idx_v, sem)
            b = pltpu.async_copy(pay_hbm.at[pl.ds(off, CH)], buf_v, sem)
            return a, b

        def body(j, carry):
            c0 = 2 * j
            a0, b0 = l_start(c0, idx0_v, buf0_v, sem0)
            a1, b1 = l_start(c0 + 1, idx1_v, buf1_v, sem1)
            a0.wait()
            b0.wait()
            pltpu.sync_copy(buf0_v, acc_sh.at[idx0_v], add=True)
            a1.wait()
            b1.wait()
            pltpu.sync_copy(buf1_v, acc_sh.at[idx1_v], add=True)
            return carry

        npair = (EPW // CH) // 2
        lax.fori_loop(0, npair, body, 0)
        ta, tb = l_start(EPW // CH - 1, idx0_v, buf0_v, sem0)
        ta.wait()
        tb.wait()
        pltpu.sync_copy(buf0_v, acc_sh.at[idx0_v], add=True)
        plsc.subcore_barrier()

        @pl.when(sid < NS - 1)
        def _():
            pltpu.sync_copy(acc_sh.at[pl.ds(sid * SL, SL)],
                            out_hbm.at[cid, pl.ds(sid * SL, SL)])

        @pl.when(sid == NS - 1)
        def _():
            pltpu.sync_copy(acc_sh.at[pl.ds((NS - 1) * SL, SLAST)],
                            out_hbm.at[cid, pl.ds((NS - 1) * SL, SLAST)])

    return scatter_kernel(payload, row, zeros_nt)


def _radial16(cd):
    cols = []
    for i in range(C):
        a = cd[:, 3 * i:3 * i + 3]
        for j in range(C):
            b = cd[:, 3 * j:3 * j + 3]
            cols.append(jnp.sum(a * b, axis=1, keepdims=True))
    cols.append(jnp.zeros((cd.shape[0], 7), jnp.float32))
    return jnp.concatenate(cols, axis=1)


def _tc_alpha(hrT, hcT, ea, Wq, bq, Wk_r, Wk_h, Wk_e, bk):

    def body(hr_ref, hc_ref, ea_ref, wq_ref, bq_ref, wkr_ref, wkh_ref,
             wke_ref, bk_ref, pk_ref):
        hr = hr_ref[:, :D]
        cr = hr_ref[:, D:D + 9]
        hc = hc_ref[:, :D]
        cc = hc_ref[:, D:D + 9]
        cd = cr - cc
        rad = _radial16(cd)
        q = jnp.dot(hr, wq_ref[...], preferred_element_type=jnp.float32)
        q = q + bq_ref[...]
        k = (jnp.dot(rad, wkr_ref[...], preferred_element_type=jnp.float32)
             + jnp.dot(hc, wkh_ref[...], preferred_element_type=jnp.float32)
             + jnp.dot(ea_ref[...], wke_ref[...],
                       preferred_element_type=jnp.float32)
             + bk_ref[...])
        alpha = jnp.sum(q * k, axis=1, keepdims=True)
        pk_ref[...] = jnp.concatenate(
            [alpha, jnp.exp(alpha * (1.0 / LAM)), cd,
             jnp.zeros((EB, 5), jnp.float32)], axis=1)

    full = lambda s: pl.BlockSpec(s, lambda i: (0, 0))
    return pl.pallas_call(
        body,
        grid=(NBLK,),
        in_specs=[
            pl.BlockSpec((EB, TW), lambda i: (i, 0)),
            pl.BlockSpec((EB, TW), lambda i: (i, 0)),
            pl.BlockSpec((EB, ED), lambda i: (i, 0)),
            full((D, H)), full((1, H)), full((16, H)), full((D, H)),
            full((ED, H)), full((1, H)),
        ],
        out_specs=pl.BlockSpec((EB, 16), lambda i: (i, 0)),
        out_shape=jax.ShapeDtypeStruct((E, 16), jnp.float32),
        compiler_params=pltpu.CompilerParams(
            dimension_semantics=("parallel",)),
    )(hrT, hcT, ea, Wq, bq, Wk_r, Wk_h, Wk_e, bk)


def _tc_payload(hcT, packed, ea, s1r, Wv_r, Wv_h, Wv_e, bv, W1, W2p):

    def body(hc_ref, pk_ref, ea_ref, s1_ref, wvr_ref, wvh_ref,
             wve_ref, bv_ref, w1_ref, w2_ref, out_ref):
        hc = hc_ref[:, :D]
        al = pk_ref[:, 0:1]
        cd = pk_ref[:, 2:11]
        rad = _radial16(cd)
        v = (jnp.dot(rad, wvr_ref[...], preferred_element_type=jnp.float32)
             + jnp.dot(hc, wvh_ref[...], preferred_element_type=jnp.float32)
             + jnp.dot(ea_ref[...], wve_ref[...],
                       preferred_element_type=jnp.float32)
             + bv_ref[...])
        ex = jnp.exp(al - LAM * jnp.log(s1_ref[:, 1:2]))
        u = jnp.dot(v, w1_ref[...], preferred_element_type=jnp.float32)
        u = u * jax.nn.sigmoid(u)
        cv = jnp.dot(u, w2_ref[...], preferred_element_type=jnp.float32)
        tcols = []
        for i in range(C):
            ci = cv[:, i:i + 1]
            for d in range(3):
                tcols.append(cd[:, 3 * i + d:3 * i + d + 1] * ci)
        trans = jnp.concatenate(tcols, axis=1)
        out_ref[...] = jnp.concatenate(
            [ex * v, ex * trans, ex, jnp.zeros((EB, 6), jnp.float32)],
            axis=1)

    full = lambda s: pl.BlockSpec(s, lambda i: (0, 0))
    return pl.pallas_call(
        body,
        grid=(NBLK,),
        in_specs=[
            pl.BlockSpec((EB, TW), lambda i: (i, 0)),
            pl.BlockSpec((EB, 16), lambda i: (i, 0)),
            pl.BlockSpec((EB, ED), lambda i: (i, 0)),
            pl.BlockSpec((EB, 16), lambda i: (i, 0)),
            full((16, H)), full((D, H)), full((ED, H)), full((1, H)),
            full((H, 2 * H)), full((2 * H, 16)),
        ],
        out_specs=pl.BlockSpec((EB, TW), lambda i: (i, 0)),
        out_shape=jax.ShapeDtypeStruct((E, TW), jnp.float32),
        compiler_params=pltpu.CompilerParams(
            dimension_semantics=("parallel",)),
    )(hcT, packed, ea, s1r, Wv_r, Wv_h, Wv_e, bv, W1, W2p)


def _tc_finalize(partials, h, coord9):
    NB = 1000

    def body(p_ref, h_ref, c_ref, ho_ref, co_ref):
        u = p_ref[0] + p_ref[1]
        s = u[:, D + 9:D + 10]
        inv = jnp.where(s > 0, 1.0 / jnp.where(s > 0, s, 1.0), 0.0)
        ho_ref[...] = h_ref[...] + u[:, :D] * inv
        aggc = u[:, D:D + 9] * inv
        co_ref[...] = c_ref[...] + jnp.clip(aggc, -10.0, 10.0)

    return pl.pallas_call(
        body,
        grid=(N // NB,),
        in_specs=[
            pl.BlockSpec((NC, NB, TW), lambda i: (0, i, 0)),
            pl.BlockSpec((NB, D), lambda i: (i, 0)),
            pl.BlockSpec((NB, 9), lambda i: (i, 0)),
        ],
        out_specs=[
            pl.BlockSpec((NB, D), lambda i: (i, 0)),
            pl.BlockSpec((NB, 9), lambda i: (i, 0)),
        ],
        out_shape=[
            jax.ShapeDtypeStruct((N, D), jnp.float32),
            jax.ShapeDtypeStruct((N, 9), jnp.float32),
        ],
        compiler_params=pltpu.CompilerParams(
            dimension_semantics=("parallel",)),
    )(partials, h, coord9)


def kernel(h, edge_index, coord, edge_attr, Wq, bq, Wkv, bkv, W1, W2):
    row = edge_index[0]
    col = edge_index[1]
    coord9 = coord.reshape(N, C * 3)

    table = jnp.concatenate(
        [h, coord9, jnp.zeros((N, TW - D - C * 3), jnp.float32)], axis=1)

    Wk = Wkv[:, 0::2]
    Wv = Wkv[:, 1::2]
    bk = bkv[0::2].reshape(1, H)
    bv = bkv[1::2].reshape(1, H)
    Wk_r = jnp.concatenate([Wk[:C * C], jnp.zeros((7, H), jnp.float32)], 0)
    Wv_r = jnp.concatenate([Wv[:C * C], jnp.zeros((7, H), jnp.float32)], 0)
    Wk_h = Wk[C * C:C * C + D]
    Wv_h = Wv[C * C:C * C + D]
    Wk_e = Wk[C * C + D:]
    Wv_e = Wv[C * C + D:]
    W2p = jnp.concatenate([W2, jnp.zeros((2 * H, 16 - C), jnp.float32)], 1)
    bq2 = bq.reshape(1, H)

    hrT, hcT = _sc_gather(table, row, col)
    packed = _tc_alpha(hrT, hcT, edge_attr,
                       Wq, bq2, Wk_r, Wk_h, Wk_e, bk)
    s1 = _sc_scatter_s1(packed, row, jnp.zeros((N, 16), jnp.float32))
    s1r = _sc_gather_s1(s1, row)
    payload = _tc_payload(hcT, packed, edge_attr, s1r,
                          Wv_r, Wv_h, Wv_e, bv, W1, W2p)
    partials = _sc_scatter(payload, row, jnp.zeros((N, TW), jnp.float32))
    h_out, coord_out9 = _tc_finalize(partials, h, coord9)
    return (h_out, coord_out9.reshape(N, C, 3))

# --- scband reference (transcript-rebuilt; emitter-appended) ---
"""Pipeline reference for scband-mcatt-egnn-69088843923955 (READ-ONLY COPY).

The authoritative reference and input builder live on the scoring server;
editing this copy changes nothing except your own understanding.
"""

import jax, jax.numpy as jnp
import numpy as np

N = 10000
E = 320000
D = 128
C = 3
ED = 16
H = 128

def setup_inputs(seed: int = 0) -> dict:
    key = jax.random.key(seed)
    ks = jax.random.split(key, 10)
    h = jax.random.normal(ks[0], (N, D), dtype=jnp.float32)
    edge_index = jax.random.randint(ks[1], (2, E), 0, N, dtype=jnp.int32)
    coord = jax.random.normal(ks[2], (N, C, 3), dtype=jnp.float32)
    edge_attr = jax.random.normal(ks[3], (E, ED), dtype=jnp.float32)
    # learned params: linear_q, linear_kv, coord_mlp (two no-bias linears, second init'd tiny per xavier gain=0.001)
    Wq = jax.random.normal(ks[4], (D, H), dtype=jnp.float32) / np.sqrt(D)
    bq = jnp.zeros((H,), dtype=jnp.float32)
    Wkv = jax.random.normal(ks[5], (D + C * C + ED, 2 * H), dtype=jnp.float32) / np.sqrt(D + C * C + ED)
    bkv = jnp.zeros((2 * H,), dtype=jnp.float32)
    W1 = jax.random.normal(ks[6], (H, 2 * H), dtype=jnp.float32) / np.sqrt(H)
    W2 = jax.random.normal(ks[7], (2 * H, C), dtype=jnp.float32) * 0.001
    return dict(h=h, edge_index=edge_index, coord=coord, edge_attr=edge_attr,
                Wq=Wq, bq=bq, Wkv=Wkv, bkv=bkv, W1=W1, W2=W2)

def _scatter_softmax(alpha, row, num_segments):
    seg_max = jax.ops.segment_max(alpha, row, num_segments=num_segments)
    seg_max = jnp.where(jnp.isfinite(seg_max), seg_max, 0.0)
    ex = jnp.exp(alpha - seg_max[row])
    seg_sum = jax.ops.segment_sum(ex, row, num_segments=num_segments)
    return ex / (seg_sum[row] + 1e-16)

def reference(h, edge_index, coord, edge_attr, Wq, bq, Wkv, bkv, W1, W2):
    row, col = edge_index[0], edge_index[1]
    # coord2radial
    coord_diff = coord[row] - coord[col]                      # [E, C, 3]
    radial = jnp.einsum('ecd,efd->ecf', coord_diff, coord_diff)  # [E, C, C] (bmm with transpose)
    # att_model
    q = h[row] @ Wq + bq                                      # [E, H]
    radial_flat = radial.reshape(radial.shape[0], -1)         # [E, C*C]
    target_feat = jnp.concatenate([radial_flat, h[col], edge_attr], axis=1)
    kv = target_feat @ Wkv + bkv                              # [E, 2H]
    k = kv[:, 0::2]
    v = kv[:, 1::2]
    alpha = jnp.sum(q * k, axis=1)                            # [E]
    att = _scatter_softmax(alpha, row, N)[:, None]            # [E, 1]
    # node_model (dropout is identity at eval): unsorted_segment_sum -> scatter-add
    agg = jax.ops.segment_sum(att * v, row, num_segments=N)   # [N, H]
    h_out = h + agg
    # coord_model: coord_mlp = Linear(H->2H, no bias) -> SiLU -> Linear(2H->C, no bias)
    coord_v = att * (jax.nn.silu(v @ W1) @ W2)                # [E, C]
    trans = coord_diff * coord_v[:, :, None]                  # [E, C, 3]
    agg_c = jax.ops.segment_sum(trans, row, num_segments=N)   # [N, C, 3]
    coord_out = coord + jnp.clip(agg_c, -10.0, 10.0)
    return (h_out, coord_out)

if __name__ == "__main__":
    import jax
    _d = setup_inputs()
    print(jax.jit(kernel)(*tuple(_d.values())))

</pallas_src>

<mosaic_0001>
#map = affine_map<(d0, d1) -> (0, 0)>
#map1 = affine_map<(d0, d1) -> (0)>
module attributes {stable_mosaic.version = 14 : i64} {
  func.func @scatter_kernel(%arg0: i32, %arg1: i32, %arg2: memref<320000x16xf32, #tpu.memory_space<hbm>>, %arg3: memref<320000xi32, #tpu.memory_space<hbm>>, %arg4: memref<10000x16xf32, #tpu.memory_space<hbm>>, %arg5: memref<10000x16xf32, #tpu.memory_space<hbm>>, %arg6: memref<80xi32, #tpu.memory_space<vmem>>, %arg7: memref<80xi32, #tpu.memory_space<vmem>>, %arg8: memref<80x16xf32, #tpu.memory_space<vmem>>, %arg9: memref<80x16xf32, #tpu.memory_space<vmem>>, %arg10: memref<10000x16xf32, #tpu.memory_space<vmem_shared>>, %arg11: memref<!tpu.dma_semaphore, #tpu.memory_space<semaphore_mem>>, %arg12: memref<!tpu.dma_semaphore, #tpu.memory_space<semaphore_mem>>) attributes {dimension_semantics = [#tpu.dimension_semantics<core_parallel>, #tpu.dimension_semantics<subcore_parallel>], iteration_bounds = array<i64: 2, 16>, scalar_prefetch = 0 : i64, scratch_operands = 7 : i64, tpu.core_type = #tpu.core_type<sc_vector_subcore>, window_params = [{transform_indices = #map}, {transform_indices = #map1}, {transform_indices = #map}, {transform_indices = #map}]} {
    %eq3A = arith.constant 0 : i32
    %eq3A_0 = arith.cmpi eq, %arg0, %eq3A : i32
    %convert_element_type3A = arith.extui %eq3A_0 : i1 to i32
    %cond3A = arith.constant 0 : i32
    %cond3A_1 = arith.cmpi ne, %convert_element_type3A, %cond3A : i32
    scf.if %cond3A_1 {
      %lt3A = arith.constant 15 : i32
      %lt3A_2 = arith.cmpi slt, %arg1, %lt3A : i32
      %convert_element_type3A_3 = arith.extui %lt3A_2 : i1 to i32
      %cond3A_4 = arith.constant 0 : i32
      %cond3A_5 = arith.cmpi ne, %convert_element_type3A_3, %cond3A_4 : i32
      scf.if %cond3A_5 {
        %mul3A_28 = arith.constant 624 : i32
        %mul3A_29 = arith.muli %arg1, %mul3A_28 : i32
        %mul3A_30 = arith.constant 624 : i32
        %mul3A_31 = arith.muli %arg1, %mul3A_30 : i32
        "tpu.region"() ({
          %run_scoped3A = tpu.sem_alloc : memref<!tpu.dma_semaphore, #tpu.memory_space<semaphore_mem>>
          %dma_start3A = arith.constant 0 : i32
          %dma_start3A_32 = tpu.memref_slice %arg10[%mul3A_31, %dma_start3A] : memref<10000x16xf32, #tpu.memory_space<vmem_shared>> -> memref<624x16xf32, #tpu.memory_space<vmem_shared>>
          %dma_start3A_33 = arith.constant 0 : i32
          %dma_start3A_34 = tpu.memref_slice %arg4[%mul3A_29, %dma_start3A_33] : memref<10000x16xf32, #tpu.memory_space<hbm>> -> memref<624x16xf32, #tpu.memory_space<hbm>>
          tpu.enqueue_dma source(%dma_start3A_34 : memref<624x16xf32, #tpu.memory_space<hbm>>) target(%dma_start3A_32 : memref<624x16xf32, #tpu.memory_space<vmem_shared>>) target_semaphore(%run_scoped3A : memref<!tpu.dma_semaphore, #tpu.memory_space<semaphore_mem>>)
          %dma_wait3A = arith.constant 0 : i32
          %dma_wait3A_35 = tpu.memref_slice %arg10[%mul3A_31, %dma_wait3A] : memref<10000x16xf32, #tpu.memory_space<vmem_shared>> -> memref<624x16xf32, #tpu.memory_space<vmem_shared>>
          %dma_wait3A_36 = arith.constant 0 : i32
          %dma_wait3A_37 = tpu.memref_slice %arg4[%mul3A_29, %dma_wait3A_36] : memref<10000x16xf32, #tpu.memory_space<hbm>> -> memref<624x16xf32, #tpu.memory_space<hbm>>
          tpu.wait_dma2 semaphore(%run_scoped3A : memref<!tpu.dma_semaphore, #tpu.memory_space<semaphore_mem>>) src(%dma_wait3A_37 : memref<624x16xf32, #tpu.memory_space<hbm>>) dst(%dma_wait3A_35 : memref<624x16xf32, #tpu.memory_space<vmem_shared>>)
          tpu.yield
        }) : () -> ()
      } else {
      }
      %eq3A_6 = arith.constant 15 : i32
      %eq3A_7 = arith.cmpi eq, %arg1, %eq3A_6 : i32
      %convert_element_type3A_8 = arith.extui %eq3A_7 : i1 to i32
      %cond3A_9 = arith.constant 0 : i32
      %cond3A_10 = arith.cmpi ne, %convert_element_type3A_8, %cond3A_9 : i32
      scf.if %cond3A_10 {
        "tpu.region"() ({
          %run_scoped3A = tpu.sem_alloc : memref<!tpu.dma_semaphore, #tpu.memory_space<semaphore_mem>>
          %dma_start3A = arith.constant 9360 : i32
          %dma_start3A_28 = arith.constant 0 : i32
          %dma_start3A_29 = tpu.memref_slice %arg10[%dma_start3A, %dma_start3A_28] : memref<10000x16xf32, #tpu.memory_space<vmem_shared>> -> memref<640x16xf32, #tpu.memory_space<vmem_shared>>
          %dma_start3A_30 = arith.constant 9360 : i32
          %dma_start3A_31 = arith.constant 0 : i32
          %dma_start3A_32 = tpu.memref_slice %arg4[%dma_start3A_30, %dma_start3A_31] : memref<10000x16xf32, #tpu.memory_space<hbm>> -> memref<640x16xf32, #tpu.memory_space<hbm>>
          tpu.enqueue_dma source(%dma_start3A_32 : memref<640x16xf32, #tpu.memory_space<hbm>>) target(%dma_start3A_29 : memref<640x16xf32, #tpu.memory_space<vmem_shared>>) target_semaphore(%run_scoped3A : memref<!tpu.dma_semaphore, #tpu.memory_space<semaphore_mem>>)
          %dma_wait3A = arith.constant 9360 : i32
          %dma_wait3A_33 = arith.constant 0 : i32
          %dma_wait3A_34 = tpu.memref_slice %arg10[%dma_wait3A, %dma_wait3A_33] : memref<10000x16xf32, #tpu.memory_space<vmem_shared>> -> memref<640x16xf32, #tpu.memory_space<vmem_shared>>
          %dma_wait3A_35 = arith.constant 9360 : i32
          %dma_wait3A_36 = arith.constant 0 : i32
          %dma_wait3A_37 = tpu.memref_slice %arg4[%dma_wait3A_35, %dma_wait3A_36] : memref<10000x16xf32, #tpu.memory_space<hbm>> -> memref<640x16xf32, #tpu.memory_space<hbm>>
          tpu.wait_dma2 semaphore(%run_scoped3A : memref<!tpu.dma_semaphore, #tpu.memory_space<semaphore_mem>>) src(%dma_wait3A_37 : memref<640x16xf32, #tpu.memory_space<hbm>>) dst(%dma_wait3A_34 : memref<640x16xf32, #tpu.memory_space<vmem_shared>>)
          tpu.yield
        }) : () -> ()
      } else {
      }
      %barrier3A = arith.constant 0 : index
      tpu.barrier barrier_id(%barrier3A)
      %mul3A = arith.constant 20000 : i32
      %mul3A_11 = arith.muli %arg1, %mul3A : i32
      %scan3A = arith.constant 0 : i32
      %scan3A_12 = arith.constant 0 : i32
      %scan3A_13 = arith.constant 125 : i32
      %scan3A_14 = arith.addi %scan3A_12, %scan3A_13 : i32
      %scan3A_15 = arith.constant 1 : i32
      scf.for %scan3A_28 = %scan3A_12 to %scan3A_14 step %scan3A_15  : i32 {
        %mul3A_29 = arith.constant 2 : i32
        %mul3A_30 = arith.muli %mul3A_29, %scan3A_28 : i32
        %mul3A_31 = arith.constant 80 : i32
        %mul3A_32 = arith.muli %mul3A_30, %mul3A_31 : i32
        %add3A = arith.addi %mul3A_11, %mul3A_32 : i32
        %dma_start3A = tpu.memref_slice %arg3[%add3A] : memref<320000xi32, #tpu.memory_space<hbm>> -> memref<80xi32, #tpu.memory_space<hbm>>
        %dma_start3A_33 = tpu.memref_slice %arg3[%add3A] : memref<320000xi32, #tpu.memory_space<hbm>> -> memref<80xi32, #tpu.memory_space<hbm>>
        tpu.enqueue_dma source(%dma_start3A_33 : memref<80xi32, #tpu.memory_space<hbm>>) target(%arg6 : memref<80xi32, #tpu.memory_space<vmem>>) target_semaphore(%arg11 : memref<!tpu.dma_semaphore, #tpu.memory_space<semaphore_mem>>)
        %dma_start3A_34 = arith.constant 0 : i32
        %dma_start3A_35 = tpu.memref_slice %arg2[%add3A, %dma_start3A_34] : memref<320000x16xf32, #tpu.memory_space<hbm>> -> memref<80x16xf32, #tpu.memory_space<hbm>>
        %dma_start3A_36 = arith.constant 0 : i32
        %dma_start3A_37 = tpu.memref_slice %arg2[%add3A, %dma_start3A_36] : memref<320000x16xf32, #tpu.memory_space<hbm>> -> memref<80x16xf32, #tpu.memory_space<hbm>>
        tpu.enqueue_dma source(%dma_start3A_37 : memref<80x16xf32, #tpu.memory_space<hbm>>) target(%arg8 : memref<80x16xf32, #tpu.memory_space<vmem>>) target_semaphore(%arg11 : memref<!tpu.dma_semaphore, #tpu.memory_space<semaphore_mem>>)
        %add3A_38 = arith.constant 1 : i32
        %add3A_39 = arith.addi %mul3A_30, %add3A_38 : i32
        %mul3A_40 = arith.constant 80 : i32
        %mul3A_41 = arith.muli %add3A_39, %mul3A_40 : i32
        %add3A_42 = arith.addi %mul3A_11, %mul3A_41 : i32
        %dma_start3A_43 = tpu.memref_slice %arg3[%add3A_42] : memref<320000xi32, #tpu.memory_space<hbm>> -> memref<80xi32, #tpu.memory_space<hbm>>
        %dma_start3A_44 = tpu.memref_slice %arg3[%add3A_42] : memref<320000xi32, #tpu.memory_space<hbm>> -> memref<80xi32, #tpu.memory_space<hbm>>
        tpu.enqueue_dma source(%dma_start3A_44 : memref<80xi32, #tpu.memory_space<hbm>>) target(%arg7 : memref<80xi32, #tpu.memory_space<vmem>>) target_semaphore(%arg12 : memref<!tpu.dma_semaphore, #tpu.memory_space<semaphore_mem>>)
        %dma_start3A_45 = arith.constant 0 : i32
        %dma_start3A_46 = tpu.memref_slice %arg2[%add3A_42, %dma_start3A_45] : memref<320000x16xf32, #tpu.memory_space<hbm>> -> memref<80x16xf32, #tpu.memory_space<hbm>>
        %dma_start3A_47 = arith.constant 0 : i32
        %dma_start3A_48 = tpu.memref_slice %arg2[%add3A_42, %dma_start3A_47] : memref<320000x16xf32, #tpu.memory_space<hbm>> -> memref<80x16xf32, #tpu.memory_space<hbm>>
        tpu.enqueue_dma source(%dma_start3A_48 : memref<80x16xf32, #tpu.memory_space<hbm>>) target(%arg9 : memref<80x16xf32, #tpu.memory_space<vmem>>) target_semaphore(%arg12 : memref<!tpu.dma_semaphore, #tpu.memory_space<semaphore_mem>>)
        %dma_wait3A = tpu.memref_slice %arg3[%add3A] : memref<320000xi32, #tpu.memory_space<hbm>> -> memref<80xi32, #tpu.memory_space<hbm>>
        %dma_wait3A_49 = tpu.memref_slice %arg3[%add3A] : memref<320000xi32, #tpu.memory_space<hbm>> -> memref<80xi32, #tpu.memory_space<hbm>>
        tpu.wait_dma2 semaphore(%arg11 : memref<!tpu.dma_semaphore, #tpu.memory_space<semaphore_mem>>) src(%dma_wait3A_49 : memref<80xi32, #tpu.memory_space<hbm>>) dst(%arg6 : memref<80xi32, #tpu.memory_space<vmem>>)
        %dma_wait3A_50 = arith.constant 0 : i32
        %dma_wait3A_51 = tpu.memref_slice %arg2[%add3A, %dma_wait3A_50] : memref<320000x16xf32, #tpu.memory_space<hbm>> -> memref<80x16xf32, #tpu.memory_space<hbm>>
        %dma_wait3A_52 = arith.constant 0 : i32
        %dma_wait3A_53 = tpu.memref_slice %arg2[%add3A, %dma_wait3A_52] : memref<320000x16xf32, #tpu.memory_space<hbm>> -> memref<80x16xf32, #tpu.memory_space<hbm>>
        tpu.wait_dma2 semaphore(%arg11 : memref<!tpu.dma_semaphore, #tpu.memory_space<semaphore_mem>>) src(%dma_wait3A_53 : memref<80x16xf32, #tpu.memory_space<hbm>>) dst(%arg8 : memref<80x16xf32, #tpu.memory_space<vmem>>)
        "tpu.region"() ({
          %run_scoped3A = tpu.sem_alloc : memref<!tpu.dma_semaphore, #tpu.memory_space<semaphore_mem>>
          %dma_start3A_60 = arith.constant 0 : i32
          %dma_start3A_61 = arith.constant 0 : i32
          %dma_start3A_62 = tpu.memref_slice %arg10[%dma_start3A_60, %dma_start3A_61] : memref<10000x16xf32, #tpu.memory_space<vmem_shared>> -> memref<10000x16xf32, #tpu.memory_space<vmem_shared>>
          tpu.enqueue_indirect_dma source(%arg8 : memref<80x16xf32, #tpu.memory_space<vmem>>) target(%dma_start3A_62 : memref<10000x16xf32, #tpu.memory_space<vmem_shared>>) offsets(%arg6 : memref<80xi32, #tpu.memory_space<vmem>>) semaphore(%run_scoped3A : memref<!tpu.dma_semaphore, #tpu.memory_space<semaphore_mem>>) {add = true}
          %dma_wait3A_63 = arith.constant 0 : i32
          %dma_wait3A_64 = arith.constant 0 : i32
          %dma_wait3A_65 = tpu.memref_slice %arg10[%dma_wait3A_63, %dma_wait3A_64] : memref<10000x16xf32, #tpu.memory_space<vmem_shared>> -> memref<10000x16xf32, #tpu.memory_space<vmem_shared>>
          tpu.wait_indirect_dma semaphore(%run_scoped3A : memref<!tpu.dma_semaphore, #tpu.memory_space<semaphore_mem>>) src(%arg8 : memref<80x16xf32, #tpu.memory_space<vmem>>) dst(%dma_wait3A_65 : memref<10000x16xf32, #tpu.memory_space<vmem_shared>>)
          tpu.yield
        }) : () -> ()
        %dma_wait3A_54 = tpu.memref_slice %arg3[%add3A_42] : memref<320000xi32, #tpu.memory_space<hbm>> -> memref<80xi32, #tpu.memory_space<hbm>>
        %dma_wait3A_55 = tpu.memref_slice %arg3[%add3A_42] : memref<320000xi32, #tpu.memory_space<hbm>> -> memref<80xi32, #tpu.memory_space<hbm>>
        tpu.wait_dma2 semaphore(%arg12 : memref<!tpu.dma_semaphore, #tpu.memory_space<semaphore_mem>>) src(%dma_wait3A_55 : memref<80xi32, #tpu.memory_space<hbm>>) dst(%arg7 : memref<80xi32, #tpu.memory_space<vmem>>)
        %dma_wait3A_56 = arith.constant 0 : i32
        %dma_wait3A_57 = tpu.memref_slice %arg2[%add3A_42, %dma_wait3A_56] : memref<320000x16xf32, #tpu.memory_space<hbm>> -> memref<80x16xf32, #tpu.memory_space<hbm>>
        %dma_wait3A_58 = arith.constant 0 : i32
        %dma_wait3A_59 = tpu.memref_slice %arg2[%add3A_42, %dma_wait3A_58] : memref<320000x16xf32, #tpu.memory_space<hbm>> -> memref<80x16xf32, #tpu.memory_space<hbm>>
        tpu.wait_dma2 semaphore(%arg12 : memref<!tpu.dma_semaphore, #tpu.memory_space<semaphore_mem>>) src(%dma_wait3A_59 : memref<80x16xf32, #tpu.memory_space<hbm>>) dst(%arg9 : memref<80x16xf32, #tpu.memory_space<vmem>>)
        "tpu.region"() ({
          %run_scoped3A = tpu.sem_alloc : memref<!tpu.dma_semaphore, #tpu.memory_space<semaphore_mem>>
          %dma_start3A_60 = arith.constant 0 : i32
          %dma_start3A_61 = arith.constant 0 : i32
          %dma_start3A_62 = tpu.memref_slice %arg10[%dma_start3A_60, %dma_start3A_61] : memref<10000x16xf32, #tpu.memory_space<vmem_shared>> -> memref<10000x16xf32, #tpu.memory_space<vmem_shared>>
          tpu.enqueue_indirect_dma source(%arg9 : memref<80x16xf32, #tpu.memory_space<vmem>>) target(%dma_start3A_62 : memref<10000x16xf32, #tpu.memory_space<vmem_shared>>) offsets(%arg7 : memref<80xi32, #tpu.memory_space<vmem>>) semaphore(%run_scoped3A : memref<!tpu.dma_semaphore, #tpu.memory_space<semaphore_mem>>) {add = true}
          %dma_wait3A_63 = arith.constant 0 : i32
          %dma_wait3A_64 = arith.constant 0 : i32
          %dma_wait3A_65 = tpu.memref_slice %arg10[%dma_wait3A_63, %dma_wait3A_64] : memref<10000x16xf32, #tpu.memory_space<vmem_shared>> -> memref<10000x16xf32, #tpu.memory_space<vmem_shared>>
          tpu.wait_indirect_dma semaphore(%run_scoped3A : memref<!tpu.dma_semaphore, #tpu.memory_space<semaphore_mem>>) src(%arg9 : memref<80x16xf32, #tpu.memory_space<vmem>>) dst(%dma_wait3A_65 : memref<10000x16xf32, #tpu.memory_space<vmem_shared>>)
          tpu.yield
        }) : () -> ()
      }
      %scan3A_16 = arith.constant 125 : i32
      %barrier3A_17 = arith.constant 0 : index
      tpu.barrier barrier_id(%barrier3A_17)
      %lt3A_18 = arith.constant 15 : i32
      %lt3A_19 = arith.cmpi slt, %arg1, %lt3A_18 : i32
      %convert_element_type3A_20 = arith.extui %lt3A_19 : i1 to i32
      %cond3A_21 = arith.constant 0 : i32
      %cond3A_22 = arith.cmpi ne, %convert_element_type3A_20, %cond3A_21 : i32
      scf.if %cond3A_22 {
        %mul3A_28 = arith.constant 624 : i32
        %mul3A_29 = arith.muli %arg1, %mul3A_28 : i32
        %mul3A_30 = arith.constant 624 : i32
        %mul3A_31 = arith.muli %arg1, %mul3A_30 : i32
        "tpu.region"() ({
          %run_scoped3A = tpu.sem_alloc : memref<!tpu.dma_semaphore, #tpu.memory_space<semaphore_mem>>
          %dma_start3A = arith.constant 0 : i32
          %dma_start3A_32 = tpu.memref_slice %arg5[%mul3A_31, %dma_start3A] : memref<10000x16xf32, #tpu.memory_space<hbm>> -> memref<624x16xf32, #tpu.memory_space<hbm>>
          %dma_start3A_33 = arith.constant 0 : i32
          %dma_start3A_34 = tpu.memref_slice %arg10[%mul3A_29, %dma_start3A_33] : memref<10000x16xf32, #tpu.memory_space<vmem_shared>> -> memref<624x16xf32, #tpu.memory_space<vmem_shared>>
          tpu.enqueue_dma source(%dma_start3A_34 : memref<624x16xf32, #tpu.memory_space<vmem_shared>>) target(%dma_start3A_32 : memref<624x16xf32, #tpu.memory_space<hbm>>) target_semaphore(%run_scoped3A : memref<!tpu.dma_semaphore, #tpu.memory_space<semaphore_mem>>)
          %dma_wait3A = arith.constant 0 : i32
          %dma_wait3A_35 = tpu.memref_slice %arg5[%mul3A_31, %dma_wait3A] : memref<10000x16xf32, #tpu.memory_space<hbm>> -> memref<624x16xf32, #tpu.memory_space<hbm>>
          %dma_wait3A_36 = arith.constant 0 : i32
          %dma_wait3A_37 = tpu.memref_slice %arg10[%mul3A_29, %dma_wait3A_36] : memref<10000x16xf32, #tpu.memory_space<vmem_shared>> -> memref<624x16xf32, #tpu.memory_space<vmem_shared>>
          tpu.wait_dma2 semaphore(%run_scoped3A : memref<!tpu.dma_semaphore, #tpu.memory_space<semaphore_mem>>) src(%dma_wait3A_37 : memref<624x16xf32, #tpu.memory_space<vmem_shared>>) dst(%dma_wait3A_35 : memref<624x16xf32, #tpu.memory_space<hbm>>)
          tpu.yield
        }) : () -> ()
      } else {
      }
      %eq3A_23 = arith.constant 15 : i32
      %eq3A_24 = arith.cmpi eq, %arg1, %eq3A_23 : i32
      %convert_element_type3A_25 = arith.extui %eq3A_24 : i1 to i32
      %cond3A_26 = arith.constant 0 : i32
      %cond3A_27 = arith.cmpi ne, %convert_element_type3A_25, %cond3A_26 : i32
      scf.if %cond3A_27 {
        "tpu.region"() ({
          %run_scoped3A = tpu.sem_alloc : memref<!tpu.dma_semaphore, #tpu.memory_space<semaphore_mem>>
          %dma_start3A = arith.constant 9360 : i32
          %dma_start3A_28 = arith.constant 0 : i32
          %dma_start3A_29 = tpu.memref_slice %arg5[%dma_start3A, %dma_start3A_28] : memref<10000x16xf32, #tpu.memory_space<hbm>> -> memref<640x16xf32, #tpu.memory_space<hbm>>
          %dma_start3A_30 = arith.constant 9360 : i32
          %dma_start3A_31 = arith.constant 0 : i32
          %dma_start3A_32 = tpu.memref_slice %arg10[%dma_start3A_30, %dma_start3A_31] : memref<10000x16xf32, #tpu.memory_space<vmem_shared>> -> memref<640x16xf32, #tpu.memory_space<vmem_shared>>
          tpu.enqueue_dma source(%dma_start3A_32 : memref<640x16xf32, #tpu.memory_space<vmem_shared>>) target(%dma_start3A_29 : memref<640x16xf32, #tpu.memory_space<hbm>>) target_semaphore(%run_scoped3A : memref<!tpu.dma_semaphore, #tpu.memory_space<semaphore_mem>>)
          %dma_wait3A = arith.constant 9360 : i32
          %dma_wait3A_33 = arith.constant 0 : i32
          %dma_wait3A_34 = tpu.memref_slice %arg5[%dma_wait3A, %dma_wait3A_33] : memref<10000x16xf32, #tpu.memory_space<hbm>> -> memref<640x16xf32, #tpu.memory_space<hbm>>
          %dma_wait3A_35 = arith.constant 9360 : i32
          %dma_wait3A_36 = arith.constant 0 : i32
          %dma_wait3A_37 = tpu.memref_slice %arg10[%dma_wait3A_35, %dma_wait3A_36] : memref<10000x16xf32, #tpu.memory_space<vmem_shared>> -> memref<640x16xf32, #tpu.memory_space<vmem_shared>>
          tpu.wait_dma2 semaphore(%run_scoped3A : memref<!tpu.dma_semaphore, #tpu.memory_space<semaphore_mem>>) src(%dma_wait3A_37 : memref<640x16xf32, #tpu.memory_space<vmem_shared>>) dst(%dma_wait3A_34 : memref<640x16xf32, #tpu.memory_space<hbm>>)
          tpu.yield
        }) : () -> ()
      } else {
      }
    } else {
    }
    return
  }
}

#map = affine_map<(d0, d1) -> (0, 0)>
#map1 = affine_map<(d0, d1) -> (0)>
module attributes {stable_mosaic.version = 14 : i64} {
  func.func @gather_kernel(%arg0: i32, %arg1: i32, %arg2: memref<10000x16xf32, #tpu.memory_space<hbm>>, %arg3: memref<320000xi32, #tpu.memory_space<hbm>>, %arg4: memref<320000x16xf32, #tpu.memory_space<hbm>>, %arg5: memref<10000xi32, #tpu.memory_space<vmem>>, %arg6: memref<80x16xf32, #tpu.memory_space<vmem>>, %arg7: memref<80x16xf32, #tpu.memory_space<vmem>>, %arg8: memref<!tpu.dma_semaphore, #tpu.memory_space<semaphore_mem>>, %arg9: memref<!tpu.dma_semaphore, #tpu.memory_space<semaphore_mem>>, %arg10: memref<!tpu.dma_semaphore, #tpu.memory_space<semaphore_mem>>) attributes {dimension_semantics = [#tpu.dimension_semantics<core_parallel>, #tpu.dimension_semantics<subcore_parallel>], iteration_bounds = array<i64: 2, 16>, scalar_prefetch = 0 : i64, scratch_operands = 6 : i64, tpu.core_type = #tpu.core_type<sc_vector_subcore>, window_params = [{transform_indices = #map}, {transform_indices = #map1}, {transform_indices = #map}]} {
    %mul3A = arith.constant 2 : i32
    %mul3A_0 = arith.muli %arg1, %mul3A : i32
    %add3A = arith.addi %mul3A_0, %arg0 : i32
    %mul3A_1 = arith.constant 10000 : i32
    %mul3A_2 = arith.muli %add3A, %mul3A_1 : i32
    "tpu.region"() ({
      %run_scoped3A = tpu.sem_alloc : memref<!tpu.dma_semaphore, #tpu.memory_space<semaphore_mem>>
      %dma_start3A_26 = tpu.memref_slice %arg3[%mul3A_2] : memref<320000xi32, #tpu.memory_space<hbm>> -> memref<10000xi32, #tpu.memory_space<hbm>>
      %dma_start3A_27 = tpu.memref_slice %arg3[%mul3A_2] : memref<320000xi32, #tpu.memory_space<hbm>> -> memref<10000xi32, #tpu.memory_space<hbm>>
      tpu.enqueue_dma source(%dma_start3A_27 : memref<10000xi32, #tpu.memory_space<hbm>>) target(%arg5 : memref<10000xi32, #tpu.memory_space<vmem>>) target_semaphore(%run_scoped3A : memref<!tpu.dma_semaphore, #tpu.memory_space<semaphore_mem>>)
      %dma_wait3A_28 = tpu.memref_slice %arg3[%mul3A_2] : memref<320000xi32, #tpu.memory_space<hbm>> -> memref<10000xi32, #tpu.memory_space<hbm>>
      %dma_wait3A_29 = tpu.memref_slice %arg3[%mul3A_2] : memref<320000xi32, #tpu.memory_space<hbm>> -> memref<10000xi32, #tpu.memory_space<hbm>>
      tpu.wait_dma2 semaphore(%run_scoped3A : memref<!tpu.dma_semaphore, #tpu.memory_space<semaphore_mem>>) src(%dma_wait3A_29 : memref<10000xi32, #tpu.memory_space<hbm>>) dst(%arg5 : memref<10000xi32, #tpu.memory_space<vmem>>)
      tpu.yield
    }) : () -> ()
    %scan3A = arith.constant 0 : i32
    %scan3A_3 = arith.constant 0 : i32
    %scan3A_4 = arith.constant 62 : i32
    %scan3A_5 = arith.addi %scan3A_3, %scan3A_4 : i32
    %scan3A_6 = arith.constant 1 : i32
    scf.for %scan3A_26 = %scan3A_3 to %scan3A_5 step %scan3A_6  : i32 {
      %mul3A_27 = arith.constant 2 : i32
      %mul3A_28 = arith.muli %mul3A_27, %scan3A_26 : i32
      %mul3A_29 = arith.constant 80 : i32
      %mul3A_30 = arith.muli %mul3A_28, %mul3A_29 : i32
      %dma_start3A_31 = tpu.memref_slice %arg5[%mul3A_30] : memref<10000xi32, #tpu.memory_space<vmem>> -> memref<80xi32, #tpu.memory_space<vmem>>
      %dma_start3A_32 = arith.constant 0 : i32
      %dma_start3A_33 = arith.constant 0 : i32
      %dma_start3A_34 = tpu.memref_slice %arg2[%dma_start3A_32, %dma_start3A_33] : memref<10000x16xf32, #tpu.memory_space<hbm>> -> memref<10000x16xf32, #tpu.memory_space<hbm>>
      tpu.enqueue_indirect_dma source(%dma_start3A_34 : memref<10000x16xf32, #tpu.memory_space<hbm>>) target(%arg6 : memref<80x16xf32, #tpu.memory_space<vmem>>) offsets(%dma_start3A_31 : memref<80xi32, #tpu.memory_space<vmem>>) semaphore(%arg8 : memref<!tpu.dma_semaphore, #tpu.memory_space<semaphore_mem>>)
      %add3A_35 = arith.constant 1 : i32
      %add3A_36 = arith.addi %mul3A_28, %add3A_35 : i32
      %mul3A_37 = arith.constant 80 : i32
      %mul3A_38 = arith.muli %add3A_36, %mul3A_37 : i32
      %dma_start3A_39 = tpu.memref_slice %arg5[%mul3A_38] : memref<10000xi32, #tpu.memory_space<vmem>> -> memref<80xi32, #tpu.memory_space<vmem>>
      %dma_start3A_40 = arith.constant 0 : i32
      %dma_start3A_41 = arith.constant 0 : i32
      %dma_start3A_42 = tpu.memref_slice %arg2[%dma_start3A_40, %dma_start3A_41] : memref<10000x16xf32, #tpu.memory_space<hbm>> -> memref<10000x16xf32, #tpu.memory_space<hbm>>
      tpu.enqueue_indirect_dma source(%dma_start3A_42 : memref<10000x16xf32, #tpu.memory_space<hbm>>) target(%arg7 : memref<80x16xf32, #tpu.memory_space<vmem>>) offsets(%dma_start3A_39 : memref<80xi32, #tpu.memory_space<vmem>>) semaphore(%arg9 : memref<!tpu.dma_semaphore, #tpu.memory_space<semaphore_mem>>)
      %dma_wait3A_43 = tpu.memref_slice %arg5[%mul3A_30] : memref<10000xi32, #tpu.memory_space<vmem>> -> memref<80xi32, #tpu.memory_space<vmem>>
      %dma_wait3A_44 = arith.constant 0 : i32
      %dma_wait3A_45 = arith.constant 0 : i32
      %dma_wait3A_46 = tpu.memref_slice %arg2[%dma_wait3A_44, %dma_wait3A_45] : memref<10000x16xf32, #tpu.memory_space<hbm>> -> memref<10000x16xf32, #tpu.memory_space<hbm>>
      tpu.wait_indirect_dma semaphore(%arg8 : memref<!tpu.dma_semaphore, #tpu.memory_space<semaphore_mem>>) src(%dma_wait3A_46 : memref<10000x16xf32, #tpu.memory_space<hbm>>) dst(%arg6 : memref<80x16xf32, #tpu.memory_space<vmem>>)
      %mul3A_47 = arith.constant 80 : i32
      %mul3A_48 = arith.muli %mul3A_28, %mul3A_47 : i32
      %add3A_49 = arith.addi %mul3A_2, %mul3A_48 : i32
      %dma_start3A_50 = arith.constant 0 : i32
      %dma_start3A_51 = tpu.memref_slice %arg4[%add3A_49, %dma_start3A_50] : memref<320000x16xf32, #tpu.memory_space<hbm>> -> memref<80x16xf32, #tpu.memory_space<hbm>>
      %dma_start3A_52 = arith.constant 0 : i32
      %dma_start3A_53 = tpu.memref_slice %arg4[%add3A_49, %dma_start3A_52] : memref<320000x16xf32, #tpu.memory_space<hbm>> -> memref<80x16xf32, #tpu.memory_space<hbm>>
      tpu.enqueue_dma source(%arg6 : memref<80x16xf32, #tpu.memory_space<vmem>>) target(%dma_start3A_53 : memref<80x16xf32, #tpu.memory_space<hbm>>) target_semaphore(%arg10 : memref<!tpu.dma_semaphore, #tpu.memory_space<semaphore_mem>>)
      %dma_wait3A_54 = tpu.memref_slice %arg5[%mul3A_38] : memref<10000xi32, #tpu.memory_space<vmem>> -> memref<80xi32, #tpu.memory_space<vmem>>
      %dma_wait3A_55 = arith.constant 0 : i32
      %dma_wait3A_56 = arith.constant 0 : i32
      %dma_wait3A_57 = tpu.memref_slice %arg2[%dma_wait3A_55, %dma_wait3A_56] : memref<10000x16xf32, #tpu.memory_space<hbm>> -> memref<10000x16xf32, #tpu.memory_space<hbm>>
      tpu.wait_indirect_dma semaphore(%arg9 : memref<!tpu.dma_semaphore, #tpu.memory_space<semaphore_mem>>) src(%dma_wait3A_57 : memref<10000x16xf32, #tpu.memory_space<hbm>>) dst(%arg7 : memref<80x16xf32, #tpu.memory_space<vmem>>)
      %add3A_58 = arith.constant 1 : i32
      %add3A_59 = arith.addi %mul3A_28, %add3A_58 : i32
      %mul3A_60 = arith.constant 80 : i32
      %mul3A_61 = arith.muli %add3A_59, %mul3A_60 : i32
      %add3A_62 = arith.addi %mul3A_2, %mul3A_61 : i32
      %dma_start3A_63 = arith.constant 0 : i32
      %dma_start3A_64 = tpu.memref_slice %arg4[%add3A_62, %dma_start3A_63] : memref<320000x16xf32, #tpu.memory_space<hbm>> -> memref<80x16xf32, #tpu.memory_space<hbm>>
      %dma_start3A_65 = arith.constant 0 : i32
      %dma_start3A_66 = tpu.memref_slice %arg4[%add3A_62, %dma_start3A_65] : memref<320000x16xf32, #tpu.memory_space<hbm>> -> memref<80x16xf32, #tpu.memory_space<hbm>>
      tpu.enqueue_dma source(%arg7 : memref<80x16xf32, #tpu.memory_space<vmem>>) target(%dma_start3A_66 : memref<80x16xf32, #tpu.memory_space<hbm>>) target_semaphore(%arg10 : memref<!tpu.dma_semaphore, #tpu.memory_space<semaphore_mem>>)
      %dma_wait3A_67 = arith.constant 0 : i32
      %dma_wait3A_68 = tpu.memref_slice %arg4[%add3A_49, %dma_wait3A_67] : memref<320000x16xf32, #tpu.memory_space<hbm>> -> memref<80x16xf32, #tpu.memory_space<hbm>>
      %dma_wait3A_69 = arith.constant 0 : i32
      %dma_wait3A_70 = tpu.memref_slice %arg4[%add3A_49, %dma_wait3A_69] : memref<320000x16xf32, #tpu.memory_space<hbm>> -> memref<80x16xf32, #tpu.memory_space<hbm>>
      tpu.wait_dma2 semaphore(%arg10 : memref<!tpu.dma_semaphore, #tpu.memory_space<semaphore_mem>>) src(%arg6 : memref<80x16xf32, #tpu.memory_space<vmem>>) dst(%dma_wait3A_70 : memref<80x16xf32, #tpu.memory_space<hbm>>)
      %dma_wait3A_71 = arith.constant 0 : i32
      %dma_wait3A_72 = tpu.memref_slice %arg4[%add3A_62, %dma_wait3A_71] : memref<320000x16xf32, #tpu.memory_space<hbm>> -> memref<80x16xf32, #tpu.memory_space<hbm>>
      %dma_wait3A_73 = arith.constant 0 : i32
      %dma_wait3A_74 = tpu.memref_slice %arg4[%add3A_62, %dma_wait3A_73] : memref<320000x16xf32, #tpu.memory_space<hbm>> -> memref<80x16xf32, #tpu.memory_space<hbm>>
      tpu.wait_dma2 semaphore(%arg10 : memref<!tpu.dma_semaphore, #tpu.memory_space<semaphore_mem>>) src(%arg7 : memref<80x16xf32, #tpu.memory_space<vmem>>) dst(%dma_wait3A_74 : memref<80x16xf32, #tpu.memory_space<hbm>>)
    }
    %scan3A_7 = arith.constant 62 : i32
    %dma_start3A = arith.constant 9920 : i32
    %dma_start3A_8 = tpu.memref_slice %arg5[%dma_start3A] : memref<10000xi32, #tpu.memory_space<vmem>> -> memref<80xi32, #tpu.memory_space<vmem>>
    %dma_start3A_9 = arith.constant 0 : i32
    %dma_start3A_10 = arith.constant 0 : i32
    %dma_start3A_11 = tpu.memref_slice %arg2[%dma_start3A_9, %dma_start3A_10] : memref<10000x16xf32, #tpu.memory_space<hbm>> -> memref<10000x16xf32, #tpu.memory_space<hbm>>
    tpu.enqueue_indirect_dma source(%dma_start3A_11 : memref<10000x16xf32, #tpu.memory_space<hbm>>) target(%arg6 : memref<80x16xf32, #tpu.memory_space<vmem>>) offsets(%dma_start3A_8 : memref<80xi32, #tpu.memory_space<vmem>>) semaphore(%arg8 : memref<!tpu.dma_semaphore, #tpu.memory_space<semaphore_mem>>)
    %dma_wait3A = arith.constant 9920 : i32
    %dma_wait3A_12 = tpu.memref_slice %arg5[%dma_wait3A] : memref<10000xi32, #tpu.memory_space<vmem>> -> memref<80xi32, #tpu.memory_space<vmem>>
    %dma_wait3A_13 = arith.constant 0 : i32
    %dma_wait3A_14 = arith.constant 0 : i32
    %dma_wait3A_15 = tpu.memref_slice %arg2[%dma_wait3A_13, %dma_wait3A_14] : memref<10000x16xf32, #tpu.memory_space<hbm>> -> memref<10000x16xf32, #tpu.memory_space<hbm>>
    tpu.wait_indirect_dma semaphore(%arg8 : memref<!tpu.dma_semaphore, #tpu.memory_space<semaphore_mem>>) src(%dma_wait3A_15 : memref<10000x16xf32, #tpu.memory_space<hbm>>) dst(%arg6 : memref<80x16xf32, #tpu.memory_space<vmem>>)
    %add3A_16 = arith.constant 9920 : i32
    %add3A_17 = arith.addi %mul3A_2, %add3A_16 : i32
    %dma_start3A_18 = arith.constant 0 : i32
    %dma_start3A_19 = tpu.memref_slice %arg4[%add3A_17, %dma_start3A_18] : memref<320000x16xf32, #tpu.memory_space<hbm>> -> memref<80x16xf32, #tpu.memory_space<hbm>>
    %dma_start3A_20 = arith.constant 0 : i32
    %dma_start3A_21 = tpu.memref_slice %arg4[%add3A_17, %dma_start3A_20] : memref<320000x16xf32, #tpu.memory_space<hbm>> -> memref<80x16xf32, #tpu.memory_space<hbm>>
    tpu.enqueue_dma source(%arg6 : memref<80x16xf32, #tpu.memory_space<vmem>>) target(%dma_start3A_21 : memref<80x16xf32, #tpu.memory_space<hbm>>) target_semaphore(%arg10 : memref<!tpu.dma_semaphore, #tpu.memory_space<semaphore_mem>>)
    %dma_wait3A_22 = arith.constant 0 : i32
    %dma_wait3A_23 = tpu.memref_slice %arg4[%add3A_17, %dma_wait3A_22] : memref<320000x16xf32, #tpu.memory_space<hbm>> -> memref<80x16xf32, #tpu.memory_space<hbm>>
    %dma_wait3A_24 = arith.constant 0 : i32
    %dma_wait3A_25 = tpu.memref_slice %arg4[%add3A_17, %dma_wait3A_24] : memref<320000x16xf32, #tpu.memory_space<hbm>> -> memref<80x16xf32, #tpu.memory_space<hbm>>
    tpu.wait_dma2 semaphore(%arg10 : memref<!tpu.dma_semaphore, #tpu.memory_space<semaphore_mem>>) src(%arg6 : memref<80x16xf32, #tpu.memory_space<vmem>>) dst(%dma_wait3A_25 : memref<80x16xf32, #tpu.memory_space<hbm>>)
    return
  }
}

#map = affine_map<(d0, d1) -> (0, 0)>
#map1 = affine_map<(d0, d1) -> (0)>
module attributes {stable_mosaic.version = 14 : i64} {
  func.func @gather_kernel(%arg0: i32, %arg1: i32, %arg2: memref<10000x144xf32, #tpu.memory_space<hbm>>, %arg3: memref<320000xi32, #tpu.memory_space<hbm>>, %arg4: memref<320000xi32, #tpu.memory_space<hbm>>, %arg5: memref<320000x144xf32, #tpu.memory_space<hbm>>, %arg6: memref<320000x144xf32, #tpu.memory_space<hbm>>, %arg7: memref<10000xi32, #tpu.memory_space<vmem>>, %arg8: memref<10000xi32, #tpu.memory_space<vmem>>, %arg9: memref<80x144xf32, #tpu.memory_space<vmem>>, %arg10: memref<80x144xf32, #tpu.memory_space<vmem>>, %arg11: memref<80x144xf32, #tpu.memory_space<vmem>>, %arg12: memref<80x144xf32, #tpu.memory_space<vmem>>, %arg13: memref<!tpu.dma_semaphore, #tpu.memory_space<semaphore_mem>>, %arg14: memref<!tpu.dma_semaphore, #tpu.memory_space<semaphore_mem>>, %arg15: memref<!tpu.dma_semaphore, #tpu.memory_space<semaphore_mem>>) attributes {dimension_semantics = [#tpu.dimension_semantics<core_parallel>, #tpu.dimension_semantics<subcore_parallel>], iteration_bounds = array<i64: 2, 16>, scalar_prefetch = 0 : i64, scratch_operands = 9 : i64, tpu.core_type = #tpu.core_type<sc_vector_subcore>, window_params = [{transform_indices = #map}, {transform_indices = #map1}, {transform_indices = #map1}, {transform_indices = #map}, {transform_indices = #map}]} {
    %mul3A = arith.constant 2 : i32
    %mul3A_0 = arith.muli %arg1, %mul3A : i32
    %add3A = arith.addi %mul3A_0, %arg0 : i32
    %mul3A_1 = arith.constant 10000 : i32
    %mul3A_2 = arith.muli %add3A, %mul3A_1 : i32
    "tpu.region"() ({
      %run_scoped3A = tpu.sem_alloc : memref<!tpu.dma_semaphore, #tpu.memory_space<semaphore_mem>>
      %dma_start3A_44 = tpu.memref_slice %arg3[%mul3A_2] : memref<320000xi32, #tpu.memory_space<hbm>> -> memref<10000xi32, #tpu.memory_space<hbm>>
      %dma_start3A_45 = tpu.memref_slice %arg3[%mul3A_2] : memref<320000xi32, #tpu.memory_space<hbm>> -> memref<10000xi32, #tpu.memory_space<hbm>>
      tpu.enqueue_dma source(%dma_start3A_45 : memref<10000xi32, #tpu.memory_space<hbm>>) target(%arg7 : memref<10000xi32, #tpu.memory_space<vmem>>) target_semaphore(%run_scoped3A : memref<!tpu.dma_semaphore, #tpu.memory_space<semaphore_mem>>)
      %dma_wait3A_46 = tpu.memref_slice %arg3[%mul3A_2] : memref<320000xi32, #tpu.memory_space<hbm>> -> memref<10000xi32, #tpu.memory_space<hbm>>
      %dma_wait3A_47 = tpu.memref_slice %arg3[%mul3A_2] : memref<320000xi32, #tpu.memory_space<hbm>> -> memref<10000xi32, #tpu.memory_space<hbm>>
      tpu.wait_dma2 semaphore(%run_scoped3A : memref<!tpu.dma_semaphore, #tpu.memory_space<semaphore_mem>>) src(%dma_wait3A_47 : memref<10000xi32, #tpu.memory_space<hbm>>) dst(%arg7 : memref<10000xi32, #tpu.memory_space<vmem>>)
      tpu.yield
    }) : () -> ()
    "tpu.region"() ({
      %run_scoped3A = tpu.sem_alloc : memref<!tpu.dma_semaphore, #tpu.memory_space<semaphore_mem>>
      %dma_start3A_44 = tpu.memref_slice %arg4[%mul3A_2] : memref<320000xi32, #tpu.memory_space<hbm>> -> memref<10000xi32, #tpu.memory_space<hbm>>
      %dma_start3A_45 = tpu.memref_slice %arg4[%mul3A_2] : memref<320000xi32, #tpu.memory_space<hbm>> -> memref<10000xi32, #tpu.memory_space<hbm>>
      tpu.enqueue_dma source(%dma_start3A_45 : memref<10000xi32, #tpu.memory_space<hbm>>) target(%arg8 : memref<10000xi32, #tpu.memory_space<vmem>>) target_semaphore(%run_scoped3A : memref<!tpu.dma_semaphore, #tpu.memory_space<semaphore_mem>>)
      %dma_wait3A_46 = tpu.memref_slice %arg4[%mul3A_2] : memref<320000xi32, #tpu.memory_space<hbm>> -> memref<10000xi32, #tpu.memory_space<hbm>>
      %dma_wait3A_47 = tpu.memref_slice %arg4[%mul3A_2] : memref<320000xi32, #tpu.memory_space<hbm>> -> memref<10000xi32, #tpu.memory_space<hbm>>
      tpu.wait_dma2 semaphore(%run_scoped3A : memref<!tpu.dma_semaphore, #tpu.memory_space<semaphore_mem>>) src(%dma_wait3A_47 : memref<10000xi32, #tpu.memory_space<hbm>>) dst(%arg8 : memref<10000xi32, #tpu.memory_space<vmem>>)
      tpu.yield
    }) : () -> ()
    %scan3A = arith.constant 0 : i32
    %scan3A_3 = arith.constant 0 : i32
    %scan3A_4 = arith.constant 62 : i32
    %scan3A_5 = arith.addi %scan3A_3, %scan3A_4 : i32
    %scan3A_6 = arith.constant 1 : i32
    scf.for %scan3A_44 = %scan3A_3 to %scan3A_5 step %scan3A_6  : i32 {
      %mul3A_45 = arith.constant 2 : i32
      %mul3A_46 = arith.muli %mul3A_45, %scan3A_44 : i32
      %mul3A_47 = arith.constant 80 : i32
      %mul3A_48 = arith.muli %mul3A_46, %mul3A_47 : i32
      %dma_start3A_49 = tpu.memref_slice %arg7[%mul3A_48] : memref<10000xi32, #tpu.memory_space<vmem>> -> memref<80xi32, #tpu.memory_space<vmem>>
      %dma_start3A_50 = arith.constant 0 : i32
      %dma_start3A_51 = arith.constant 0 : i32
      %dma_start3A_52 = tpu.memref_slice %arg2[%dma_start3A_50, %dma_start3A_51] : memref<10000x144xf32, #tpu.memory_space<hbm>> -> memref<10000x144xf32, #tpu.memory_space<hbm>>
      tpu.enqueue_indirect_dma source(%dma_start3A_52 : memref<10000x144xf32, #tpu.memory_space<hbm>>) target(%arg9 : memref<80x144xf32, #tpu.memory_space<vmem>>) offsets(%dma_start3A_49 : memref<80xi32, #tpu.memory_space<vmem>>) semaphore(%arg13 : memref<!tpu.dma_semaphore, #tpu.memory_space<semaphore_mem>>)
      %dma_start3A_53 = tpu.memref_slice %arg8[%mul3A_48] : memref<10000xi32, #tpu.memory_space<vmem>> -> memref<80xi32, #tpu.memory_space<vmem>>
      %dma_start3A_54 = arith.constant 0 : i32
      %dma_start3A_55 = arith.constant 0 : i32
      %dma_start3A_56 = tpu.memref_slice %arg2[%dma_start3A_54, %dma_start3A_55] : memref<10000x144xf32, #tpu.memory_space<hbm>> -> memref<10000x144xf32, #tpu.memory_space<hbm>>
      tpu.enqueue_indirect_dma source(%dma_start3A_56 : memref<10000x144xf32, #tpu.memory_space<hbm>>) target(%arg10 : memref<80x144xf32, #tpu.memory_space<vmem>>) offsets(%dma_start3A_53 : memref<80xi32, #tpu.memory_space<vmem>>) semaphore(%arg13 : memref<!tpu.dma_semaphore, #tpu.memory_space<semaphore_mem>>)
      %add3A_57 = arith.constant 1 : i32
      %add3A_58 = arith.addi %mul3A_46, %add3A_57 : i32
      %mul3A_59 = arith.constant 80 : i32
      %mul3A_60 = arith.muli %add3A_58, %mul3A_59 : i32
      %dma_start3A_61 = tpu.memref_slice %arg7[%mul3A_60] : memref<10000xi32, #tpu.memory_space<vmem>> -> memref<80xi32, #tpu.memory_space<vmem>>
      %dma_start3A_62 = arith.constant 0 : i32
      %dma_start3A_63 = arith.constant 0 : i32
      %dma_start3A_64 = tpu.memref_slice %arg2[%dma_start3A_62, %dma_start3A_63] : memref<10000x144xf32, #tpu.memory_space<hbm>> -> memref<10000x144xf32, #tpu.memory_space<hbm>>
      tpu.enqueue_indirect_dma source(%dma_start3A_64 : memref<10000x144xf32, #tpu.memory_space<hbm>>) target(%arg11 : memref<80x144xf32, #tpu.memory_space<vmem>>) offsets(%dma_start3A_61 : memref<80xi32, #tpu.memory_space<vmem>>) semaphore(%arg14 : memref<!tpu.dma_semaphore, #tpu.memory_space<semaphore_mem>>)
      %dma_start3A_65 = tpu.memref_slice %arg8[%mul3A_60] : memref<10000xi32, #tpu.memory_space<vmem>> -> memref<80xi32, #tpu.memory_space<vmem>>
      %dma_start3A_66 = arith.constant 0 : i32
      %dma_start3A_67 = arith.constant 0 : i32
      %dma_start3A_68 = tpu.memref_slice %arg2[%dma_start3A_66, %dma_start3A_67] : memref<10000x144xf32, #tpu.memory_space<hbm>> -> memref<10000x144xf32, #tpu.memory_space<hbm>>
      tpu.enqueue_indirect_dma source(%dma_start3A_68 : memref<10000x144xf32, #tpu.memory_space<hbm>>) target(%arg12 : memref<80x144xf32, #tpu.memory_space<vmem>>) offsets(%dma_start3A_65 : memref<80xi32, #tpu.memory_space<vmem>>) semaphore(%arg14 : memref<!tpu.dma_semaphore, #tpu.memory_space<semaphore_mem>>)
      %dma_wait3A_69 = tpu.memref_slice %arg7[%mul3A_48] : memref<10000xi32, #tpu.memory_space<vmem>> -> memref<80xi32, #tpu.memory_space<vmem>>
      %dma_wait3A_70 = arith.constant 0 : i32
      %dma_wait3A_71 = arith.constant 0 : i32
      %dma_wait3A_72 = tpu.memref_slice %arg2[%dma_wait3A_70, %dma_wait3A_71] : memref<10000x144xf32, #tpu.memory_space<hbm>> -> memref<10000x144xf32, #tpu.memory_space<hbm>>
      tpu.wait_indirect_dma semaphore(%arg13 : memref<!tpu.dma_semaphore, #tpu.memory_space<semaphore_mem>>) src(%dma_wait3A_72 : memref<10000x144xf32, #tpu.memory_space<hbm>>) dst(%arg9 : memref<80x144xf32, #tpu.memory_space<vmem>>)
      %dma_wait3A_73 = tpu.memref_slice %arg8[%mul3A_48] : memref<10000xi32, #tpu.memory_space<vmem>> -> memref<80xi32, #tpu.memory_space<vmem>>
      %dma_wait3A_74 = arith.constant 0 : i32
      %dma_wait3A_75 = arith.constant 0 : i32
      %dma_wait3A_76 = tpu.memref_slice %arg2[%dma_wait3A_74, %dma_wait3A_75] : memref<10000x144xf32, #tpu.memory_space<hbm>> -> memref<10000x144xf32, #tpu.memory_space<hbm>>
      tpu.wait_indirect_dma semaphore(%arg13 : memref<!tpu.dma_semaphore, #tpu.memory_space<semaphore_mem>>) src(%dma_wait3A_76 : memref<10000x144xf32, #tpu.memory_space<hbm>>) dst(%arg10 : memref<80x144xf32, #tpu.memory_space<vmem>>)
      %mul3A_77 = arith.constant 80 : i32
      %mul3A_78 = arith.muli %mul3A_46, %mul3A_77 : i32
      %add3A_79 = arith.addi %mul3A_2, %mul3A_78 : i32
      %dma_start3A_80 = arith.constant 0 : i32
      %dma_start3A_81 = tpu.memref_slice %arg5[%add3A_79, %dma_start3A_80] : memref<320000x144xf32, #tpu.memory_space<hbm>> -> memref<80x144xf32, #tpu.memory_space<hbm>>
      %dma_start3A_82 = arith.constant 0 : i32
      %dma_start3A_83 = tpu.memref_slice %arg5[%add3A_79, %dma_start3A_82] : memref<320000x144xf32, #tpu.memory_space<hbm>> -> memref<80x144xf32, #tpu.memory_space<hbm>>
      tpu.enqueue_dma source(%arg9 : memref<80x144xf32, #tpu.memory_space<vmem>>) target(%dma_start3A_83 : memref<80x144xf32, #tpu.memory_space<hbm>>) target_semaphore(%arg15 : memref<!tpu.dma_semaphore, #tpu.memory_space<semaphore_mem>>)
      %dma_start3A_84 = arith.constant 0 : i32
      %dma_start3A_85 = tpu.memref_slice %arg6[%add3A_79, %dma_start3A_84] : memref<320000x144xf32, #tpu.memory_space<hbm>> -> memref<80x144xf32, #tpu.memory_space<hbm>>
      %dma_start3A_86 = arith.constant 0 : i32
      %dma_start3A_87 = tpu.memref_slice %arg6[%add3A_79, %dma_start3A_86] : memref<320000x144xf32, #tpu.memory_space<hbm>> -> memref<80x144xf32, #tpu.memory_space<hbm>>
      tpu.enqueue_dma source(%arg10 : memref<80x144xf32, #tpu.memory_space<vmem>>) target(%dma_start3A_87 : memref<80x144xf32, #tpu.memory_space<hbm>>) target_semaphore(%arg15 : memref<!tpu.dma_semaphore, #tpu.memory_space<semaphore_mem>>)
      %dma_wait3A_88 = tpu.memref_slice %arg7[%mul3A_60] : memref<10000xi32, #tpu.memory_space<vmem>> -> memref<80xi32, #tpu.memory_space<vmem>>
      %dma_wait3A_89 = arith.constant 0 : i32
      %dma_wait3A_90 = arith.constant 0 : i32
      %dma_wait3A_91 = tpu.memref_slice %arg2[%dma_wait3A_89, %dma_wait3A_90] : memref<10000x144xf32, #tpu.memory_space<hbm>> -> memref<10000x144xf32, #tpu.memory_space<hbm>>
      tpu.wait_indirect_dma semaphore(%arg14 : memref<!tpu.dma_semaphore, #tpu.memory_space<semaphore_mem>>) src(%dma_wait3A_91 : memref<10000x144xf32, #tpu.memory_space<hbm>>) dst(%arg11 : memref<80x144xf32, #tpu.memory_space<vmem>>)
      %dma_wait3A_92 = tpu.memref_slice %arg8[%mul3A_60] : memref<10000xi32, #tpu.memory_space<vmem>> -> memref<80xi32, #tpu.memory_space<vmem>>
      %dma_wait3A_93 = arith.constant 0 : i32
      %dma_wait3A_94 = arith.constant 0 : i32
      %dma_wait3A_95 = tpu.memref_slice %arg2[%dma_wait3A_93, %dma_wait3A_94] : memref<10000x144xf32, #tpu.memory_space<hbm>> -> memref<10000x144xf32, #tpu.memory_space<hbm>>
      tpu.wait_indirect_dma semaphore(%arg14 : memref<!tpu.dma_semaphore, #tpu.memory_space<semaphore_mem>>) src(%dma_wait3A_95 : memref<10000x144xf32, #tpu.memory_space<hbm>>) dst(%arg12 : memref<80x144xf32, #tpu.memory_space<vmem>>)
      %add3A_96 = arith.constant 1 : i32
      %add3A_97 = arith.addi %mul3A_46, %add3A_96 : i32
      %mul3A_98 = arith.constant 80 : i32
      %mul3A_99 = arith.muli %add3A_97, %mul3A_98 : i32
      %add3A_100 = arith.addi %mul3A_2, %mul3A_99 : i32
      %dma_start3A_101 = arith.constant 0 : i32
      %dma_start3A_102 = tpu.memref_slice %arg5[%add3A_100, %dma_start3A_101] : memref<320000x144xf32, #tpu.memory_space<hbm>> -> memref<80x144xf32, #tpu.memory_space<hbm>>
      %dma_start3A_103 = arith.constant 0 : i32
      %dma_start3A_104 = tpu.memref_slice %arg5[%add3A_100, %dma_start3A_103] : memref<320000x144xf32, #tpu.memory_space<hbm>> -> memref<80x144xf32, #tpu.memory_space<hbm>>
      tpu.enqueue_dma source(%arg11 : memref<80x144xf32, #tpu.memory_space<vmem>>) target(%dma_start3A_104 : memref<80x144xf32, #tpu.memory_space<hbm>>) target_semaphore(%arg15 : memref<!tpu.dma_semaphore, #tpu.memory_space<semaphore_mem>>)
      %dma_start3A_105 = arith.constant 0 : i32
      %dma_start3A_106 = tpu.memref_slice %arg6[%add3A_100, %dma_start3A_105] : memref<320000x144xf32, #tpu.memory_space<hbm>> -> memref<80x144xf32, #tpu.memory_space<hbm>>
      %dma_start3A_107 = arith.constant 0 : i32
      %dma_start3A_108 = tpu.memref_slice %arg6[%add3A_100, %dma_start3A_107] : memref<320000x144xf32, #tpu.memory_space<hbm>> -> memref<80x144xf32, #tpu.memory_space<hbm>>
      tpu.enqueue_dma source(%arg12 : memref<80x144xf32, #tpu.memory_space<vmem>>) target(%dma_start3A_108 : memref<80x144xf32, #tpu.memory_space<hbm>>) target_semaphore(%arg15 : memref<!tpu.dma_semaphore, #tpu.memory_space<semaphore_mem>>)
      %dma_wait3A_109 = arith.constant 0 : i32
      %dma_wait3A_110 = tpu.memref_slice %arg5[%add3A_79, %dma_wait3A_109] : memref<320000x144xf32, #tpu.memory_space<hbm>> -> memref<80x144xf32, #tpu.memory_space<hbm>>
      %dma_wait3A_111 = arith.constant 0 : i32
      %dma_wait3A_112 = tpu.memref_slice %arg5[%add3A_79, %dma_wait3A_111] : memref<320000x144xf32, #tpu.memory_space<hbm>> -> memref<80x144xf32, #tpu.memory_space<hbm>>
      tpu.wait_dma2 semaphore(%arg15 : memref<!tpu.dma_semaphore, #tpu.memory_space<semaphore_mem>>) src(%arg9 : memref<80x144xf32, #tpu.memory_space<vmem>>) dst(%dma_wait3A_112 : memref<80x144xf32, #tpu.memory_space<hbm>>)
      %dma_wait3A_113 = arith.constant 0 : i32
      %dma_wait3A_114 = tpu.memref_slice %arg6[%add3A_79, %dma_wait3A_113] : memref<320000x144xf32, #tpu.memory_space<hbm>> -> memref<80x144xf32, #tpu.memory_space<hbm>>
      %dma_wait3A_115 = arith.constant 0 : i32
      %dma_wait3A_116 = tpu.memref_slice %arg6[%add3A_79, %dma_wait3A_115] : memref<320000x144xf32, #tpu.memory_space<hbm>> -> memref<80x144xf32, #tpu.memory_space<hbm>>
      tpu.wait_dma2 semaphore(%arg15 : memref<!tpu.dma_semaphore, #tpu.memory_space<semaphore_mem>>) src(%arg10 : memref<80x144xf32, #tpu.memory_space<vmem>>) dst(%dma_wait3A_116 : memref<80x144xf32, #tpu.memory_space<hbm>>)
      %dma_wait3A_117 = arith.constant 0 : i32
      %dma_wait3A_118 = tpu.memref_slice %arg5[%add3A_100, %dma_wait3A_117] : memref<320000x144xf32, #tpu.memory_space<hbm>> -> memref<80x144xf32, #tpu.memory_space<hbm>>
      %dma_wait3A_119 = arith.constant 0 : i32
      %dma_wait3A_120 = tpu.memref_slice %arg5[%add3A_100, %dma_wait3A_119] : memref<320000x144xf32, #tpu.memory_space<hbm>> -> memref<80x144xf32, #tpu.memory_space<hbm>>
      tpu.wait_dma2 semaphore(%arg15 : memref<!tpu.dma_semaphore, #tpu.memory_space<semaphore_mem>>) src(%arg11 : memref<80x144xf32, #tpu.memory_space<vmem>>) dst(%dma_wait3A_120 : memref<80x144xf32, #tpu.memory_space<hbm>>)
      %dma_wait3A_121 = arith.constant 0 : i32
      %dma_wait3A_122 = tpu.memref_slice %arg6[%add3A_100, %dma_wait3A_121] : memref<320000x144xf32, #tpu.memory_space<hbm>> -> memref<80x144xf32, #tpu.memory_space<hbm>>
      %dma_wait3A_123 = arith.constant 0 : i32
      %dma_wait3A_124 = tpu.memref_slice %arg6[%add3A_100, %dma_wait3A_123] : memref<320000x144xf32, #tpu.memory_space<hbm>> -> memref<80x144xf32, #tpu.memory_space<hbm>>
      tpu.wait_dma2 semaphore(%arg15 : memref<!tpu.dma_semaphore, #tpu.memory_space<semaphore_mem>>) src(%arg12 : memref<80x144xf32, #tpu.memory_space<vmem>>) dst(%dma_wait3A_124 : memref<80x144xf32, #tpu.memory_space<hbm>>)
    }
    %scan3A_7 = arith.constant 62 : i32
    %dma_start3A = arith.constant 9920 : i32
    %dma_start3A_8 = tpu.memref_slice %arg7[%dma_start3A] : memref<10000xi32, #tpu.memory_space<vmem>> -> memref<80xi32, #tpu.memory_space<vmem>>
    %dma_start3A_9 = arith.constant 0 : i32
    %dma_start3A_10 = arith.constant 0 : i32
    %dma_start3A_11 = tpu.memref_slice %arg2[%dma_start3A_9, %dma_start3A_10] : memref<10000x144xf32, #tpu.memory_space<hbm>> -> memref<10000x144xf32, #tpu.memory_space<hbm>>
    tpu.enqueue_indirect_dma source(%dma_start3A_11 : memref<10000x144xf32, #tpu.memory_space<hbm>>) target(%arg9 : memref<80x144xf32, #tpu.memory_space<vmem>>) offsets(%dma_start3A_8 : memref<80xi32, #tpu.memory_space<vmem>>) semaphore(%arg13 : memref<!tpu.dma_semaphore, #tpu.memory_space<semaphore_mem>>)
    %dma_start3A_12 = arith.constant 9920 : i32
    %dma_start3A_13 = tpu.memref_slice %arg8[%dma_start3A_12] : memref<10000xi32, #tpu.memory_space<vmem>> -> memref<80xi32, #tpu.memory_space<vmem>>
    %dma_start3A_14 = arith.constant 0 : i32
    %dma_start3A_15 = arith.constant 0 : i32
    %dma_start3A_16 = tpu.memref_slice %arg2[%dma_start3A_14, %dma_start3A_15] : memref<10000x144xf32, #tpu.memory_space<hbm>> -> memref<10000x144xf32, #tpu.memory_space<hbm>>
    tpu.enqueue_indirect_dma source(%dma_start3A_16 : memref<10000x144xf32, #tpu.memory_space<hbm>>) target(%arg10 : memref<80x144xf32, #tpu.memory_space<vmem>>) offsets(%dma_start3A_13 : memref<80xi32, #tpu.memory_space<vmem>>) semaphore(%arg13 : memref<!tpu.dma_semaphore, #tpu.memory_space<semaphore_mem>>)
    %dma_wait3A = arith.constant 9920 : i32
    %dma_wait3A_17 = tpu.memref_slice %arg7[%dma_wait3A] : memref<10000xi32, #tpu.memory_space<vmem>> -> memref<80xi32, #tpu.memory_space<vmem>>
    %dma_wait3A_18 = arith.constant 0 : i32
    %dma_wait3A_19 = arith.constant 0 : i32
    %dma_wait3A_20 = tpu.memref_slice %arg2[%dma_wait3A_18, %dma_wait3A_19] : memref<10000x144xf32, #tpu.memory_space<hbm>> -> memref<10000x144xf32, #tpu.memory_space<hbm>>
    tpu.wait_indirect_dma semaphore(%arg13 : memref<!tpu.dma_semaphore, #tpu.memory_space<semaphore_mem>>) src(%dma_wait3A_20 : memref<10000x144xf32, #tpu.memory_space<hbm>>) dst(%arg9 : memref<80x144xf32, #tpu.memory_space<vmem>>)
    %dma_wait3A_21 = arith.constant 9920 : i32
    %dma_wait3A_22 = tpu.memref_slice %arg8[%dma_wait3A_21] : memref<10000xi32, #tpu.memory_space<vmem>> -> memref<80xi32, #tpu.memory_space<vmem>>
    %dma_wait3A_23 = arith.constant 0 : i32
    %dma_wait3A_24 = arith.constant 0 : i32
    %dma_wait3A_25 = tpu.memref_slice %arg2[%dma_wait3A_23, %dma_wait3A_24] : memref<10000x144xf32, #tpu.memory_space<hbm>> -> memref<10000x144xf32, #tpu.memory_space<hbm>>
    tpu.wait_indirect_dma semaphore(%arg13 : memref<!tpu.dma_semaphore, #tpu.memory_space<semaphore_mem>>) src(%dma_wait3A_25 : memref<10000x144xf32, #tpu.memory_space<hbm>>) dst(%arg10 : memref<80x144xf32, #tpu.memory_space<vmem>>)
    %add3A_26 = arith.constant 9920 : i32
    %add3A_27 = arith.addi %mul3A_2, %add3A_26 : i32
    %dma_start3A_28 = arith.constant 0 : i32
    %dma_start3A_29 = tpu.memref_slice %arg5[%add3A_27, %dma_start3A_28] : memref<320000x144xf32, #tpu.memory_space<hbm>> -> memref<80x144xf32, #tpu.memory_space<hbm>>
    %dma_start3A_30 = arith.constant 0 : i32
    %dma_start3A_31 = tpu.memref_slice %arg5[%add3A_27, %dma_start3A_30] : memref<320000x144xf32, #tpu.memory_space<hbm>> -> memref<80x144xf32, #tpu.memory_space<hbm>>
    tpu.enqueue_dma source(%arg9 : memref<80x144xf32, #tpu.memory_space<vmem>>) target(%dma_start3A_31 : memref<80x144xf32, #tpu.memory_space<hbm>>) target_semaphore(%arg15 : memref<!tpu.dma_semaphore, #tpu.memory_space<semaphore_mem>>)
    %dma_start3A_32 = arith.constant 0 : i32
    %dma_start3A_33 = tpu.memref_slice %arg6[%add3A_27, %dma_start3A_32] : memref<320000x144xf32, #tpu.memory_space<hbm>> -> memref<80x144xf32, #tpu.memory_space<hbm>>
    %dma_start3A_34 = arith.constant 0 : i32
    %dma_start3A_35 = tpu.memref_slice %arg6[%add3A_27, %dma_start3A_34] : memref<320000x144xf32, #tpu.memory_space<hbm>> -> memref<80x144xf32, #tpu.memory_space<hbm>>
    tpu.enqueue_dma source(%arg10 : memref<80x144xf32, #tpu.memory_space<vmem>>) target(%dma_start3A_35 : memref<80x144xf32, #tpu.memory_space<hbm>>) target_semaphore(%arg15 : memref<!tpu.dma_semaphore, #tpu.memory_space<semaphore_mem>>)
    %dma_wait3A_36 = arith.constant 0 : i32
    %dma_wait3A_37 = tpu.memref_slice %arg5[%add3A_27, %dma_wait3A_36] : memref<320000x144xf32, #tpu.memory_space<hbm>> -> memref<80x144xf32, #tpu.memory_space<hbm>>
    %dma_wait3A_38 = arith.constant 0 : i32
    %dma_wait3A_39 = tpu.memref_slice %arg5[%add3A_27, %dma_wait3A_38] : memref<320000x144xf32, #tpu.memory_space<hbm>> -> memref<80x144xf32, #tpu.memory_space<hbm>>
    tpu.wait_dma2 semaphore(%arg15 : memref<!tpu.dma_semaphore, #tpu.memory_space<semaphore_mem>>) src(%arg9 : memref<80x144xf32, #tpu.memory_space<vmem>>) dst(%dma_wait3A_39 : memref<80x144xf32, #tpu.memory_space<hbm>>)
    %dma_wait3A_40 = arith.constant 0 : i32
    %dma_wait3A_41 = tpu.memref_slice %arg6[%add3A_27, %dma_wait3A_40] : memref<320000x144xf32, #tpu.memory_space<hbm>> -> memref<80x144xf32, #tpu.memory_space<hbm>>
    %dma_wait3A_42 = arith.constant 0 : i32
    %dma_wait3A_43 = tpu.memref_slice %arg6[%add3A_27, %dma_wait3A_42] : memref<320000x144xf32, #tpu.memory_space<hbm>> -> memref<80x144xf32, #tpu.memory_space<hbm>>
    tpu.wait_dma2 semaphore(%arg15 : memref<!tpu.dma_semaphore, #tpu.memory_space<semaphore_mem>>) src(%arg10 : memref<80x144xf32, #tpu.memory_space<vmem>>) dst(%dma_wait3A_43 : memref<80x144xf32, #tpu.memory_space<hbm>>)
    return
  }
}

#map = affine_map<(d0, d1) -> (0, 0)>
#map1 = affine_map<(d0, d1) -> (0)>
#map2 = affine_map<(d0, d1) -> (0, 0, 0)>
module attributes {stable_mosaic.version = 14 : i64} {
  func.func @scatter_kernel(%arg0: i32, %arg1: i32, %arg2: memref<320000x144xf32, #tpu.memory_space<hbm>>, %arg3: memref<320000xi32, #tpu.memory_space<hbm>>, %arg4: memref<10000x144xf32, #tpu.memory_space<hbm>>, %arg5: memref<2x10000x144xf32, #tpu.memory_space<hbm>>, %arg6: memref<80xi32, #tpu.memory_space<vmem>>, %arg7: memref<80xi32, #tpu.memory_space<vmem>>, %arg8: memref<80x144xf32, #tpu.memory_space<vmem>>, %arg9: memref<80x144xf32, #tpu.memory_space<vmem>>, %arg10: memref<10000x144xf32, #tpu.memory_space<vmem_shared>>, %arg11: memref<!tpu.dma_semaphore, #tpu.memory_space<semaphore_mem>>, %arg12: memref<!tpu.dma_semaphore, #tpu.memory_space<semaphore_mem>>) attributes {dimension_semantics = [#tpu.dimension_semantics<core_parallel>, #tpu.dimension_semantics<subcore_parallel>], iteration_bounds = array<i64: 2, 16>, scalar_prefetch = 0 : i64, scratch_operands = 7 : i64, tpu.core_type = #tpu.core_type<sc_vector_subcore>, window_params = [{transform_indices = #map}, {transform_indices = #map1}, {transform_indices = #map}, {transform_indices = #map2}]} {
    %mul3A = arith.constant 2 : i32
    %mul3A_0 = arith.muli %arg1, %mul3A : i32
    %add3A = arith.addi %mul3A_0, %arg0 : i32
    %mul3A_1 = arith.constant 10000 : i32
    %mul3A_2 = arith.muli %add3A, %mul3A_1 : i32
    %lt3A = arith.constant 15 : i32
    %lt3A_3 = arith.cmpi slt, %arg1, %lt3A : i32
    %convert_element_type3A = arith.extui %lt3A_3 : i1 to i32
    %cond3A = arith.constant 0 : i32
    %cond3A_4 = arith.cmpi ne, %convert_element_type3A, %cond3A : i32
    scf.if %cond3A_4 {
      %mul3A_37 = arith.constant 624 : i32
      %mul3A_38 = arith.muli %arg1, %mul3A_37 : i32
      %mul3A_39 = arith.constant 624 : i32
      %mul3A_40 = arith.muli %arg1, %mul3A_39 : i32
      "tpu.region"() ({
        %run_scoped3A = tpu.sem_alloc : memref<!tpu.dma_semaphore, #tpu.memory_space<semaphore_mem>>
        %dma_start3A_41 = arith.constant 0 : i32
        %dma_start3A_42 = tpu.memref_slice %arg10[%mul3A_40, %dma_start3A_41] : memref<10000x144xf32, #tpu.memory_space<vmem_shared>> -> memref<624x144xf32, #tpu.memory_space<vmem_shared>>
        %dma_start3A_43 = arith.constant 0 : i32
        %dma_start3A_44 = tpu.memref_slice %arg4[%mul3A_38, %dma_start3A_43] : memref<10000x144xf32, #tpu.memory_space<hbm>> -> memref<624x144xf32, #tpu.memory_space<hbm>>
        tpu.enqueue_dma source(%dma_start3A_44 : memref<624x144xf32, #tpu.memory_space<hbm>>) target(%dma_start3A_42 : memref<624x144xf32, #tpu.memory_space<vmem_shared>>) target_semaphore(%run_scoped3A : memref<!tpu.dma_semaphore, #tpu.memory_space<semaphore_mem>>)
        %dma_wait3A_45 = arith.constant 0 : i32
        %dma_wait3A_46 = tpu.memref_slice %arg10[%mul3A_40, %dma_wait3A_45] : memref<10000x144xf32, #tpu.memory_space<vmem_shared>> -> memref<624x144xf32, #tpu.memory_space<vmem_shared>>
        %dma_wait3A_47 = arith.constant 0 : i32
        %dma_wait3A_48 = tpu.memref_slice %arg4[%mul3A_38, %dma_wait3A_47] : memref<10000x144xf32, #tpu.memory_space<hbm>> -> memref<624x144xf32, #tpu.memory_space<hbm>>
        tpu.wait_dma2 semaphore(%run_scoped3A : memref<!tpu.dma_semaphore, #tpu.memory_space<semaphore_mem>>) src(%dma_wait3A_48 : memref<624x144xf32, #tpu.memory_space<hbm>>) dst(%dma_wait3A_46 : memref<624x144xf32, #tpu.memory_space<vmem_shared>>)
        tpu.yield
      }) : () -> ()
    } else {
    }
    %eq3A = arith.constant 15 : i32
    %eq3A_5 = arith.cmpi eq, %arg1, %eq3A : i32
    %convert_element_type3A_6 = arith.extui %eq3A_5 : i1 to i32
    %cond3A_7 = arith.constant 0 : i32
    %cond3A_8 = arith.cmpi ne, %convert_element_type3A_6, %cond3A_7 : i32
    scf.if %cond3A_8 {
      "tpu.region"() ({
        %run_scoped3A = tpu.sem_alloc : memref<!tpu.dma_semaphore, #tpu.memory_space<semaphore_mem>>
        %dma_start3A_37 = arith.constant 9360 : i32
        %dma_start3A_38 = arith.constant 0 : i32
        %dma_start3A_39 = tpu.memref_slice %arg10[%dma_start3A_37, %dma_start3A_38] : memref<10000x144xf32, #tpu.memory_space<vmem_shared>> -> memref<640x144xf32, #tpu.memory_space<vmem_shared>>
        %dma_start3A_40 = arith.constant 9360 : i32
        %dma_start3A_41 = arith.constant 0 : i32
        %dma_start3A_42 = tpu.memref_slice %arg4[%dma_start3A_40, %dma_start3A_41] : memref<10000x144xf32, #tpu.memory_space<hbm>> -> memref<640x144xf32, #tpu.memory_space<hbm>>
        tpu.enqueue_dma source(%dma_start3A_42 : memref<640x144xf32, #tpu.memory_space<hbm>>) target(%dma_start3A_39 : memref<640x144xf32, #tpu.memory_space<vmem_shared>>) target_semaphore(%run_scoped3A : memref<!tpu.dma_semaphore, #tpu.memory_space<semaphore_mem>>)
        %dma_wait3A_43 = arith.constant 9360 : i32
        %dma_wait3A_44 = arith.constant 0 : i32
        %dma_wait3A_45 = tpu.memref_slice %arg10[%dma_wait3A_43, %dma_wait3A_44] : memref<10000x144xf32, #tpu.memory_space<vmem_shared>> -> memref<640x144xf32, #tpu.memory_space<vmem_shared>>
        %dma_wait3A_46 = arith.constant 9360 : i32
        %dma_wait3A_47 = arith.constant 0 : i32
        %dma_wait3A_48 = tpu.memref_slice %arg4[%dma_wait3A_46, %dma_wait3A_47] : memref<10000x144xf32, #tpu.memory_space<hbm>> -> memref<640x144xf32, #tpu.memory_space<hbm>>
        tpu.wait_dma2 semaphore(%run_scoped3A : memref<!tpu.dma_semaphore, #tpu.memory_space<semaphore_mem>>) src(%dma_wait3A_48 : memref<640x144xf32, #tpu.memory_space<hbm>>) dst(%dma_wait3A_45 : memref<640x144xf32, #tpu.memory_space<vmem_shared>>)
        tpu.yield
      }) : () -> ()
    } else {
    }
    %barrier3A = arith.constant 0 : index
    tpu.barrier barrier_id(%barrier3A)
    %scan3A = arith.constant 0 : i32
    %scan3A_9 = arith.constant 0 : i32
    %scan3A_10 = arith.constant 62 : i32
    %scan3A_11 = arith.addi %scan3A_9, %scan3A_10 : i32
    %scan3A_12 = arith.constant 1 : i32
    scf.for %scan3A_37 = %scan3A_9 to %scan3A_11 step %scan3A_12  : i32 {
      %mul3A_38 = arith.constant 2 : i32
      %mul3A_39 = arith.muli %mul3A_38, %scan3A_37 : i32
      %mul3A_40 = arith.constant 80 : i32
      %mul3A_41 = arith.muli %mul3A_39, %mul3A_40 : i32
      %add3A_42 = arith.addi %mul3A_2, %mul3A_41 : i32
      %dma_start3A_43 = tpu.memref_slice %arg3[%add3A_42] : memref<320000xi32, #tpu.memory_space<hbm>> -> memref<80xi32, #tpu.memory_space<hbm>>
      %dma_start3A_44 = tpu.memref_slice %arg3[%add3A_42] : memref<320000xi32, #tpu.memory_space<hbm>> -> memref<80xi32, #tpu.memory_space<hbm>>
      tpu.enqueue_dma source(%dma_start3A_44 : memref<80xi32, #tpu.memory_space<hbm>>) target(%arg6 : memref<80xi32, #tpu.memory_space<vmem>>) target_semaphore(%arg11 : memref<!tpu.dma_semaphore, #tpu.memory_space<semaphore_mem>>)
      %dma_start3A_45 = arith.constant 0 : i32
      %dma_start3A_46 = tpu.memref_slice %arg2[%add3A_42, %dma_start3A_45] : memref<320000x144xf32, #tpu.memory_space<hbm>> -> memref<80x144xf32, #tpu.memory_space<hbm>>
      %dma_start3A_47 = arith.constant 0 : i32
      %dma_start3A_48 = tpu.memref_slice %arg2[%add3A_42, %dma_start3A_47] : memref<320000x144xf32, #tpu.memory_space<hbm>> -> memref<80x144xf32, #tpu.memory_space<hbm>>
      tpu.enqueue_dma source(%dma_start3A_48 : memref<80x144xf32, #tpu.memory_space<hbm>>) target(%arg8 : memref<80x144xf32, #tpu.memory_space<vmem>>) target_semaphore(%arg11 : memref<!tpu.dma_semaphore, #tpu.memory_space<semaphore_mem>>)
      %add3A_49 = arith.constant 1 : i32
      %add3A_50 = arith.addi %mul3A_39, %add3A_49 : i32
      %mul3A_51 = arith.constant 80 : i32
      %mul3A_52 = arith.muli %add3A_50, %mul3A_51 : i32
      %add3A_53 = arith.addi %mul3A_2, %mul3A_52 : i32
      %dma_start3A_54 = tpu.memref_slice %arg3[%add3A_53] : memref<320000xi32, #tpu.memory_space<hbm>> -> memref<80xi32, #tpu.memory_space<hbm>>
      %dma_start3A_55 = tpu.memref_slice %arg3[%add3A_53] : memref<320000xi32, #tpu.memory_space<hbm>> -> memref<80xi32, #tpu.memory_space<hbm>>
      tpu.enqueue_dma source(%dma_start3A_55 : memref<80xi32, #tpu.memory_space<hbm>>) target(%arg7 : memref<80xi32, #tpu.memory_space<vmem>>) target_semaphore(%arg12 : memref<!tpu.dma_semaphore, #tpu.memory_space<semaphore_mem>>)
      %dma_start3A_56 = arith.constant 0 : i32
      %dma_start3A_57 = tpu.memref_slice %arg2[%add3A_53, %dma_start3A_56] : memref<320000x144xf32, #tpu.memory_space<hbm>> -> memref<80x144xf32, #tpu.memory_space<hbm>>
      %dma_start3A_58 = arith.constant 0 : i32
      %dma_start3A_59 = tpu.memref_slice %arg2[%add3A_53, %dma_start3A_58] : memref<320000x144xf32, #tpu.memory_space<hbm>> -> memref<80x144xf32, #tpu.memory_space<hbm>>
      tpu.enqueue_dma source(%dma_start3A_59 : memref<80x144xf32, #tpu.memory_space<hbm>>) target(%arg9 : memref<80x144xf32, #tpu.memory_space<vmem>>) target_semaphore(%arg12 : memref<!tpu.dma_semaphore, #tpu.memory_space<semaphore_mem>>)
      %dma_wait3A_60 = tpu.memref_slice %arg3[%add3A_42] : memref<320000xi32, #tpu.memory_space<hbm>> -> memref<80xi32, #tpu.memory_space<hbm>>
      %dma_wait3A_61 = tpu.memref_slice %arg3[%add3A_42] : memref<320000xi32, #tpu.memory_space<hbm>> -> memref<80xi32, #tpu.memory_space<hbm>>
      tpu.wait_dma2 semaphore(%arg11 : memref<!tpu.dma_semaphore, #tpu.memory_space<semaphore_mem>>) src(%dma_wait3A_61 : memref<80xi32, #tpu.memory_space<hbm>>) dst(%arg6 : memref<80xi32, #tpu.memory_space<vmem>>)
      %dma_wait3A_62 = arith.constant 0 : i32
      %dma_wait3A_63 = tpu.memref_slice %arg2[%add3A_42, %dma_wait3A_62] : memref<320000x144xf32, #tpu.memory_space<hbm>> -> memref<80x144xf32, #tpu.memory_space<hbm>>
      %dma_wait3A_64 = arith.constant 0 : i32
      %dma_wait3A_65 = tpu.memref_slice %arg2[%add3A_42, %dma_wait3A_64] : memref<320000x144xf32, #tpu.memory_space<hbm>> -> memref<80x144xf32, #tpu.memory_space<hbm>>
      tpu.wait_dma2 semaphore(%arg11 : memref<!tpu.dma_semaphore, #tpu.memory_space<semaphore_mem>>) src(%dma_wait3A_65 : memref<80x144xf32, #tpu.memory_space<hbm>>) dst(%arg8 : memref<80x144xf32, #tpu.memory_space<vmem>>)
      "tpu.region"() ({
        %run_scoped3A = tpu.sem_alloc : memref<!tpu.dma_semaphore, #tpu.memory_space<semaphore_mem>>
        %dma_start3A_72 = arith.constant 0 : i32
        %dma_start3A_73 = arith.constant 0 : i32
        %dma_start3A_74 = tpu.memref_slice %arg10[%dma_start3A_72, %dma_start3A_73] : memref<10000x144xf32, #tpu.memory_space<vmem_shared>> -> memref<10000x144xf32, #tpu.memory_space<vmem_shared>>
        tpu.enqueue_indirect_dma source(%arg8 : memref<80x144xf32, #tpu.memory_space<vmem>>) target(%dma_start3A_74 : memref<10000x144xf32, #tpu.memory_space<vmem_shared>>) offsets(%arg6 : memref<80xi32, #tpu.memory_space<vmem>>) semaphore(%run_scoped3A : memref<!tpu.dma_semaphore, #tpu.memory_space<semaphore_mem>>) {add = true}
        %dma_wait3A_75 = arith.constant 0 : i32
        %dma_wait3A_76 = arith.constant 0 : i32
        %dma_wait3A_77 = tpu.memref_slice %arg10[%dma_wait3A_75, %dma_wait3A_76] : memref<10000x144xf32, #tpu.memory_space<vmem_shared>> -> memref<10000x144xf32, #tpu.memory_space<vmem_shared>>
        tpu.wait_indirect_dma semaphore(%run_scoped3A : memref<!tpu.dma_semaphore, #tpu.memory_space<semaphore_mem>>) src(%arg8 : memref<80x144xf32, #tpu.memory_space<vmem>>) dst(%dma_wait3A_77 : memref<10000x144xf32, #tpu.memory_space<vmem_shared>>)
        tpu.yield
      }) : () -> ()
      %dma_wait3A_66 = tpu.memref_slice %arg3[%add3A_53] : memref<320000xi32, #tpu.memory_space<hbm>> -> memref<80xi32, #tpu.memory_space<hbm>>
      %dma_wait3A_67 = tpu.memref_slice %arg3[%add3A_53] : memref<320000xi32, #tpu.memory_space<hbm>> -> memref<80xi32, #tpu.memory_space<hbm>>
      tpu.wait_dma2 semaphore(%arg12 : memref<!tpu.dma_semaphore, #tpu.memory_space<semaphore_mem>>) src(%dma_wait3A_67 : memref<80xi32, #tpu.memory_space<hbm>>) dst(%arg7 : memref<80xi32, #tpu.memory_space<vmem>>)
      %dma_wait3A_68 = arith.constant 0 : i32
      %dma_wait3A_69 = tpu.memref_slice %arg2[%add3A_53, %dma_wait3A_68] : memref<320000x144xf32, #tpu.memory_space<hbm>> -> memref<80x144xf32, #tpu.memory_space<hbm>>
      %dma_wait3A_70 = arith.constant 0 : i32
      %dma_wait3A_71 = tpu.memref_slice %arg2[%add3A_53, %dma_wait3A_70] : memref<320000x144xf32, #tpu.memory_space<hbm>> -> memref<80x144xf32, #tpu.memory_space<hbm>>
      tpu.wait_dma2 semaphore(%arg12 : memref<!tpu.dma_semaphore, #tpu.memory_space<semaphore_mem>>) src(%dma_wait3A_71 : memref<80x144xf32, #tpu.memory_space<hbm>>) dst(%arg9 : memref<80x144xf32, #tpu.memory_space<vmem>>)
      "tpu.region"() ({
        %run_scoped3A = tpu.sem_alloc : memref<!tpu.dma_semaphore, #tpu.memory_space<semaphore_mem>>
        %dma_start3A_72 = arith.constant 0 : i32
        %dma_start3A_73 = arith.constant 0 : i32
        %dma_start3A_74 = tpu.memref_slice %arg10[%dma_start3A_72, %dma_start3A_73] : memref<10000x144xf32, #tpu.memory_space<vmem_shared>> -> memref<10000x144xf32, #tpu.memory_space<vmem_shared>>
        tpu.enqueue_indirect_dma source(%arg9 : memref<80x144xf32, #tpu.memory_space<vmem>>) target(%dma_start3A_74 : memref<10000x144xf32, #tpu.memory_space<vmem_shared>>) offsets(%arg7 : memref<80xi32, #tpu.memory_space<vmem>>) semaphore(%run_scoped3A : memref<!tpu.dma_semaphore, #tpu.memory_space<semaphore_mem>>) {add = true}
        %dma_wait3A_75 = arith.constant 0 : i32
        %dma_wait3A_76 = arith.constant 0 : i32
        %dma_wait3A_77 = tpu.memref_slice %arg10[%dma_wait3A_75, %dma_wait3A_76] : memref<10000x144xf32, #tpu.memory_space<vmem_shared>> -> memref<10000x144xf32, #tpu.memory_space<vmem_shared>>
        tpu.wait_indirect_dma semaphore(%run_scoped3A : memref<!tpu.dma_semaphore, #tpu.memory_space<semaphore_mem>>) src(%arg9 : memref<80x144xf32, #tpu.memory_space<vmem>>) dst(%dma_wait3A_77 : memref<10000x144xf32, #tpu.memory_space<vmem_shared>>)
        tpu.yield
      }) : () -> ()
    }
    %scan3A_13 = arith.constant 62 : i32
    %add3A_14 = arith.constant 9920 : i32
    %add3A_15 = arith.addi %mul3A_2, %add3A_14 : i32
    %dma_start3A = tpu.memref_slice %arg3[%add3A_15] : memref<320000xi32, #tpu.memory_space<hbm>> -> memref<80xi32, #tpu.memory_space<hbm>>
    %dma_start3A_16 = tpu.memref_slice %arg3[%add3A_15] : memref<320000xi32, #tpu.memory_space<hbm>> -> memref<80xi32, #tpu.memory_space<hbm>>
    tpu.enqueue_dma source(%dma_start3A_16 : memref<80xi32, #tpu.memory_space<hbm>>) target(%arg6 : memref<80xi32, #tpu.memory_space<vmem>>) target_semaphore(%arg11 : memref<!tpu.dma_semaphore, #tpu.memory_space<semaphore_mem>>)
    %dma_start3A_17 = arith.constant 0 : i32
    %dma_start3A_18 = tpu.memref_slice %arg2[%add3A_15, %dma_start3A_17] : memref<320000x144xf32, #tpu.memory_space<hbm>> -> memref<80x144xf32, #tpu.memory_space<hbm>>
    %dma_start3A_19 = arith.constant 0 : i32
    %dma_start3A_20 = tpu.memref_slice %arg2[%add3A_15, %dma_start3A_19] : memref<320000x144xf32, #tpu.memory_space<hbm>> -> memref<80x144xf32, #tpu.memory_space<hbm>>
    tpu.enqueue_dma source(%dma_start3A_20 : memref<80x144xf32, #tpu.memory_space<hbm>>) target(%arg8 : memref<80x144xf32, #tpu.memory_space<vmem>>) target_semaphore(%arg11 : memref<!tpu.dma_semaphore, #tpu.memory_space<semaphore_mem>>)
    %dma_wait3A = tpu.memref_slice %arg3[%add3A_15] : memref<320000xi32, #tpu.memory_space<hbm>> -> memref<80xi32, #tpu.memory_space<hbm>>
    %dma_wait3A_21 = tpu.memref_slice %arg3[%add3A_15] : memref<320000xi32, #tpu.memory_space<hbm>> -> memref<80xi32, #tpu.memory_space<hbm>>
    tpu.wait_dma2 semaphore(%arg11 : memref<!tpu.dma_semaphore, #tpu.memory_space<semaphore_mem>>) src(%dma_wait3A_21 : memref<80xi32, #tpu.memory_space<hbm>>) dst(%arg6 : memref<80xi32, #tpu.memory_space<vmem>>)
    %dma_wait3A_22 = arith.constant 0 : i32
    %dma_wait3A_23 = tpu.memref_slice %arg2[%add3A_15, %dma_wait3A_22] : memref<320000x144xf32, #tpu.memory_space<hbm>> -> memref<80x144xf32, #tpu.memory_space<hbm>>
    %dma_wait3A_24 = arith.constant 0 : i32
    %dma_wait3A_25 = tpu.memref_slice %arg2[%add3A_15, %dma_wait3A_24] : memref<320000x144xf32, #tpu.memory_space<hbm>> -> memref<80x144xf32, #tpu.memory_space<hbm>>
    tpu.wait_dma2 semaphore(%arg11 : memref<!tpu.dma_semaphore, #tpu.memory_space<semaphore_mem>>) src(%dma_wait3A_25 : memref<80x144xf32, #tpu.memory_space<hbm>>) dst(%arg8 : memref<80x144xf32, #tpu.memory_space<vmem>>)
    "tpu.region"() ({
      %run_scoped3A = tpu.sem_alloc : memref<!tpu.dma_semaphore, #tpu.memory_space<semaphore_mem>>
      %dma_start3A_37 = arith.constant 0 : i32
      %dma_start3A_38 = arith.constant 0 : i32
      %dma_start3A_39 = tpu.memref_slice %arg10[%dma_start3A_37, %dma_start3A_38] : memref<10000x144xf32, #tpu.memory_space<vmem_shared>> -> memref<10000x144xf32, #tpu.memory_space<vmem_shared>>
      tpu.enqueue_indirect_dma source(%arg8 : memref<80x144xf32, #tpu.memory_space<vmem>>) target(%dma_start3A_39 : memref<10000x144xf32, #tpu.memory_space<vmem_shared>>) offsets(%arg6 : memref<80xi32, #tpu.memory_space<vmem>>) semaphore(%run_scoped3A : memref<!tpu.dma_semaphore, #tpu.memory_space<semaphore_mem>>) {add = true}
      %dma_wait3A_40 = arith.constant 0 : i32
      %dma_wait3A_41 = arith.constant 0 : i32
      %dma_wait3A_42 = tpu.memref_slice %arg10[%dma_wait3A_40, %dma_wait3A_41] : memref<10000x144xf32, #tpu.memory_space<vmem_shared>> -> memref<10000x144xf32, #tpu.memory_space<vmem_shared>>
      tpu.wait_indirect_dma semaphore(%run_scoped3A : memref<!tpu.dma_semaphore, #tpu.memory_space<semaphore_mem>>) src(%arg8 : memref<80x144xf32, #tpu.memory_space<vmem>>) dst(%dma_wait3A_42 : memref<10000x144xf32, #tpu.memory_space<vmem_shared>>)
      tpu.yield
    }) : () -> ()
    %barrier3A_26 = arith.constant 0 : index
    tpu.barrier barrier_id(%barrier3A_26)
    %lt3A_27 = arith.constant 15 : i32
    %lt3A_28 = arith.cmpi slt, %arg1, %lt3A_27 : i32
    %convert_element_type3A_29 = arith.extui %lt3A_28 : i1 to i32
    %cond3A_30 = arith.constant 0 : i32
    %cond3A_31 = arith.cmpi ne, %convert_element_type3A_29, %cond3A_30 : i32
    scf.if %cond3A_31 {
      %mul3A_37 = arith.constant 624 : i32
      %mul3A_38 = arith.muli %arg1, %mul3A_37 : i32
      %mul3A_39 = arith.constant 624 : i32
      %mul3A_40 = arith.muli %arg1, %mul3A_39 : i32
      "tpu.region"() ({
        %run_scoped3A = tpu.sem_alloc : memref<!tpu.dma_semaphore, #tpu.memory_space<semaphore_mem>>
        %dma_start3A_41 = arith.constant 0 : i32
        %dma_start3A_42 = tpu.memref_slice %arg5[%arg0, %mul3A_40, %dma_start3A_41] : memref<2x10000x144xf32, #tpu.memory_space<hbm>> -> memref<1x624x144xf32, #tpu.memory_space<hbm>>
        %dma_start3A_43 = tpu.memref_squeeze %dma_start3A_42 : memref<1x624x144xf32, #tpu.memory_space<hbm>> -> memref<624x144xf32, #tpu.memory_space<hbm>>
        %dma_start3A_44 = arith.constant 0 : i32
        %dma_start3A_45 = tpu.memref_slice %arg10[%mul3A_38, %dma_start3A_44] : memref<10000x144xf32, #tpu.memory_space<vmem_shared>> -> memref<624x144xf32, #tpu.memory_space<vmem_shared>>
        tpu.enqueue_dma source(%dma_start3A_45 : memref<624x144xf32, #tpu.memory_space<vmem_shared>>) target(%dma_start3A_43 : memref<624x144xf32, #tpu.memory_space<hbm>>) target_semaphore(%run_scoped3A : memref<!tpu.dma_semaphore, #tpu.memory_space<semaphore_mem>>)
        %dma_wait3A_46 = arith.constant 0 : i32
        %dma_wait3A_47 = tpu.memref_slice %arg5[%arg0, %mul3A_40, %dma_wait3A_46] : memref<2x10000x144xf32, #tpu.memory_space<hbm>> -> memref<1x624x144xf32, #tpu.memory_space<hbm>>
        %dma_wait3A_48 = tpu.memref_squeeze %dma_wait3A_47 : memref<1x624x144xf32, #tpu.memory_space<hbm>> -> memref<624x144xf32, #tpu.memory_space<hbm>>
        %dma_wait3A_49 = arith.constant 0 : i32
        %dma_wait3A_50 = tpu.memref_slice %arg10[%mul3A_38, %dma_wait3A_49] : memref<10000x144xf32, #tpu.memory_space<vmem_shared>> -> memref<624x144xf32, #tpu.memory_space<vmem_shared>>
        tpu.wait_dma2 semaphore(%run_scoped3A : memref<!tpu.dma_semaphore, #tpu.memory_space<semaphore_mem>>) src(%dma_wait3A_50 : memref<624x144xf32, #tpu.memory_space<vmem_shared>>) dst(%dma_wait3A_48 : memref<624x144xf32, #tpu.memory_space<hbm>>)
        tpu.yield
      }) : () -> ()
    } else {
    }
    %eq3A_32 = arith.constant 15 : i32
    %eq3A_33 = arith.cmpi eq, %arg1, %eq3A_32 : i32
    %convert_element_type3A_34 = arith.extui %eq3A_33 : i1 to i32
    %cond3A_35 = arith.constant 0 : i32
    %cond3A_36 = arith.cmpi ne, %convert_element_type3A_34, %cond3A_35 : i32
    scf.if %cond3A_36 {
      "tpu.region"() ({
        %run_scoped3A = tpu.sem_alloc : memref<!tpu.dma_semaphore, #tpu.memory_space<semaphore_mem>>
        %dma_start3A_37 = arith.constant 9360 : i32
        %dma_start3A_38 = arith.constant 0 : i32
        %dma_start3A_39 = tpu.memref_slice %arg5[%arg0, %dma_start3A_37, %dma_start3A_38] : memref<2x10000x144xf32, #tpu.memory_space<hbm>> -> memref<1x640x144xf32, #tpu.memory_space<hbm>>
        %dma_start3A_40 = tpu.memref_squeeze %dma_start3A_39 : memref<1x640x144xf32, #tpu.memory_space<hbm>> -> memref<640x144xf32, #tpu.memory_space<hbm>>
        %dma_start3A_41 = arith.constant 9360 : i32
        %dma_start3A_42 = arith.constant 0 : i32
        %dma_start3A_43 = tpu.memref_slice %arg10[%dma_start3A_41, %dma_start3A_42] : memref<10000x144xf32, #tpu.memory_space<vmem_shared>> -> memref<640x144xf32, #tpu.memory_space<vmem_shared>>
        tpu.enqueue_dma source(%dma_start3A_43 : memref<640x144xf32, #tpu.memory_space<vmem_shared>>) target(%dma_start3A_40 : memref<640x144xf32, #tpu.memory_space<hbm>>) target_semaphore(%run_scoped3A : memref<!tpu.dma_semaphore, #tpu.memory_space<semaphore_mem>>)
        %dma_wait3A_44 = arith.constant 9360 : i32
        %dma_wait3A_45 = arith.constant 0 : i32
        %dma_wait3A_46 = tpu.memref_slice %arg5[%arg0, %dma_wait3A_44, %dma_wait3A_45] : memref<2x10000x144xf32, #tpu.memory_space<hbm>> -> memref<1x640x144xf32, #tpu.memory_space<hbm>>
        %dma_wait3A_47 = tpu.memref_squeeze %dma_wait3A_46 : memref<1x640x144xf32, #tpu.memory_space<hbm>> -> memref<640x144xf32, #tpu.memory_space<hbm>>
        %dma_wait3A_48 = arith.constant 9360 : i32
        %dma_wait3A_49 = arith.constant 0 : i32
        %dma_wait3A_50 = tpu.memref_slice %arg10[%dma_wait3A_48, %dma_wait3A_49] : memref<10000x144xf32, #tpu.memory_space<vmem_shared>> -> memref<640x144xf32, #tpu.memory_space<vmem_shared>>
        tpu.wait_dma2 semaphore(%run_scoped3A : memref<!tpu.dma_semaphore, #tpu.memory_space<semaphore_mem>>) src(%dma_wait3A_50 : memref<640x144xf32, #tpu.memory_space<vmem_shared>>) dst(%dma_wait3A_47 : memref<640x144xf32, #tpu.memory_space<hbm>>)
        tpu.yield
      }) : () -> ()
    } else {
    }
    return
  }
}

module attributes {stable_mosaic.version = 14 : i64} {
  func.func @body(%arg0: i32, %arg1: memref<2560x144xf32, #tpu.memory_space<vmem>>, %arg2: memref<2560x144xf32, #tpu.memory_space<vmem>>, %arg3: memref<2560x16xf32, #tpu.memory_space<vmem>>, %arg4: memref<128x128xf32, #tpu.memory_space<vmem>>, %arg5: memref<1x128xf32, #tpu.memory_space<vmem>>, %arg6: memref<16x128xf32, #tpu.memory_space<vmem>>, %arg7: memref<128x128xf32, #tpu.memory_space<vmem>>, %arg8: memref<16x128xf32, #tpu.memory_space<vmem>>, %arg9: memref<1x128xf32, #tpu.memory_space<vmem>>, %arg10: memref<2560x16xf32, #tpu.memory_space<vmem>>) attributes {dimension_semantics = [#tpu.dimension_semantics<parallel>], iteration_bounds = array<i64: 125>, scalar_prefetch = 0 : i64, scratch_operands = 0 : i64, tpu.core_type = #tpu.core_type<tc>, window_params = [{transform_indices = @transform_0, window_bounds = array<i64: 2560, 144>}, {transform_indices = @transform_1, window_bounds = array<i64: 2560, 144>}, {transform_indices = @transform_2, window_bounds = array<i64: 2560, 16>}, {pipeline_mode = #tpu.pipeline_mode<synchronous>, transform_indices = @transform_3, window_bounds = array<i64: 128, 128>}, {pipeline_mode = #tpu.pipeline_mode<synchronous>, transform_indices = @transform_4, window_bounds = array<i64: 1, 128>}, {pipeline_mode = #tpu.pipeline_mode<synchronous>, transform_indices = @transform_5, window_bounds = array<i64: 16, 128>}, {pipeline_mode = #tpu.pipeline_mode<synchronous>, transform_indices = @transform_6, window_bounds = array<i64: 128, 128>}, {pipeline_mode = #tpu.pipeline_mode<synchronous>, transform_indices = @transform_7, window_bounds = array<i64: 16, 128>}, {pipeline_mode = #tpu.pipeline_mode<synchronous>, transform_indices = @transform_8, window_bounds = array<i64: 1, 128>}, {transform_indices = @transform_9, window_bounds = array<i64: 2560, 16>}]} {
    %get3A = arith.constant 0 : index
    %get3A_0 = arith.constant 0 : index
    %get3A_1 = vector.load %arg1[%get3A, %get3A_0] : memref<2560x144xf32, #tpu.memory_space<vmem>>, vector<2560x128xf32>
    %get3A_2 = arith.constant 0 : index
    %get3A_3 = arith.constant 128 : index
    %get3A_4 = vector.load %arg1[%get3A_2, %get3A_3] : memref<2560x144xf32, #tpu.memory_space<vmem>>, vector<2560x9xf32>
    %get3A_5 = arith.constant 0 : index
    %get3A_6 = arith.constant 0 : index
    %get3A_7 = vector.load %arg2[%get3A_5, %get3A_6] : memref<2560x144xf32, #tpu.memory_space<vmem>>, vector<2560x128xf32>
    %get3A_8 = arith.constant 0 : index
    %get3A_9 = arith.constant 128 : index
    %get3A_10 = vector.load %arg2[%get3A_8, %get3A_9] : memref<2560x144xf32, #tpu.memory_space<vmem>>, vector<2560x9xf32>
    %sub3A = arith.subf %get3A_4, %get3A_10 : vector<2560x9xf32>
    %slice3A = vector.extract_strided_slice %sub3A {offsets = [0, 0], sizes = [2560, 3], strides = [1, 1]} : vector<2560x9xf32> to vector<2560x3xf32>
    %slice3A_11 = vector.extract_strided_slice %sub3A {offsets = [0, 0], sizes = [2560, 3], strides = [1, 1]} : vector<2560x9xf32> to vector<2560x3xf32>
    %mul3A = arith.mulf %slice3A, %slice3A_11 : vector<2560x3xf32>
    %reduce_sum3A = arith.constant dense<0.000000e+00> : vector<2560xf32>
    %reduce_sum3A_12 = vector.multi_reduction <add>, %mul3A, %reduce_sum3A [1] : vector<2560x3xf32> to vector<2560xf32>
    %broadcast_in_dim3A = vector.shape_cast %reduce_sum3A_12 : vector<2560xf32> to vector<2560x1xf32>
    %slice3A_13 = vector.extract_strided_slice %sub3A {offsets = [0, 3], sizes = [2560, 3], strides = [1, 1]} : vector<2560x9xf32> to vector<2560x3xf32>
    %mul3A_14 = arith.mulf %slice3A, %slice3A_13 : vector<2560x3xf32>
    %reduce_sum3A_15 = arith.constant dense<0.000000e+00> : vector<2560xf32>
    %reduce_sum3A_16 = vector.multi_reduction <add>, %mul3A_14, %reduce_sum3A_15 [1] : vector<2560x3xf32> to vector<2560xf32>
    %broadcast_in_dim3A_17 = vector.shape_cast %reduce_sum3A_16 : vector<2560xf32> to vector<2560x1xf32>
    %slice3A_18 = vector.extract_strided_slice %sub3A {offsets = [0, 6], sizes = [2560, 3], strides = [1, 1]} : vector<2560x9xf32> to vector<2560x3xf32>
    %mul3A_19 = arith.mulf %slice3A, %slice3A_18 : vector<2560x3xf32>
    %reduce_sum3A_20 = arith.constant dense<0.000000e+00> : vector<2560xf32>
    %reduce_sum3A_21 = vector.multi_reduction <add>, %mul3A_19, %reduce_sum3A_20 [1] : vector<2560x3xf32> to vector<2560xf32>
    %broadcast_in_dim3A_22 = vector.shape_cast %reduce_sum3A_21 : vector<2560xf32> to vector<2560x1xf32>
    %slice3A_23 = vector.extract_strided_slice %sub3A {offsets = [0, 3], sizes = [2560, 3], strides = [1, 1]} : vector<2560x9xf32> to vector<2560x3xf32>
    %slice3A_24 = vector.extract_strided_slice %sub3A {offsets = [0, 0], sizes = [2560, 3], strides = [1, 1]} : vector<2560x9xf32> to vector<2560x3xf32>
    %mul3A_25 = arith.mulf %slice3A_23, %slice3A_24 : vector<2560x3xf32>
    %reduce_sum3A_26 = arith.constant dense<0.000000e+00> : vector<2560xf32>
    %reduce_sum3A_27 = vector.multi_reduction <add>, %mul3A_25, %reduce_sum3A_26 [1] : vector<2560x3xf32> to vector<2560xf32>
    %broadcast_in_dim3A_28 = vector.shape_cast %reduce_sum3A_27 : vector<2560xf32> to vector<2560x1xf32>
    %slice3A_29 = vector.extract_strided_slice %sub3A {offsets = [0, 3], sizes = [2560, 3], strides = [1, 1]} : vector<2560x9xf32> to vector<2560x3xf32>
    %mul3A_30 = arith.mulf %slice3A_23, %slice3A_29 : vector<2560x3xf32>
    %reduce_sum3A_31 = arith.constant dense<0.000000e+00> : vector<2560xf32>
    %reduce_sum3A_32 = vector.multi_reduction <add>, %mul3A_30, %reduce_sum3A_31 [1] : vector<2560x3xf32> to vector<2560xf32>
    %broadcast_in_dim3A_33 = vector.shape_cast %reduce_sum3A_32 : vector<2560xf32> to vector<2560x1xf32>
    %slice3A_34 = vector.extract_strided_slice %sub3A {offsets = [0, 6], sizes = [2560, 3], strides = [1, 1]} : vector<2560x9xf32> to vector<2560x3xf32>
    %mul3A_35 = arith.mulf %slice3A_23, %slice3A_34 : vector<2560x3xf32>
    %reduce_sum3A_36 = arith.constant dense<0.000000e+00> : vector<2560xf32>
    %reduce_sum3A_37 = vector.multi_reduction <add>, %mul3A_35, %reduce_sum3A_36 [1] : vector<2560x3xf32> to vector<2560xf32>
    %broadcast_in_dim3A_38 = vector.shape_cast %reduce_sum3A_37 : vector<2560xf32> to vector<2560x1xf32>
    %slice3A_39 = vector.extract_strided_slice %sub3A {offsets = [0, 6], sizes = [2560, 3], strides = [1, 1]} : vector<2560x9xf32> to vector<2560x3xf32>
    %slice3A_40 = vector.extract_strided_slice %sub3A {offsets = [0, 0], sizes = [2560, 3], strides = [1, 1]} : vector<2560x9xf32> to vector<2560x3xf32>
    %mul3A_41 = arith.mulf %slice3A_39, %slice3A_40 : vector<2560x3xf32>
    %reduce_sum3A_42 = arith.constant dense<0.000000e+00> : vector<2560xf32>
    %reduce_sum3A_43 = vector.multi_reduction <add>, %mul3A_41, %reduce_sum3A_42 [1] : vector<2560x3xf32> to vector<2560xf32>
    %broadcast_in_dim3A_44 = vector.shape_cast %reduce_sum3A_43 : vector<2560xf32> to vector<2560x1xf32>
    %slice3A_45 = vector.extract_strided_slice %sub3A {offsets = [0, 3], sizes = [2560, 3], strides = [1, 1]} : vector<2560x9xf32> to vector<2560x3xf32>
    %mul3A_46 = arith.mulf %slice3A_39, %slice3A_45 : vector<2560x3xf32>
    %reduce_sum3A_47 = arith.constant dense<0.000000e+00> : vector<2560xf32>
    %reduce_sum3A_48 = vector.multi_reduction <add>, %mul3A_46, %reduce_sum3A_47 [1] : vector<2560x3xf32> to vector<2560xf32>
    %broadcast_in_dim3A_49 = vector.shape_cast %reduce_sum3A_48 : vector<2560xf32> to vector<2560x1xf32>
    %slice3A_50 = vector.extract_strided_slice %sub3A {offsets = [0, 6], sizes = [2560, 3], strides = [1, 1]} : vector<2560x9xf32> to vector<2560x3xf32>
    %mul3A_51 = arith.mulf %slice3A_39, %slice3A_50 : vector<2560x3xf32>
    %reduce_sum3A_52 = arith.constant dense<0.000000e+00> : vector<2560xf32>
    %reduce_sum3A_53 = vector.multi_reduction <add>, %mul3A_51, %reduce_sum3A_52 [1] : vector<2560x3xf32> to vector<2560xf32>
    %broadcast_in_dim3A_54 = vector.shape_cast %reduce_sum3A_53 : vector<2560xf32> to vector<2560x1xf32>
    %broadcast_in_dim3A_55 = arith.constant 0.000000e+00 : f32
    %broadcast_in_dim3A_56 = vector.broadcast %broadcast_in_dim3A_55 : f32 to vector<2560x7xf32>
    %concatenate3A = tpu.concatenate %broadcast_in_dim3A, %broadcast_in_dim3A_17, %broadcast_in_dim3A_22, %broadcast_in_dim3A_28, %broadcast_in_dim3A_33, %broadcast_in_dim3A_38, %broadcast_in_dim3A_44, %broadcast_in_dim3A_49, %broadcast_in_dim3A_54, %broadcast_in_dim3A_56 in 1 : vector<2560x1xf32>, vector<2560x1xf32>, vector<2560x1xf32>, vector<2560x1xf32>, vector<2560x1xf32>, vector<2560x1xf32>, vector<2560x1xf32>, vector<2560x1xf32>, vector<2560x1xf32>, vector<2560x7xf32> -> vector<2560x16xf32>
    %get3A_57 = arith.constant 0 : index
    %get3A_58 = arith.constant 0 : index
    %get3A_59 = vector.load %arg4[%get3A_57, %get3A_58] : memref<128x128xf32, #tpu.memory_space<vmem>>, vector<128x128xf32>
    %dot_general3A = arith.constant dense<0.000000e+00> : vector<2560x128xf32>
    %dot_general3A_60 = tpu.matmul %get3A_1, %get3A_59, %dot_general3A {dimension_numbers = #tpu.dot_dimension_numbers<[1], [0], [0], [1], [0, 0, 1, 1], [], []>, transpose_lhs_hint = false} : vector<2560x128xf32>, vector<128x128xf32>, vector<2560x128xf32> -> vector<2560x128xf32>
    %get3A_61 = arith.constant 0 : index
    %get3A_62 = arith.constant 0 : index
    %get3A_63 = vector.load %arg5[%get3A_61, %get3A_62] : memref<1x128xf32, #tpu.memory_space<vmem>>, vector<1x128xf32>
    %add3A = vector.broadcast %get3A_63 : vector<1x128xf32> to vector<2560x128xf32>
    %add3A_64 = arith.addf %dot_general3A_60, %add3A : vector<2560x128xf32>
    %get3A_65 = arith.constant 0 : index
    %get3A_66 = arith.constant 0 : index
    %get3A_67 = vector.load %arg6[%get3A_65, %get3A_66] : memref<16x128xf32, #tpu.memory_space<vmem>>, vector<16x128xf32>
    %dot_general3A_68 = arith.constant dense<0.000000e+00> : vector<2560x128xf32>
    %dot_general3A_69 = tpu.matmul %concatenate3A, %get3A_67, %dot_general3A_68 {dimension_numbers = #tpu.dot_dimension_numbers<[1], [0], [0], [1], [0, 0, 1, 1], [], []>, transpose_lhs_hint = false} : vector<2560x16xf32>, vector<16x128xf32>, vector<2560x128xf32> -> vector<2560x128xf32>
    %get3A_70 = arith.constant 0 : index
    %get3A_71 = arith.constant 0 : index
    %get3A_72 = vector.load %arg7[%get3A_70, %get3A_71] : memref<128x128xf32, #tpu.memory_space<vmem>>, vector<128x128xf32>
    %dot_general3A_73 = arith.constant dense<0.000000e+00> : vector<2560x128xf32>
    %dot_general3A_74 = tpu.matmul %get3A_7, %get3A_72, %dot_general3A_73 {dimension_numbers = #tpu.dot_dimension_numbers<[1], [0], [0], [1], [0, 0, 1, 1], [], []>, transpose_lhs_hint = false} : vector<2560x128xf32>, vector<128x128xf32>, vector<2560x128xf32> -> vector<2560x128xf32>
    %add3A_75 = arith.addf %dot_general3A_69, %dot_general3A_74 : vector<2560x128xf32>
    %get3A_76 = arith.constant 0 : index
    %get3A_77 = arith.constant 0 : index
    %get3A_78 = vector.load %arg3[%get3A_76, %get3A_77] : memref<2560x16xf32, #tpu.memory_space<vmem>>, vector<2560x16xf32>
    %get3A_79 = arith.constant 0 : index
    %get3A_80 = arith.constant 0 : index
    %get3A_81 = vector.load %arg8[%get3A_79, %get3A_80] : memref<16x128xf32, #tpu.memory_space<vmem>>, vector<16x128xf32>
    %dot_general3A_82 = arith.constant dense<0.000000e+00> : vector<2560x128xf32>
    %dot_general3A_83 = tpu.matmul %get3A_78, %get3A_81, %dot_general3A_82 {dimension_numbers = #tpu.dot_dimension_numbers<[1], [0], [0], [1], [0, 0, 1, 1], [], []>, transpose_lhs_hint = false} : vector<2560x16xf32>, vector<16x128xf32>, vector<2560x128xf32> -> vector<2560x128xf32>
    %add3A_84 = arith.addf %add3A_75, %dot_general3A_83 : vector<2560x128xf32>
    %get3A_85 = arith.constant 0 : index
    %get3A_86 = arith.constant 0 : index
    %get3A_87 = vector.load %arg9[%get3A_85, %get3A_86] : memref<1x128xf32, #tpu.memory_space<vmem>>, vector<1x128xf32>
    %add3A_88 = vector.broadcast %get3A_87 : vector<1x128xf32> to vector<2560x128xf32>
    %add3A_89 = arith.addf %add3A_84, %add3A_88 : vector<2560x128xf32>
    %mul3A_90 = arith.mulf %add3A_64, %add3A_89 : vector<2560x128xf32>
    %reduce_sum3A_91 = arith.constant dense<0.000000e+00> : vector<2560xf32>
    %reduce_sum3A_92 = vector.multi_reduction <add>, %mul3A_90, %reduce_sum3A_91 [1] : vector<2560x128xf32> to vector<2560xf32>
    %broadcast_in_dim3A_93 = vector.shape_cast %reduce_sum3A_92 : vector<2560xf32> to vector<2560x1xf32>
    %mul3A_94 = arith.constant 1.250000e-01 : f32
    %mul3A_95 = vector.broadcast %mul3A_94 : f32 to vector<2560x1xf32>
    %mul3A_96 = arith.mulf %broadcast_in_dim3A_93, %mul3A_95 : vector<2560x1xf32>
    %exp3A = math.exp %mul3A_96 : vector<2560x1xf32>
    %broadcast_in_dim3A_97 = arith.constant 0.000000e+00 : f32
    %broadcast_in_dim3A_98 = vector.broadcast %broadcast_in_dim3A_97 : f32 to vector<2560x5xf32>
    %concatenate3A_99 = tpu.concatenate %broadcast_in_dim3A_93, %exp3A, %sub3A, %broadcast_in_dim3A_98 in 1 : vector<2560x1xf32>, vector<2560x1xf32>, vector<2560x9xf32>, vector<2560x5xf32> -> vector<2560x16xf32>
    %swap3A = arith.constant 0 : index
    %swap3A_100 = arith.constant 0 : index
    %swap3A_101 = vector.load %arg10[%swap3A, %swap3A_100] : memref<2560x16xf32, #tpu.memory_space<vmem>>, vector<2560x16xf32>
    tpu.vector_store %arg10[%swap3A, %swap3A_100], %concatenate3A_99 {strides = array<i32>} : memref<2560x16xf32, #tpu.memory_space<vmem>>, vector<2560x16xf32>,
    return
  }
  func.func @transform_0(%arg0: i32) -> (i32, i32) {
    %c0_i32 = arith.constant 0 : i32
    %c0_i32_0 = arith.constant 0 : i32
    return %arg0, %c0_i32 : i32, i32
  }
  func.func @transform_1(%arg0: i32) -> (i32, i32) {
    %c0_i32 = arith.constant 0 : i32
    %c0_i32_0 = arith.constant 0 : i32
    return %arg0, %c0_i32 : i32, i32
  }
  func.func @transform_2(%arg0: i32) -> (i32, i32) {
    %c0_i32 = arith.constant 0 : i32
    %c0_i32_0 = arith.constant 0 : i32
    return %arg0, %c0_i32 : i32, i32
  }
  func.func @transform_3(%arg0: i32) -> (i32, i32) {
    %c0_i32 = arith.constant 0 : i32
    %c0_i32_0 = arith.constant 0 : i32
    %c0_i32_1 = arith.constant 0 : i32
    return %c0_i32, %c0_i32_0 : i32, i32
  }
  func.func @transform_4(%arg0: i32) -> (i32, i32) {
    %c0_i32 = arith.constant 0 : i32
    %c0_i32_0 = arith.constant 0 : i32
    %c0_i32_1 = arith.constant 0 : i32
    return %c0_i32, %c0_i32_0 : i32, i32
  }
  func.func @transform_5(%arg0: i32) -> (i32, i32) {
    %c0_i32 = arith.constant 0 : i32
    %c0_i32_0 = arith.constant 0 : i32
    %c0_i32_1 = arith.constant 0 : i32
    return %c0_i32, %c0_i32_0 : i32, i32
  }
  func.func @transform_6(%arg0: i32) -> (i32, i32) {
    %c0_i32 = arith.constant 0 : i32
    %c0_i32_0 = arith.constant 0 : i32
    %c0_i32_1 = arith.constant 0 : i32
    return %c0_i32, %c0_i32_0 : i32, i32
  }
  func.func @transform_7(%arg0: i32) -> (i32, i32) {
    %c0_i32 = arith.constant 0 : i32
    %c0_i32_0 = arith.constant 0 : i32
    %c0_i32_1 = arith.constant 0 : i32
    return %c0_i32, %c0_i32_0 : i32, i32
  }
  func.func @transform_8(%arg0: i32) -> (i32, i32) {
    %c0_i32 = arith.constant 0 : i32
    %c0_i32_0 = arith.constant 0 : i32
    %c0_i32_1 = arith.constant 0 : i32
    return %c0_i32, %c0_i32_0 : i32, i32
  }
  func.func @transform_9(%arg0: i32) -> (i32, i32) {
    %c0_i32 = arith.constant 0 : i32
    %c0_i32_0 = arith.constant 0 : i32
    return %arg0, %c0_i32 : i32, i32
  }
}

module attributes {stable_mosaic.version = 14 : i64} {
  func.func @body(%arg0: i32, %arg1: memref<2560x144xf32, #tpu.memory_space<vmem>>, %arg2: memref<2560x16xf32, #tpu.memory_space<vmem>>, %arg3: memref<2560x16xf32, #tpu.memory_space<vmem>>, %arg4: memref<2560x16xf32, #tpu.memory_space<vmem>>, %arg5: memref<16x128xf32, #tpu.memory_space<vmem>>, %arg6: memref<128x128xf32, #tpu.memory_space<vmem>>, %arg7: memref<16x128xf32, #tpu.memory_space<vmem>>, %arg8: memref<1x128xf32, #tpu.memory_space<vmem>>, %arg9: memref<128x256xf32, #tpu.memory_space<vmem>>, %arg10: memref<256x16xf32, #tpu.memory_space<vmem>>, %arg11: memref<2560x144xf32, #tpu.memory_space<vmem>>) attributes {dimension_semantics = [#tpu.dimension_semantics<parallel>], iteration_bounds = array<i64: 125>, scalar_prefetch = 0 : i64, scratch_operands = 0 : i64, tpu.core_type = #tpu.core_type<tc>, window_params = [{transform_indices = @transform_0, window_bounds = array<i64: 2560, 144>}, {transform_indices = @transform_1, window_bounds = array<i64: 2560, 16>}, {transform_indices = @transform_2, window_bounds = array<i64: 2560, 16>}, {transform_indices = @transform_3, window_bounds = array<i64: 2560, 16>}, {pipeline_mode = #tpu.pipeline_mode<synchronous>, transform_indices = @transform_4, window_bounds = array<i64: 16, 128>}, {pipeline_mode = #tpu.pipeline_mode<synchronous>, transform_indices = @transform_5, window_bounds = array<i64: 128, 128>}, {pipeline_mode = #tpu.pipeline_mode<synchronous>, transform_indices = @transform_6, window_bounds = array<i64: 16, 128>}, {pipeline_mode = #tpu.pipeline_mode<synchronous>, transform_indices = @transform_7, window_bounds = array<i64: 1, 128>}, {pipeline_mode = #tpu.pipeline_mode<synchronous>, transform_indices = @transform_8, window_bounds = array<i64: 128, 256>}, {pipeline_mode = #tpu.pipeline_mode<synchronous>, transform_indices = @transform_9, window_bounds = array<i64: 256, 16>}, {transform_indices = @transform_10, window_bounds = array<i64: 2560, 144>}]} {
    %get3A = arith.constant 0 : index
    %get3A_0 = arith.constant 0 : index
    %get3A_1 = vector.load %arg1[%get3A, %get3A_0] : memref<2560x144xf32, #tpu.memory_space<vmem>>, vector<2560x128xf32>
    %get3A_2 = arith.constant 0 : index
    %get3A_3 = arith.constant 0 : index
    %get3A_4 = vector.load %arg2[%get3A_2, %get3A_3] : memref<2560x16xf32, #tpu.memory_space<vmem>>, vector<2560x1xf32>
    %get3A_5 = arith.constant 0 : index
    %get3A_6 = arith.constant 2 : index
    %get3A_7 = vector.load %arg2[%get3A_5, %get3A_6] : memref<2560x16xf32, #tpu.memory_space<vmem>>, vector<2560x9xf32>
    %slice3A = vector.extract_strided_slice %get3A_7 {offsets = [0, 0], sizes = [2560, 3], strides = [1, 1]} : vector<2560x9xf32> to vector<2560x3xf32>
    %slice3A_8 = vector.extract_strided_slice %get3A_7 {offsets = [0, 0], sizes = [2560, 3], strides = [1, 1]} : vector<2560x9xf32> to vector<2560x3xf32>
    %mul3A = arith.mulf %slice3A, %slice3A_8 : vector<2560x3xf32>
    %reduce_sum3A = arith.constant dense<0.000000e+00> : vector<2560xf32>
    %reduce_sum3A_9 = vector.multi_reduction <add>, %mul3A, %reduce_sum3A [1] : vector<2560x3xf32> to vector<2560xf32>
    %broadcast_in_dim3A = vector.shape_cast %reduce_sum3A_9 : vector<2560xf32> to vector<2560x1xf32>
    %slice3A_10 = vector.extract_strided_slice %get3A_7 {offsets = [0, 3], sizes = [2560, 3], strides = [1, 1]} : vector<2560x9xf32> to vector<2560x3xf32>
    %mul3A_11 = arith.mulf %slice3A, %slice3A_10 : vector<2560x3xf32>
    %reduce_sum3A_12 = arith.constant dense<0.000000e+00> : vector<2560xf32>
    %reduce_sum3A_13 = vector.multi_reduction <add>, %mul3A_11, %reduce_sum3A_12 [1] : vector<2560x3xf32> to vector<2560xf32>
    %broadcast_in_dim3A_14 = vector.shape_cast %reduce_sum3A_13 : vector<2560xf32> to vector<2560x1xf32>
    %slice3A_15 = vector.extract_strided_slice %get3A_7 {offsets = [0, 6], sizes = [2560, 3], strides = [1, 1]} : vector<2560x9xf32> to vector<2560x3xf32>
    %mul3A_16 = arith.mulf %slice3A, %slice3A_15 : vector<2560x3xf32>
    %reduce_sum3A_17 = arith.constant dense<0.000000e+00> : vector<2560xf32>
    %reduce_sum3A_18 = vector.multi_reduction <add>, %mul3A_16, %reduce_sum3A_17 [1] : vector<2560x3xf32> to vector<2560xf32>
    %broadcast_in_dim3A_19 = vector.shape_cast %reduce_sum3A_18 : vector<2560xf32> to vector<2560x1xf32>
    %slice3A_20 = vector.extract_strided_slice %get3A_7 {offsets = [0, 3], sizes = [2560, 3], strides = [1, 1]} : vector<2560x9xf32> to vector<2560x3xf32>
    %slice3A_21 = vector.extract_strided_slice %get3A_7 {offsets = [0, 0], sizes = [2560, 3], strides = [1, 1]} : vector<2560x9xf32> to vector<2560x3xf32>
    %mul3A_22 = arith.mulf %slice3A_20, %slice3A_21 : vector<2560x3xf32>
    %reduce_sum3A_23 = arith.constant dense<0.000000e+00> : vector<2560xf32>
    %reduce_sum3A_24 = vector.multi_reduction <add>, %mul3A_22, %reduce_sum3A_23 [1] : vector<2560x3xf32> to vector<2560xf32>
    %broadcast_in_dim3A_25 = vector.shape_cast %reduce_sum3A_24 : vector<2560xf32> to vector<2560x1xf32>
    %slice3A_26 = vector.extract_strided_slice %get3A_7 {offsets = [0, 3], sizes = [2560, 3], strides = [1, 1]} : vector<2560x9xf32> to vector<2560x3xf32>
    %mul3A_27 = arith.mulf %slice3A_20, %slice3A_26 : vector<2560x3xf32>
    %reduce_sum3A_28 = arith.constant dense<0.000000e+00> : vector<2560xf32>
    %reduce_sum3A_29 = vector.multi_reduction <add>, %mul3A_27, %reduce_sum3A_28 [1] : vector<2560x3xf32> to vector<2560xf32>
    %broadcast_in_dim3A_30 = vector.shape_cast %reduce_sum3A_29 : vector<2560xf32> to vector<2560x1xf32>
    %slice3A_31 = vector.extract_strided_slice %get3A_7 {offsets = [0, 6], sizes = [2560, 3], strides = [1, 1]} : vector<2560x9xf32> to vector<2560x3xf32>
    %mul3A_32 = arith.mulf %slice3A_20, %slice3A_31 : vector<2560x3xf32>
    %reduce_sum3A_33 = arith.constant dense<0.000000e+00> : vector<2560xf32>
    %reduce_sum3A_34 = vector.multi_reduction <add>, %mul3A_32, %reduce_sum3A_33 [1] : vector<2560x3xf32> to vector<2560xf32>
    %broadcast_in_dim3A_35 = vector.shape_cast %reduce_sum3A_34 : vector<2560xf32> to vector<2560x1xf32>
    %slice3A_36 = vector.extract_strided_slice %get3A_7 {offsets = [0, 6], sizes = [2560, 3], strides = [1, 1]} : vector<2560x9xf32> to vector<2560x3xf32>
    %slice3A_37 = vector.extract_strided_slice %get3A_7 {offsets = [0, 0], sizes = [2560, 3], strides = [1, 1]} : vector<2560x9xf32> to vector<2560x3xf32>
    %mul3A_38 = arith.mulf %slice3A_36, %slice3A_37 : vector<2560x3xf32>
    %reduce_sum3A_39 = arith.constant dense<0.000000e+00> : vector<2560xf32>
    %reduce_sum3A_40 = vector.multi_reduction <add>, %mul3A_38, %reduce_sum3A_39 [1] : vector<2560x3xf32> to vector<2560xf32>
    %broadcast_in_dim3A_41 = vector.shape_cast %reduce_sum3A_40 : vector<2560xf32> to vector<2560x1xf32>
    %slice3A_42 = vector.extract_strided_slice %get3A_7 {offsets = [0, 3], sizes = [2560, 3], strides = [1, 1]} : vector<2560x9xf32> to vector<2560x3xf32>
    %mul3A_43 = arith.mulf %slice3A_36, %slice3A_42 : vector<2560x3xf32>
    %reduce_sum3A_44 = arith.constant dense<0.000000e+00> : vector<2560xf32>
    %reduce_sum3A_45 = vector.multi_reduction <add>, %mul3A_43, %reduce_sum3A_44 [1] : vector<2560x3xf32> to vector<2560xf32>
    %broadcast_in_dim3A_46 = vector.shape_cast %reduce_sum3A_45 : vector<2560xf32> to vector<2560x1xf32>
    %slice3A_47 = vector.extract_strided_slice %get3A_7 {offsets = [0, 6], sizes = [2560, 3], strides = [1, 1]} : vector<2560x9xf32> to vector<2560x3xf32>
    %mul3A_48 = arith.mulf %slice3A_36, %slice3A_47 : vector<2560x3xf32>
    %reduce_sum3A_49 = arith.constant dense<0.000000e+00> : vector<2560xf32>
    %reduce_sum3A_50 = vector.multi_reduction <add>, %mul3A_48, %reduce_sum3A_49 [1] : vector<2560x3xf32> to vector<2560xf32>
    %broadcast_in_dim3A_51 = vector.shape_cast %reduce_sum3A_50 : vector<2560xf32> to vector<2560x1xf32>
    %broadcast_in_dim3A_52 = arith.constant 0.000000e+00 : f32
    %broadcast_in_dim3A_53 = vector.broadcast %broadcast_in_dim3A_52 : f32 to vector<2560x7xf32>
    %concatenate3A = tpu.concatenate %broadcast_in_dim3A, %broadcast_in_dim3A_14, %broadcast_in_dim3A_19, %broadcast_in_dim3A_25, %broadcast_in_dim3A_30, %broadcast_in_dim3A_35, %broadcast_in_dim3A_41, %broadcast_in_dim3A_46, %broadcast_in_dim3A_51, %broadcast_in_dim3A_53 in 1 : vector<2560x1xf32>, vector<2560x1xf32>, vector<2560x1xf32>, vector<2560x1xf32>, vector<2560x1xf32>, vector<2560x1xf32>, vector<2560x1xf32>, vector<2560x1xf32>, vector<2560x1xf32>, vector<2560x7xf32> -> vector<2560x16xf32>
    %get3A_54 = arith.constant 0 : index
    %get3A_55 = arith.constant 0 : index
    %get3A_56 = vector.load %arg5[%get3A_54, %get3A_55] : memref<16x128xf32, #tpu.memory_space<vmem>>, vector<16x128xf32>
    %dot_general3A = arith.constant dense<0.000000e+00> : vector<2560x128xf32>
    %dot_general3A_57 = tpu.matmul %concatenate3A, %get3A_56, %dot_general3A {dimension_numbers = #tpu.dot_dimension_numbers<[1], [0], [0], [1], [0, 0, 1, 1], [], []>, transpose_lhs_hint = false} : vector<2560x16xf32>, vector<16x128xf32>, vector<2560x128xf32> -> vector<2560x128xf32>
    %get3A_58 = arith.constant 0 : index
    %get3A_59 = arith.constant 0 : index
    %get3A_60 = vector.load %arg6[%get3A_58, %get3A_59] : memref<128x128xf32, #tpu.memory_space<vmem>>, vector<128x128xf32>
    %dot_general3A_61 = arith.constant dense<0.000000e+00> : vector<2560x128xf32>
    %dot_general3A_62 = tpu.matmul %get3A_1, %get3A_60, %dot_general3A_61 {dimension_numbers = #tpu.dot_dimension_numbers<[1], [0], [0], [1], [0, 0, 1, 1], [], []>, transpose_lhs_hint = false} : vector<2560x128xf32>, vector<128x128xf32>, vector<2560x128xf32> -> vector<2560x128xf32>
    %add3A = arith.addf %dot_general3A_57, %dot_general3A_62 : vector<2560x128xf32>
    %get3A_63 = arith.constant 0 : index
    %get3A_64 = arith.constant 0 : index
    %get3A_65 = vector.load %arg3[%get3A_63, %get3A_64] : memref<2560x16xf32, #tpu.memory_space<vmem>>, vector<2560x16xf32>
    %get3A_66 = arith.constant 0 : index
    %get3A_67 = arith.constant 0 : index
    %get3A_68 = vector.load %arg7[%get3A_66, %get3A_67] : memref<16x128xf32, #tpu.memory_space<vmem>>, vector<16x128xf32>
    %dot_general3A_69 = arith.constant dense<0.000000e+00> : vector<2560x128xf32>
    %dot_general3A_70 = tpu.matmul %get3A_65, %get3A_68, %dot_general3A_69 {dimension_numbers = #tpu.dot_dimension_numbers<[1], [0], [0], [1], [0, 0, 1, 1], [], []>, transpose_lhs_hint = false} : vector<2560x16xf32>, vector<16x128xf32>, vector<2560x128xf32> -> vector<2560x128xf32>
    %add3A_71 = arith.addf %add3A, %dot_general3A_70 : vector<2560x128xf32>
    %get3A_72 = arith.constant 0 : index
    %get3A_73 = arith.constant 0 : index
    %get3A_74 = vector.load %arg8[%get3A_72, %get3A_73] : memref<1x128xf32, #tpu.memory_space<vmem>>, vector<1x128xf32>
    %add3A_75 = vector.broadcast %get3A_74 : vector<1x128xf32> to vector<2560x128xf32>
    %add3A_76 = arith.addf %add3A_71, %add3A_75 : vector<2560x128xf32>
    %get3A_77 = arith.constant 0 : index
    %get3A_78 = arith.constant 1 : index
    %get3A_79 = vector.load %arg4[%get3A_77, %get3A_78] : memref<2560x16xf32, #tpu.memory_space<vmem>>, vector<2560x1xf32>
    %log3A = math.log %get3A_79 : vector<2560x1xf32>
    %mul3A_80 = arith.constant 8.000000e+00 : f32
    %mul3A_81 = vector.broadcast %mul3A_80 : f32 to vector<2560x1xf32>
    %mul3A_82 = arith.mulf %mul3A_81, %log3A : vector<2560x1xf32>
    %sub3A = arith.subf %get3A_4, %mul3A_82 : vector<2560x1xf32>
    %exp3A = math.exp %sub3A : vector<2560x1xf32>
    %get3A_83 = arith.constant 0 : index
    %get3A_84 = arith.constant 0 : index
    %get3A_85 = vector.load %arg9[%get3A_83, %get3A_84] : memref<128x256xf32, #tpu.memory_space<vmem>>, vector<128x256xf32>
    %dot_general3A_86 = arith.constant dense<0.000000e+00> : vector<2560x256xf32>
    %dot_general3A_87 = tpu.matmul %add3A_76, %get3A_85, %dot_general3A_86 {dimension_numbers = #tpu.dot_dimension_numbers<[1], [0], [0], [1], [0, 0, 1, 1], [], []>, transpose_lhs_hint = false} : vector<2560x128xf32>, vector<128x256xf32>, vector<2560x256xf32> -> vector<2560x256xf32>
    %logistic3A = arith.negf %dot_general3A_87 : vector<2560x256xf32>
    %logistic3A_88 = math.exp %logistic3A : vector<2560x256xf32>
    %logistic3A_89 = arith.constant 1.000000e+00 : f32
    %logistic3A_90 = vector.broadcast %logistic3A_89 : f32 to vector<2560x256xf32>
    %logistic3A_91 = arith.addf %logistic3A_90, %logistic3A_88 : vector<2560x256xf32>
    %logistic3A_92 = arith.divf %logistic3A_90, %logistic3A_91 : vector<2560x256xf32>
    %mul3A_93 = arith.mulf %dot_general3A_87, %logistic3A_92 : vector<2560x256xf32>
    %get3A_94 = arith.constant 0 : index
    %get3A_95 = arith.constant 0 : index
    %get3A_96 = vector.load %arg10[%get3A_94, %get3A_95] : memref<256x16xf32, #tpu.memory_space<vmem>>, vector<256x16xf32>
    %dot_general3A_97 = arith.constant dense<0.000000e+00> : vector<2560x16xf32>
    %dot_general3A_98 = tpu.matmul %mul3A_93, %get3A_96, %dot_general3A_97 {dimension_numbers = #tpu.dot_dimension_numbers<[1], [0], [0], [1], [0, 0, 1, 1], [], []>, transpose_lhs_hint = false} : vector<2560x256xf32>, vector<256x16xf32>, vector<2560x16xf32> -> vector<2560x16xf32>
    %slice3A_99 = vector.extract_strided_slice %dot_general3A_98 {offsets = [0, 0], sizes = [2560, 1], strides = [1, 1]} : vector<2560x16xf32> to vector<2560x1xf32>
    %slice3A_100 = vector.extract_strided_slice %get3A_7 {offsets = [0, 0], sizes = [2560, 1], strides = [1, 1]} : vector<2560x9xf32> to vector<2560x1xf32>
    %mul3A_101 = arith.mulf %slice3A_100, %slice3A_99 : vector<2560x1xf32>
    %slice3A_102 = vector.extract_strided_slice %get3A_7 {offsets = [0, 1], sizes = [2560, 1], strides = [1, 1]} : vector<2560x9xf32> to vector<2560x1xf32>
    %mul3A_103 = arith.mulf %slice3A_102, %slice3A_99 : vector<2560x1xf32>
    %slice3A_104 = vector.extract_strided_slice %get3A_7 {offsets = [0, 2], sizes = [2560, 1], strides = [1, 1]} : vector<2560x9xf32> to vector<2560x1xf32>
    %mul3A_105 = arith.mulf %slice3A_104, %slice3A_99 : vector<2560x1xf32>
    %slice3A_106 = vector.extract_strided_slice %dot_general3A_98 {offsets = [0, 1], sizes = [2560, 1], strides = [1, 1]} : vector<2560x16xf32> to vector<2560x1xf32>
    %slice3A_107 = vector.extract_strided_slice %get3A_7 {offsets = [0, 3], sizes = [2560, 1], strides = [1, 1]} : vector<2560x9xf32> to vector<2560x1xf32>
    %mul3A_108 = arith.mulf %slice3A_107, %slice3A_106 : vector<2560x1xf32>
    %slice3A_109 = vector.extract_strided_slice %get3A_7 {offsets = [0, 4], sizes = [2560, 1], strides = [1, 1]} : vector<2560x9xf32> to vector<2560x1xf32>
    %mul3A_110 = arith.mulf %slice3A_109, %slice3A_106 : vector<2560x1xf32>
    %slice3A_111 = vector.extract_strided_slice %get3A_7 {offsets = [0, 5], sizes = [2560, 1], strides = [1, 1]} : vector<2560x9xf32> to vector<2560x1xf32>
    %mul3A_112 = arith.mulf %slice3A_111, %slice3A_106 : vector<2560x1xf32>
    %slice3A_113 = vector.extract_strided_slice %dot_general3A_98 {offsets = [0, 2], sizes = [2560, 1], strides = [1, 1]} : vector<2560x16xf32> to vector<2560x1xf32>
    %slice3A_114 = vector.extract_strided_slice %get3A_7 {offsets = [0, 6], sizes = [2560, 1], strides = [1, 1]} : vector<2560x9xf32> to vector<2560x1xf32>
    %mul3A_115 = arith.mulf %slice3A_114, %slice3A_113 : vector<2560x1xf32>
    %slice3A_116 = vector.extract_strided_slice %get3A_7 {offsets = [0, 7], sizes = [2560, 1], strides = [1, 1]} : vector<2560x9xf32> to vector<2560x1xf32>
    %mul3A_117 = arith.mulf %slice3A_116, %slice3A_113 : vector<2560x1xf32>
    %slice3A_118 = vector.extract_strided_slice %get3A_7 {offsets = [0, 8], sizes = [2560, 1], strides = [1, 1]} : vector<2560x9xf32> to vector<2560x1xf32>
    %mul3A_119 = arith.mulf %slice3A_118, %slice3A_113 : vector<2560x1xf32>
    %concatenate3A_120 = tpu.concatenate %mul3A_101, %mul3A_103, %mul3A_105, %mul3A_108, %mul3A_110, %mul3A_112, %mul3A_115, %mul3A_117, %mul3A_119 in 1 : vector<2560x1xf32>, vector<2560x1xf32>, vector<2560x1xf32>, vector<2560x1xf32>, vector<2560x1xf32>, vector<2560x1xf32>, vector<2560x1xf32>, vector<2560x1xf32>, vector<2560x1xf32> -> vector<2560x9xf32>
    %mul3A_121 = vector.broadcast %exp3A : vector<2560x1xf32> to vector<2560x128xf32>
    %mul3A_122 = arith.mulf %mul3A_121, %add3A_76 : vector<2560x128xf32>
    %mul3A_123 = vector.broadcast %exp3A : vector<2560x1xf32> to vector<2560x9xf32>
    %mul3A_124 = arith.mulf %mul3A_123, %concatenate3A_120 : vector<2560x9xf32>
    %broadcast_in_dim3A_125 = arith.constant 0.000000e+00 : f32
    %broadcast_in_dim3A_126 = vector.broadcast %broadcast_in_dim3A_125 : f32 to vector<2560x6xf32>
    %concatenate3A_127 = tpu.concatenate %mul3A_122, %mul3A_124, %exp3A, %broadcast_in_dim3A_126 in 1 : vector<2560x128xf32>, vector<2560x9xf32>, vector<2560x1xf32>, vector<2560x6xf32> -> vector<2560x144xf32>
    %swap3A = arith.constant 0 : index
    %swap3A_128 = arith.constant 0 : index
    %swap3A_129 = vector.load %arg11[%swap3A, %swap3A_128] : memref<2560x144xf32, #tpu.memory_space<vmem>>, vector<2560x144xf32>
    tpu.vector_store %arg11[%swap3A, %swap3A_128], %concatenate3A_127 {strides = array<i32>} : memref<2560x144xf32, #tpu.memory_space<vmem>>, vector<2560x144xf32>,
    return
  }
  func.func @transform_0(%arg0: i32) -> (i32, i32) {
    %c0_i32 = arith.constant 0 : i32
    %c0_i32_0 = arith.constant 0 : i32
    return %arg0, %c0_i32 : i32, i32
  }
  func.func @transform_1(%arg0: i32) -> (i32, i32) {
    %c0_i32 = arith.constant 0 : i32
    %c0_i32_0 = arith.constant 0 : i32
    return %arg0, %c0_i32 : i32, i32
  }
  func.func @transform_2(%arg0: i32) -> (i32, i32) {
    %c0_i32 = arith.constant 0 : i32
    %c0_i32_0 = arith.constant 0 : i32
    return %arg0, %c0_i32 : i32, i32
  }
  func.func @transform_3(%arg0: i32) -> (i32, i32) {
    %c0_i32 = arith.constant 0 : i32
    %c0_i32_0 = arith.constant 0 : i32
    return %arg0, %c0_i32 : i32, i32
  }
  func.func @transform_4(%arg0: i32) -> (i32, i32) {
    %c0_i32 = arith.constant 0 : i32
    %c0_i32_0 = arith.constant 0 : i32
    %c0_i32_1 = arith.constant 0 : i32
    return %c0_i32, %c0_i32_0 : i32, i32
  }
  func.func @transform_5(%arg0: i32) -> (i32, i32) {
    %c0_i32 = arith.constant 0 : i32
    %c0_i32_0 = arith.constant 0 : i32
    %c0_i32_1 = arith.constant 0 : i32
    return %c0_i32, %c0_i32_0 : i32, i32
  }
  func.func @transform_6(%arg0: i32) -> (i32, i32) {
    %c0_i32 = arith.constant 0 : i32
    %c0_i32_0 = arith.constant 0 : i32
    %c0_i32_1 = arith.constant 0 : i32
    return %c0_i32, %c0_i32_0 : i32, i32
  }
  func.func @transform_7(%arg0: i32) -> (i32, i32) {
    %c0_i32 = arith.constant 0 : i32
    %c0_i32_0 = arith.constant 0 : i32
    %c0_i32_1 = arith.constant 0 : i32
    return %c0_i32, %c0_i32_0 : i32, i32
  }
  func.func @transform_8(%arg0: i32) -> (i32, i32) {
    %c0_i32 = arith.constant 0 : i32
    %c0_i32_0 = arith.constant 0 : i32
    %c0_i32_1 = arith.constant 0 : i32
    return %c0_i32, %c0_i32_0 : i32, i32
  }
  func.func @transform_9(%arg0: i32) -> (i32, i32) {
    %c0_i32 = arith.constant 0 : i32
    %c0_i32_0 = arith.constant 0 : i32
    %c0_i32_1 = arith.constant 0 : i32
    return %c0_i32, %c0_i32_0 : i32, i32
  }
  func.func @transform_10(%arg0: i32) -> (i32, i32) {
    %c0_i32 = arith.constant 0 : i32
    %c0_i32_0 = arith.constant 0 : i32
    return %arg0, %c0_i32 : i32, i32
  }
}

module attributes {stable_mosaic.version = 14 : i64} {
  func.func @body(%arg0: i32, %arg1: memref<2x1000x144xf32, #tpu.memory_space<vmem>>, %arg2: memref<1000x128xf32, #tpu.memory_space<vmem>>, %arg3: memref<1000x9xf32, #tpu.memory_space<vmem>>, %arg4: memref<1000x128xf32, #tpu.memory_space<vmem>>, %arg5: memref<1000x9xf32, #tpu.memory_space<vmem>>) attributes {dimension_semantics = [#tpu.dimension_semantics<parallel>], iteration_bounds = array<i64: 10>, scalar_prefetch = 0 : i64, scratch_operands = 0 : i64, tpu.core_type = #tpu.core_type<tc>, window_params = [{transform_indices = @transform_0, window_bounds = array<i64: 2, 1000, 144>}, {transform_indices = @transform_1, window_bounds = array<i64: 1000, 128>}, {transform_indices = @transform_2, window_bounds = array<i64: 1000, 9>}, {transform_indices = @transform_3, window_bounds = array<i64: 1000, 128>}, {transform_indices = @transform_4, window_bounds = array<i64: 1000, 9>}]} {
    %get3A = arith.constant 0 : index
    %get3A_0 = arith.constant 0 : index
    %get3A_1 = arith.constant 0 : index
    %get3A_2 = vector.load %arg1[%get3A, %get3A_0, %get3A_1] : memref<2x1000x144xf32, #tpu.memory_space<vmem>>, vector<1x1000x144xf32>
    %get3A_3 = vector.shape_cast %get3A_2 : vector<1x1000x144xf32> to vector<1000x144xf32>
    %get3A_4 = arith.constant 1 : index
    %get3A_5 = arith.constant 0 : index
    %get3A_6 = arith.constant 0 : index
    %get3A_7 = vector.load %arg1[%get3A_4, %get3A_5, %get3A_6] : memref<2x1000x144xf32, #tpu.memory_space<vmem>>, vector<1x1000x144xf32>
    %get3A_8 = vector.shape_cast %get3A_7 : vector<1x1000x144xf32> to vector<1000x144xf32>
    %add3A = arith.addf %get3A_3, %get3A_8 : vector<1000x144xf32>
    %slice3A = vector.extract_strided_slice %add3A {offsets = [0, 137], sizes = [1000, 1], strides = [1, 1]} : vector<1000x144xf32> to vector<1000x1xf32>
    %gt3A = arith.constant 0.000000e+00 : f32
    %gt3A_9 = vector.broadcast %gt3A : f32 to vector<1000x1xf32>
    %gt3A_10 = arith.cmpf ogt, %slice3A, %gt3A_9 : vector<1000x1xf32>
    %gt3A_11 = arith.constant 0.000000e+00 : f32
    %gt3A_12 = vector.broadcast %gt3A_11 : f32 to vector<1000x1xf32>
    %gt3A_13 = arith.cmpf ogt, %slice3A, %gt3A_12 : vector<1000x1xf32>
    %jit3A = arith.constant 1.000000e+00 : f32
    %broadcast_in_dim3A = vector.broadcast %jit3A : f32 to vector<1000x1xf32>
    %select_n3A = arith.select %gt3A_13, %slice3A, %broadcast_in_dim3A : vector<1000x1xi1>, vector<1000x1xf32>
    %div3A = arith.constant 1.000000e+00 : f32
    %div3A_14 = vector.broadcast %div3A : f32 to vector<1000x1xf32>
    %div3A_15 = arith.divf %div3A_14, %select_n3A : vector<1000x1xf32>
    %jit3A_16 = arith.constant 0.000000e+00 : f32
    %broadcast_in_dim3A_17 = vector.broadcast %jit3A_16 : f32 to vector<1000x1xf32>
    %select_n3A_18 = arith.select %gt3A_10, %div3A_15, %broadcast_in_dim3A_17 : vector<1000x1xi1>, vector<1000x1xf32>
    %get3A_19 = arith.constant 0 : index
    %get3A_20 = arith.constant 0 : index
    %get3A_21 = vector.load %arg2[%get3A_19, %get3A_20] : memref<1000x128xf32, #tpu.memory_space<vmem>>, vector<1000x128xf32>
    %slice3A_22 = vector.extract_strided_slice %add3A {offsets = [0, 0], sizes = [1000, 128], strides = [1, 1]} : vector<1000x144xf32> to vector<1000x128xf32>
    %mul3A = vector.broadcast %select_n3A_18 : vector<1000x1xf32> to vector<1000x128xf32>
    %mul3A_23 = arith.mulf %slice3A_22, %mul3A : vector<1000x128xf32>
    %add3A_24 = arith.addf %get3A_21, %mul3A_23 : vector<1000x128xf32>
    %swap3A = arith.constant 0 : index
    %swap3A_25 = arith.constant 0 : index
    %swap3A_26 = vector.load %arg4[%swap3A, %swap3A_25] : memref<1000x128xf32, #tpu.memory_space<vmem>>, vector<1000x128xf32>
    tpu.vector_store %arg4[%swap3A, %swap3A_25], %add3A_24 {strides = array<i32>} : memref<1000x128xf32, #tpu.memory_space<vmem>>, vector<1000x128xf32>,
    %slice3A_27 = vector.extract_strided_slice %add3A {offsets = [0, 128], sizes = [1000, 9], strides = [1, 1]} : vector<1000x144xf32> to vector<1000x9xf32>
    %mul3A_28 = vector.broadcast %select_n3A_18 : vector<1000x1xf32> to vector<1000x9xf32>
    %mul3A_29 = arith.mulf %slice3A_27, %mul3A_28 : vector<1000x9xf32>
    %get3A_30 = arith.constant 0 : index
    %get3A_31 = arith.constant 0 : index
    %get3A_32 = vector.load %arg3[%get3A_30, %get3A_31] : memref<1000x9xf32, #tpu.memory_space<vmem>>, vector<1000x9xf32>
    %jit3A_33 = arith.constant -1.000000e+01 : f32
    %jit3A_34 = arith.constant 1.000000e+01 : f32
    %max3A = vector.broadcast %jit3A_33 : f32 to vector<1000x9xf32>
    %max3A_35 = arith.maximumf %max3A, %mul3A_29 : vector<1000x9xf32>
    %min3A = vector.broadcast %jit3A_34 : f32 to vector<1000x9xf32>
    %min3A_36 = arith.minimumf %min3A, %max3A_35 : vector<1000x9xf32>
    %add3A_37 = arith.addf %get3A_32, %min3A_36 : vector<1000x9xf32>
    %swap3A_38 = arith.constant 0 : index
    %swap3A_39 = arith.constant 0 : index
    %swap3A_40 = vector.load %arg5[%swap3A_38, %swap3A_39] : memref<1000x9xf32, #tpu.memory_space<vmem>>, vector<1000x9xf32>
    tpu.vector_store %arg5[%swap3A_38, %swap3A_39], %add3A_37 {strides = array<i32>} : memref<1000x9xf32, #tpu.memory_space<vmem>>, vector<1000x9xf32>,
    return
  }
  func.func @transform_0(%arg0: i32) -> (i32, i32, i32) {
    %c0_i32 = arith.constant 0 : i32
    %c0_i32_0 = arith.constant 0 : i32
    %c0_i32_1 = arith.constant 0 : i32
    return %c0_i32, %arg0, %c0_i32_0 : i32, i32, i32
  }
  func.func @transform_1(%arg0: i32) -> (i32, i32) {
    %c0_i32 = arith.constant 0 : i32
    %c0_i32_0 = arith.constant 0 : i32
    return %arg0, %c0_i32 : i32, i32
  }
  func.func @transform_2(%arg0: i32) -> (i32, i32) {
    %c0_i32 = arith.constant 0 : i32
    %c0_i32_0 = arith.constant 0 : i32
    return %arg0, %c0_i32 : i32, i32
  }
  func.func @transform_3(%arg0: i32) -> (i32, i32) {
    %c0_i32 = arith.constant 0 : i32
    %c0_i32_0 = arith.constant 0 : i32
    return %arg0, %c0_i32 : i32, i32
  }
  func.func @transform_4(%arg0: i32) -> (i32, i32) {
    %c0_i32 = arith.constant 0 : i32
    %c0_i32_0 = arith.constant 0 : i32
    return %arg0, %c0_i32 : i32, i32
  }
}

</mosaic_0001>

<sc_bundles>
// kernel: kernel.12.cloned.1.call-start
scs
__scs_entry_jumppad:
0x0: {  	(pc) =	sbr.rel $0x88, $3  }
0x1: {  	(tag) =	ssettag $0x0;
	lr =	simm.s32 $0x1  }
0x2: {  	[smem:$0x3F97] =	sst lr;
	_ =	strace $0xD0000000  }
0x3: {  	_ = 	snop  }
0x4: {  	_ = 	snop  }
0x5: {  	_ = 	snop  }
0x6: {  	_ = 	snop  }
0x7: {  	_ = 	snop  }
__scs_overlays_trampoline_lowered:
0x8: {  	[smem:$0x3FA6] =	sst s0  }
0x9: {  	[smem:$0x3FA7] =	sst s1  }
0xa: {  	[smem:$0x3FA8] =	sst s2  }
0xb: {  	[smem:$0x3FA9] =	sst s3  }
0xc: {  	[smem:$0x3FAA] =	sst s4  }
0xd: {  	[smem:$0x3FAB] =	sst s5  }
0xe: {  	[smem:$0x3FAC] =	sst s6  }
0xf: {  	[smem:$0x3FAD] =	sst s7  }
0x10: {  	[smem:$0x3FAE] =	sst s8  }
0x11: {  	[smem:$0x3FAF] =	sst s9;
	s0 =	simm.s32 @!p0 $0x0  }
0x12: {  	s1 =	sld [smem:$0x3F95];
	s0 =	simm.s32 @p0 $0x1  }
0x13: {  	[smem:$0x3FB0] =	sst s0;
	s0 =	simm.s32 @!p1 $0x0  }
0x14: {  	s2 =	sld [smem:$0x3F94];
	s0 =	simm.s32 @p1 $0x1  }
0x15: {  	[smem:$0x3FB1] =	sst s0;
	s0 =	simm.s32 @!p2 $0x0  }
0x16: {  	s3 =	sld [smem:$0x3FDB];
	s0 =	simm.s32 @p2 $0x1  }
0x17: {  	s4 =	simm.s32 $0x1BF5;
	[smem:$0x3FB3] =	sst s0  }
0x18: {  	s0 =	sld [smem:$0x3F96];
	_ =	swait.ge [sflag:s4], $0x0  }
0x19: {  	s7 =	sld [smem:$0x3F97]  }
0x1a: {  	s8 =	sadd.s32 $0xFFFFE003, lr  }
0x1b: {  	s9 =	sadd.s32 $0xFFFFFEF7, lr;
	s5 =	simm.s32 $0xFFFFFFFF;
	p2 =	slt.u32 s8, $0xFFFFF086  }
0x1c: {  	p1 =	slt.u32 s9, $0xF7A;
	s5 =	simm.s32 @!p2 $0x0  }
0x1d: {  	s5 =	simm.s32 @p1 $0x1;
	p0 =	seq.s32 s7, s2  }
0x1e: {  	s7 =	smul.u32 @!p0 $0xF7A, s2;
	p2 =	seq.s32 @!p0 s5, $0x0  }
0x1f: {  	s9 =	smul.u32 $0xF7A, s1;
	s8 =	simm.s32 @!p0 $0x1BF5;
	p2 =	por !p2, p0  }
0x20: {  	[sflag:s8] =	ssyncset.s32 @!p0 $0xFFFFF086;
	s6 =	sadd.s32 @!p0 s3, s7;
	s7 =	simm.s32 @!p0 $0x108  }
0x21: {  	s3 =	sadd.s32 s3, s9;
	s6 =	sadd.s32 @!p0 $0x88, s6;
	s7 =	simm.s32 @p2 $0x1082  }
0x22: {  	[simem:s7], [sflag:s8] =	dma.local @!p0 [hbm:s6], $0xF7A  }
0x23: {  	s9 =	sor.u32 $0xD0000000, s2;
	s6 =	simm.s32 $0x108;
	_ =	swait.ge @!p0 [sflag:s8], $0x0  }
0x24: {  	s3 =	sadd.s32 $0x88, s3;
	s6 =	simm.s32 @!p1 $0x1082;
	[sflag:s4] =	ssyncset.s32 $0xFFFFF086  }
0x25: {  	[simem:s6], [sflag:s4] =	dma.local [hbm:s3], $0xF7A  }
0x26: {  	[smem:$0x3F97] =	sst s1;
	(tag) =	ssettag s2;
	_ =	strace s9  }
0x27: {  	s1 =	sld [smem:$0x3FA7]  }
0x28: {  	s2 =	sld [smem:$0x3FA8]  }
0x29: {  	s4 =	sld [smem:$0x3FAA]  }
0x2a: {  	p0 =	seq.s32 s5, $0x0;
	s5 =	sld [smem:$0x3FAB]  }
0x2b: {  	s6 =	sld [smem:$0x3FAC]  }
0x2c: {  	s7 =	sld [smem:$0x3FAD]  }
0x2d: {  	s3 =	simm.s32 $0x108;
	s8 =	sld [smem:$0x3FAE]  }
0x2e: {  	s3 =	simm.s32 @!p0 $0x1082;
	s9 =	sld [smem:$0x3FAF]  }
0x2f: {  	lr =	sadd.s32 s0, s3;
	s0 =	sld [smem:$0x3FA6]  }
0x30: {  	s3 =	sld [smem:$0x3FA9]  }
0x31: {  	[smem:$0x3FB2] =	sst s10  }
0x32: {  	s10 =	sld [smem:$0x3FB0];
	_ =	sdelay $0x3  }
0x33: {  	p0 =	seq.s32 s10, $0x1;
	s10 =	sld [smem:$0x3FB2];
	_ =	sdelay $0x3  }
0x34: {  	[smem:$0x3FB2] =	sst s10  }
0x35: {  	s10 =	sld [smem:$0x3FB1];
	_ =	sdelay $0x3  }
0x36: {  	p1 =	seq.s32 s10, $0x1;
	s10 =	sld [smem:$0x3FB2];
	_ =	sdelay $0x3  }
0x37: {  	[smem:$0x3FB2] =	sst s10  }
0x38: {  	s10 =	sld [smem:$0x3FB3]  }
0x39: {  	_ = 	snop;
	(pc) =	sbr.ind lr, $3  }
0x3a: {  	_ = 	snop  }
0x3b: {  	_ = 	snop  }
0x3c: {  	p2 =	seq.s32 s10, $0x1;
	s10 =	sld [smem:$0x3FB2]  }
0x3d: {  	_ =	shalt  }
0x3e: {  	_ =	shalt  }
0x3f: {  	_ =	shalt  }
0x40: {  	_ =	shalt  }
0x41: {  	_ =	shalt  }
0x42: {  	_ =	shalt  }
0x43: {  	_ =	shalt  }
0x44: {  	_ =	shalt  }
0x45: {  	_ =	shalt  }
0x46: {  	_ =	shalt  }
0x47: {  	_ =	shalt  }
0x48: {  	_ =	shalt  }
0x49: {  	_ =	shalt  }
0x4a: {  	_ =	shalt  }
0x4b: {  	_ =	shalt  }
0x4c: {  	_ =	shalt  }
0x4d: {  	_ =	shalt  }
0x4e: {  	_ =	shalt  }
0x4f: {  	_ =	shalt  }
0x50: {  	_ =	shalt  }
0x51: {  	_ =	shalt  }
0x52: {  	_ =	shalt  }
0x53: {  	_ =	shalt  }
0x54: {  	_ =	shalt  }
0x55: {  	_ =	shalt  }
0x56: {  	_ =	shalt  }
0x57: {  	_ =	shalt  }
0x58: {  	_ =	shalt  }
0x59: {  	_ =	shalt  }
0x5a: {  	_ =	shalt  }
0x5b: {  	_ =	shalt  }
0x5c: {  	_ =	shalt  }
0x5d: {  	_ =	shalt  }
0x5e: {  	_ =	shalt  }
0x5f: {  	_ =	shalt  }
0x60: {  	_ =	shalt  }
0x61: {  	_ =	shalt  }
0x62: {  	_ =	shalt  }
0x63: {  	_ =	shalt  }
0x64: {  	_ =	shalt  }
0x65: {  	_ =	shalt  }
0x66: {  	_ =	shalt  }
0x67: {  	_ =	shalt  }
0x68: {  	_ =	shalt  }
0x69: {  	_ =	shalt  }
0x6a: {  	_ =	shalt  }
0x6b: {  	_ =	shalt  }
0x6c: {  	_ =	shalt  }
0x6d: {  	_ =	shalt  }
0x6e: {  	_ =	shalt  }
0x6f: {  	_ =	shalt  }
0x70: {  	_ =	shalt  }
0x71: {  	_ =	shalt  }
0x72: {  	_ =	shalt  }
0x73: {  	_ =	shalt  }
0x74: {  	_ =	shalt  }
0x75: {  	_ =	shalt  }
0x76: {  	_ =	shalt  }
0x77: {  	_ =	shalt  }
0x78: {  	_ =	shalt  }
0x79: {  	_ =	shalt  }
0x7a: {  	_ =	shalt  }
0x7b: {  	_ =	shalt  }
0x7c: {  	_ =	shalt  }
0x7d: {  	_ =	shalt  }
0x7e: {  	_ =	shalt  }
0x7f: {  	_ =	shalt  }
0x80: {  	_ =	shalt  }
0x81: {  	_ =	shalt  }
0x82: {  	_ =	shalt  }
0x83: {  	_ =	shalt  }
0x84: {  	_ =	shalt  }
0x85: {  	_ =	shalt  }
0x86: {  	_ =	shalt  }
0x87: {  	_ =	shalt  }
.Lfunc_end0:
.L_simem_size_0:
called_computation.1_lowered:
.L_overlay_start_0:
0x88: {  	s2 =	sld [smem:$0x3FD9]  }
0x89: {  	s3 =	sld [smem:$0x3FFE];
	_ =	sdelay $0x1  }
0x8a: {  	s1 =	srdreg.scid  }
0x8b: {  	s0 =	sand.u32 $0x1, s1  }
0x8c: {  	s16 =	sshll.u32 s0, $0xA;
	s2 =	sadd.s32 s3, s2  }
0x8d: {  	s2 =	sadd.s32 s2, s16  }
0x8e: {  	[smem:$0x3FBE] =	sst s2  }
0x8f: {  	_ = 	snop  }
0x90: {  	(tm) =	ssettm $0x1  }
0x91: {  	s17 =	sld [smem:$0x3FFB];
	_ =	sdelay $0x3  }
0x92: {  	_ =	strace s17  }
0x93: {  	s2 =	sld [smem:$0x3FFC];
	_ =	sdelay $0x3  }
0x94: {  	_ =	strace s2  }
0x95: {  	s2 =	sld [smem:$0x3FFD];
	_ =	sdelay $0x3  }
0x96: {  	_ =	strace s2  }
0x97: {  	_ =	strace $0x8FFFFFFF  }
0x98: {  	s18 =	sld [smem:$0x3FDB];
	_ =	sdelay $0x1  }
0x99: {  	s19 =	simm.s32 $_scs_section_size  }
0x9a: {  	s4 =	simm.s32 $_size__tile_overlayer_lowered;
	s5 =	simm.s32 $_tile_overlayer_lowered  }
0x9b: {  	s22 =	simm.s32 $0x1BFF;
	s21 =	sshll.u32 s5, $0x1;
	s2 =	sadd.s32 s19, s18  }
0x9c: {  	s6 =	simm.s32 $0x0;
	s20 =	sshll.u32 s4, $0x1;
	s4 =	sadd.s32 s21, s2  }
0x9d: {  	[timem:s6], [sflag:s22] =	dma.local [hbm:s4], s20  }
0x9e: {  	_ =	swait.ge [sflag:s22], s20  }
0x9f: {  	s3 =	ssub.s32 $0x0, s20;
	[sflag:s22] =	ssyncset.done $0x0  }
0xa0: {  	[sflag:s22] =	ssyncadd.s32 s3;
	_ =	sdelay $0x1  }
0xa1: {  	s23 =	simm.s32 $0x1B8B  }
0xa2: {  	_ =	swait.ge [sflag:s23], $0x1  }
0xa3: {  	[sflag:s23] =	ssyncset.done $0x0  }
0xa4: {  	s25 =	simm.s32 $0x1B8E;
	s24 =	sld [smem:$0x3FFE];
	[sflag:s23] =	ssyncadd.s32 $0xFFFFFFFF  }
0xa5: {  	s26 =	simm.s32 $execute0_lowered;
	[smem:$0x3FD2] =	sst s25  }
0xa6: {  	s4 =	sshll.u32 s26, $0x1;
	_ =	strace $0x80000049;
	[dreg:$0x1] =	wrdreg $0xFFFFFFFF  }
0xa7: {  	s28 =	simm.s32 $_size_execute0_lowered;
	s2 =	sadd.s32 s2, s4;
	[dreg:$0x0] =	wrdreg $0x0  }
0xa8: {  	s4 =	sshll.u32 s28, $0x1;
	[dreg:$0x2] =	wrdreg s2  }
0xa9: {  	[dreg:$0x3] =	wrdreg s4  }
0xaa: {  	[dreg:$0x4] =	wrdreg $0xC0  }
0xab: {  	_ =	task [dreg:s6], $0x5FFFF  }
0xac: {  	[dreg:$0x1] =	wrdreg $0xFFFFFFFF  }
0xad: {  	[dreg:$0x0] =	wrdreg $0x60  }
0xae: {  	[dreg:$0x2] =	wrdreg s24  }
0xaf: {  	[dreg:$0x3] =	wrdreg $0xAA00  }
0xb0: {  	[dreg:$0x4] =	wrdreg $0x9  }
0xb1: {  	_ =	task.clear_ibuf [dreg:s6], $0x5FFFF;
	_ =	strace $0x90000049  }
0xb2: {  	s29 =	simm.s32 $0x9;
	_ =	strace $0x8000004B  }
0xb3: {  	_ =	swait.ge [sflag:s29], $0x1  }
0xb4: {  	[sflag:s29] =	ssyncadd.s32 $0xFFFFFFFF  }
0xb5: {  	_ =	strace $0x9000004B  }
0xb6: {  	_ =	sfence  }
0xb7: {  	s30 =	sld [smem:$0x0];
	_ =	sdelay $0x2  }
0xb8: {  	s31 =	sshll.u32 s1, $0xD;
	s1 =	sshrl.u32 s1, $0x2  }
0xb9: {  	s3 =	sand.u32 $0x4000, s31;
	s1 =	sadd.s32 s1, s30  }
0xba: {  	s0 =	sor.u32 s3, s0;
	s1 =	sshll.u32 s1, $0x11  }
0xbb: {  	s0 =	sor.u32 s1, s0  }
0xbc: {  	s0 =	sadd.s32 $0x8F2B, s0  }
0xbd: {  	[sflag:s0] =	ssyncadd.remote.s32 $0x1  }
0xbe: {  	_ =	sfence.sel $0xFFFF  }
0xbf: {  	[dreg:$0x0] =	wrdreg $0xFFFFFFFF;
	(pc) =	sbr.abs _section_cstart, $3  }
0xc0: {  	[dreg:$0x1] =	wrdreg $0xFFFFFFFF  }
0xc1: {  	_ =	task.clear_ibuf [dreg:s6], $0x2FFFF;
	_ =	strace $0x9FFFFFFF  }
0xc2: {  	(tm) =	ssettm $0x7FFFFFFF  }
0xc3: {  	_ =	shalt  }
tec
execute0_lowered:
.L_overlay_start_1:
0x0: {  	(tag) =	ssettag $0x1  }
0x1: {  	s1 =	srdreg.scid  }
0x2: {  	s1 =	sand.u32 $0x1, s1  }
0x3: {  	p0 =	seq.s32 s1, $0x1  }
.Ltmp0:
0x4: {  	_ = 	snop;
	(pc) =	sbr.rel @p0 .LBB2_4-.Ltmp0, $4  }
0x5: {  	s15 =	rddreg [dreg:$0x0]  }
0x6: {  	s2 =	rddreg [dreg:$0x1];
	s4 =	simm.s32 $0x0  }
0x7: {  	[smem:$0x7FF] =	sst s4  }
0x8: {  	s0 =	rddreg [dreg:$0x2];
	_ =	strace $0x8000004A;
	s1 =	stileid.u32  }
0x9: {  	s5 =	smul.u32 $0x2700, s1  }
0xa: {  	s3 =	sadd.s32 $0x24900, s2;
	p0 =	seq.s32 s1, $0xF;
	s6 =	sadd.s32 $0x9520, s15  }
0xb: {  	s29 =	smul.u32 $0x9C40, s1;
	s3 =	sshrl.u32 @p0 s3, $0x3;
	s7 =	simm.s32 @p0 $0x1FC3  }
0xc: {  	[spmem:s3], [sflag:s7] =	dma.local @p0 [hbm:s6], $0x500  }
0xd: {  	s28 =	sshrl.u32 s5, $0x3;
	s7 =	simm.s32 @p0 $0x3;
	s6 =	sadd.s32 s5, s2  }
0xe: {  	s5 =	sshll.u32 @!p0 s1, $0x6;
	s11 =	sadd.s32 s28, s15;
	_ =	swait.ge @p0 [sflag:s7], $0x500  }
0xf: {  	s5 =	sor.u32 @!p0 $0x1C03, s5;
	s6 =	sshrl.u32 @!p0 s6, $0x3;
	[sflag:s7] =	ssyncset.done @p0 $0x0  }
0x10: {  	s8 =	sadd.s32 $0x4C00, s11;
	[sflag:s7] =	ssyncadd.s32 @p0 $0xFFFFFB00;
	s7 =	simm.s32 @!p0 $0x3  }
0x11: {  	[spmem:s6], [sflag:s5] =	dma.local @!p0 [hbm:s8], $0x4E0  }
0x12: {  	s9 =	smul.u32 $0x9C4, s1;
	_ =	swait.ge @!p0 [sflag:s7], $0x4E0  }
0x13: {  	s10 =	sadd.s32 $0x4FA800, s15;
	s12 =	sadd.s32 $0xEA00, s15;
	[sflag:s7] =	ssyncset.done @!p0 $0x0  }
0x14: {  	s30 =	sadd.s32 s29, s10;
	s13 =	sadd.s32 s9, s12;
	[sflag:s7] =	ssyncadd.s32 @!p0 $0xFFFFFB20  }
0x15: {  	s16 =	sadd.s32 $0xA0, s30;
	s31 =	sadd.s32 $0x0, s13;
	[bflag:$0x0] =	sbarrier.arrive $0xFFFF  }
0x16: {  	[tilespmem:s4], [sflag:$0x1] =	stream.linear.gather [hbm4b:s31+s4], $0x50, $0x38;
	[tilespmem:$0x31B0] =	vst v63  }
0x17: {  	s9 =	simm.s32 $0xA0;
	s7 =	sadd.s32 $0xFFFFFF60, s16  }
0x18: {  	[tilespmem:s9], [sflag:$0x1] =	stream.linear.gather [hbm4b:s7+s4], $0x500, $0x38;
	[tilespmem:$0x31B0] =	vst v63  }
0x19: {  	s8 =	sadd.s32 $0xA, s31;
	s7 =	simm.s32 $0x50  }
0x1a: {  	[tilespmem:s7], [sflag:$0x2] =	stream.linear.gather [hbm4b:s8+s4], $0x50, $0x38;
	[tilespmem:$0x31B0] =	vst v63  }
0x1b: {  	s12 =	simm.s32 $0x1;
	s8 =	simm.s32 $0x5A0  }
0x1c: {  	[tilespmem:s8], [sflag:$0x2] =	stream.linear.gather [hbm4b:s16+s4], $0x500, $0x38;
	[tilespmem:$0x31B0] =	vst v63  }
0x1d: {  	_ =	swait.ge [sflag:s12], $0x50  }
0x1e: {  	[sflag:s12] =	ssyncset.done $0x0  }
0x1f: {  	[sflag:s12] =	ssyncadd.s32 $0xFFFFFFB0  }
0x20: {  	_ =	swait.ge [sflag:s12], $0x500  }
0x21: {  	[sflag:s12] =	ssyncset.done $0x0  }
0x22: {  	s10 =	simm.s32 $0x3;
	[sflag:s12] =	ssyncadd.s32 $0xFFFFFB00  }
0x23: {  	[spmem:s2] =	stream.indirect.scatter.add.f32 [tilespmem:s9], [sflag:$0x3], $0x10, s4, s7, $0xb8;
	[tilespmem:$0x31B0] =	vst v63  }
0x24: {  	_ =	swait.ge [sflag:s10], $0x500  }
0x25: {  	[sflag:s10] =	ssyncset.done $0x0  }
0x26: {  	s14 =	simm.s32 $0x2;
	[sflag:s10] =	ssyncadd.s32 $0xFFFFFB00  }
0x27: {  	_ =	swait.ge [sflag:s14], $0x50  }
0x28: {  	[sflag:s14] =	ssyncset.done $0x0  }
0x29: {  	[sflag:s14] =	ssyncadd.s32 $0xFFFFFFB0  }
0x2a: {  	_ =	swait.ge [sflag:s14], $0x500  }
0x2b: {  	[sflag:s14] =	ssyncset.done $0x0  }
0x2c: {  	s17 =	simm.s32 $0x14;
	[sflag:s14] =	ssyncadd.s32 $0xFFFFFB00  }
0x2d: {  	[spmem:s2] =	stream.indirect.scatter.add.f32 [tilespmem:s8], [sflag:$0x3], $0x10, s7, s7, $0xb8;
	[tilespmem:$0x31B0] =	vst v63  }
0x2e: {  	s18 =	simm.s32 $0x28;
	s15 =	sadd.s32 $0x59B520, s15;
	_ =	swait.ge [sflag:s10], $0x500  }
0x2f: {  	s11 =	sadd.s32 $0x596C00, s11;
	s16 =	sadd.s32 $0x140, s16;
	[sflag:s10] =	ssyncset.done $0x0  }
.LBB2_2:
0x30: {  	s19 =	sadd.s32 s17, s13  }
0x31: {  	[sflag:s10] =	ssyncadd.s32 $0xFFFFFB00;
	s17 =	smov.u32 s18;
	s20 =	sadd.s32 $0x14, s18  }
0x32: {  	[tilespmem:s4], [sflag:$0x1] =	stream.linear.gather [hbm4b:s19+s4], $0x50, $0x38;
	[tilespmem:$0x31B0] =	vst v63  }
0x33: {  	p1 =	sne.s32 s18, $0x9B0;
	s18 =	sadd.s32 $0xFFFFFF60, s16  }
0x34: {  	[tilespmem:s9], [sflag:$0x1] =	stream.linear.gather [hbm4b:s18+s4], $0x500, $0x38;
	[tilespmem:$0x31B0] =	vst v63  }
0x35: {  	s18 =	sadd.s32 $0xA, s19  }
0x36: {  	[tilespmem:s7], [sflag:$0x2] =	stream.linear.gather [hbm4b:s18+s4], $0x50, $0x38;
	[tilespmem:$0x31B0] =	vst v63  }
0x37: {  	_ = 	snop  }
0x38: {  	[tilespmem:s8], [sflag:$0x2] =	stream.linear.gather [hbm4b:s16+s4], $0x500, $0x38;
	[tilespmem:$0x31B0] =	vst v63  }
0x39: {  	_ =	swait.ge [sflag:s12], $0x50  }
0x3a: {  	[sflag:s12] =	ssyncset.done $0x0  }
0x3b: {  	[sflag:s12] =	ssyncadd.s32 $0xFFFFFFB0  }
0x3c: {  	_ =	swait.ge [sflag:s12], $0x500  }
0x3d: {  	[sflag:s12] =	ssyncset.done $0x0  }
0x3e: {  	[sflag:s12] =	ssyncadd.s32 $0xFFFFFB00  }
0x3f: {  	[spmem:s2] =	stream.indirect.scatter.add.f32 [tilespmem:s9], [sflag:$0x3], $0x10, s4, s7, $0xb8;
	[tilespmem:$0x31B0] =	vst v63  }
0x40: {  	_ =	swait.ge [sflag:s10], $0x500  }
0x41: {  	[sflag:s10] =	ssyncset.done $0x0  }
0x42: {  	[sflag:s10] =	ssyncadd.s32 $0xFFFFFB00  }
0x43: {  	_ =	swait.ge [sflag:s14], $0x50  }
0x44: {  	[sflag:s14] =	ssyncset.done $0x0  }
0x45: {  	[sflag:s14] =	ssyncadd.s32 $0xFFFFFFB0  }
0x46: {  	_ =	swait.ge [sflag:s14], $0x500  }
.Ltmp1:
0x47: {  	[sflag:s14] =	ssyncset.done $0x0;
	(pc) =	sbr.rel @p1 .LBB2_2-.Ltmp1, $4  }
0x48: {  	[sflag:s14] =	ssyncadd.s32 $0xFFFFFB00  }
0x49: {  	[spmem:s2] =	stream.indirect.scatter.add.f32 [tilespmem:s8], [sflag:$0x3], $0x10, s7, s7, $0xb8;
	[tilespmem:$0x31B0] =	vst v63  }
0x4a: {  	_ =	swait.ge [sflag:s10], $0x500  }
0x4b: {  	s18 =	smov.u32 s20;
	s16 =	sadd.s32 $0x140, s16;
	[sflag:s10] =	ssyncset.done $0x0  }
0x4c: {  	s13 =	sadd.s32 s17, s13;
	[sflag:s10] =	ssyncadd.s32 $0xFFFFFB00  }
0x4d: {  	[tilespmem:s4], [sflag:$0x1] =	stream.linear.gather [hbm4b:s13+s4], $0x50, $0x38;
	[tilespmem:$0x31B0] =	vst v63  }
0x4e: {  	s31 =	sadd.s32 $0xFFFFFF60, s16  }
0x4f: {  	[tilespmem:s9], [sflag:$0x1] =	stream.linear.gather [hbm4b:s31+s4], $0x500, $0x38;
	[tilespmem:$0x31B0] =	vst v63  }
0x50: {  	s13 =	sadd.s32 $0xA, s13  }
0x51: {  	[tilespmem:s7], [sflag:$0x2] =	stream.linear.gather [hbm4b:s13+s4], $0x50, $0x38;
	[tilespmem:$0x31B0] =	vst v63  }
0x52: {  	_ = 	snop  }
0x53: {  	[tilespmem:s8], [sflag:$0x2] =	stream.linear.gather [hbm4b:s16+s4], $0x500, $0x38;
	[tilespmem:$0x31B0] =	vst v63  }
0x54: {  	_ =	swait.ge [sflag:s12], $0x50  }
0x55: {  	[sflag:s12] =	ssyncset.done $0x0  }
0x56: {  	[sflag:s12] =	ssyncadd.s32 $0xFFFFFFB0  }
0x57: {  	_ =	swait.ge [sflag:s12], $0x500  }
0x58: {  	[sflag:s12] =	ssyncset.done $0x0  }
0x59: {  	[sflag:s12] =	ssyncadd.s32 $0xFFFFFB00  }
0x5a: {  	[spmem:s2] =	stream.indirect.scatter.add.f32 [tilespmem:s9], [sflag:$0x3], $0x10, s4, s7, $0xb8;
	[tilespmem:$0x31B0] =	vst v63  }
0x5b: {  	_ =	swait.ge [sflag:s10], $0x500  }
0x5c: {  	[sflag:s10] =	ssyncset.done $0x0  }
0x5d: {  	[sflag:s10] =	ssyncadd.s32 $0xFFFFFB00  }
0x5e: {  	_ =	swait.ge [sflag:s14], $0x50  }
0x5f: {  	[sflag:s14] =	ssyncset.done $0x0  }
0x60: {  	[sflag:s14] =	ssyncadd.s32 $0xFFFFFFB0  }
0x61: {  	_ =	swait.ge [sflag:s14], $0x500  }
0x62: {  	[sflag:s14] =	ssyncset.done $0x0  }
0x63: {  	[sflag:s14] =	ssyncadd.s32 $0xFFFFFB00  }
0x64: {  	[spmem:s2] =	stream.indirect.scatter.add.f32 [tilespmem:s8], [sflag:$0x3], $0x10, s7, s7, $0xb8;
	[tilespmem:$0x31B0] =	vst v63  }
0x65: {  	_ =	swait.ge [sflag:s10], $0x500  }
0x66: {  	[sflag:s10] =	ssyncset.done $0x0  }
0x67: {  	[sflag:s10] =	ssyncadd.s32 $0xFFFFFB00  }
0x68: {  	s2 =	simm.s32 @p0 $0x1FC3;
	[bflag:$0x0] =	sbarrier.arrive $0xFFFF  }
0x69: {  	[hbm:s15], [sflag:s2] =	dma.local @p0 [spmem:s3], $0x500  }
0x6a: {  	s2 =	simm.s32 @p0 $0x3  }
0x6b: {  	_ =	swait.ge @p0 [sflag:s2], $0x500  }
0x6c: {  	[sflag:s2] =	ssyncset.done @p0 $0x0  }
0x6d: {  	[sflag:s2] =	ssyncadd.s32 @p0 $0xFFFFFB00;
	s2 =	simm.s32 @!p0 $0x3  }
0x6e: {  	[hbm:s11], [sflag:s5] =	dma.local @!p0 [spmem:s6], $0x4E0  }
0x6f: {  	_ =	swait.ge @!p0 [sflag:s2], $0x4E0  }
0x70: {  	[sflag:s2] =	ssyncset.done @!p0 $0x0  }
0x71: {  	[sflag:s2] =	ssyncadd.s32 @!p0 $0xFFFFFB20  }
.LBB2_4:
0x72: {  	_ =	sfence.sel $0x180000  }
0x73: {  	[bflag:$0x0] =	sbarrier.arrive $0xFFFF  }
0x74: {  	p0 =	sne.s32 s1, $0x0;
	_ =	strace $0x9000004A  }
0x75: {  	s0 =	sadd.s32 @!p0 $0x100000, s0;
	[bflag:$0x2] =	sbarrier.arrive $0xFFFF  }
0x76: {  	[sflag:s0] =	ssyncadd.tile.s32 @!p0 $0x1;
	_ =	shalt  }
.Lfunc_end2:
_tile_overlayer_lowered:
.L_overlay_start_2:
0x77: {  	(tag) =	ssettag $0x2  }
0x78: {  	s0 =	rddreg [dreg:$0x0];
	s2 =	stileid.u32  }
0x79: {  	s1 =	rddreg [dreg:$0x1];
	p0 =	sne.s32 s2, $0x0  }
0x7a: {  	s3 =	rddreg [dreg:$0x2];
	[bflag:$0x3] =	sbarrier.arrive $0xFFFF;
	s2 =	simm.s32 @!p0 $0x1C03  }
0x7b: {  	[timem:s3], [sflag:s2] =	dma.local @!p0 [hbm:s0], s1  }
0x7c: {  	s0 =	simm.s32 @!p0 $0x3  }
0x7d: {  	_ =	swait.ge @!p0 [sflag:s0], s1  }
0x7e: {  	s1 =	ssub.s32 @!p0 $0x0, s1;
	[sflag:s0] =	ssyncset.done @!p0 $0x0  }
0x7f: {  	[sflag:s0] =	ssyncadd.s32 @!p0 s1  }
0x80: {  	[bflag:$0x3] =	sbarrier.arrive $0xFFFF  }
0x81: {  	_ =	shalt  }

// kernel: kernel.15.cloned.1.call-start
scs
__scs_entry_jumppad:
0x0: {  	(pc) =	sbr.rel $0x88, $3  }
0x1: {  	(tag) =	ssettag $0x0;
	lr =	simm.s32 $0x1  }
0x2: {  	[smem:$0x3F97] =	sst lr;
	_ =	strace $0xD0000000  }
0x3: {  	_ = 	snop  }
0x4: {  	_ = 	snop  }
0x5: {  	_ = 	snop  }
0x6: {  	_ = 	snop  }
0x7: {  	_ = 	snop  }
__scs_overlays_trampoline_lowered:
0x8: {  	[smem:$0x3FA6] =	sst s0  }
0x9: {  	[smem:$0x3FA7] =	sst s1  }
0xa: {  	[smem:$0x3FA8] =	sst s2  }
0xb: {  	[smem:$0x3FA9] =	sst s3  }
0xc: {  	[smem:$0x3FAA] =	sst s4  }
0xd: {  	[smem:$0x3FAB] =	sst s5  }
0xe: {  	[smem:$0x3FAC] =	sst s6  }
0xf: {  	[smem:$0x3FAD] =	sst s7  }
0x10: {  	[smem:$0x3FAE] =	sst s8  }
0x11: {  	[smem:$0x3FAF] =	sst s9;
	s0 =	simm.s32 @!p0 $0x0  }
0x12: {  	s1 =	sld [smem:$0x3F95];
	s0 =	simm.s32 @p0 $0x1  }
0x13: {  	[smem:$0x3FB0] =	sst s0;
	s0 =	simm.s32 @!p1 $0x0  }
0x14: {  	s2 =	sld [smem:$0x3F94];
	s0 =	simm.s32 @p1 $0x1  }
0x15: {  	[smem:$0x3FB1] =	sst s0;
	s0 =	simm.s32 @!p2 $0x0  }
0x16: {  	s3 =	sld [smem:$0x3FDB];
	s0 =	simm.s32 @p2 $0x1  }
0x17: {  	s4 =	simm.s32 $0x1BF5;
	[smem:$0x3FB3] =	sst s0  }
0x18: {  	s0 =	sld [smem:$0x3F96];
	_ =	swait.ge [sflag:s4], $0x0  }
0x19: {  	s7 =	sld [smem:$0x3F97]  }
0x1a: {  	s8 =	sadd.s32 $0xFFFFE003, lr  }
0x1b: {  	s9 =	sadd.s32 $0xFFFFFEF7, lr;
	s5 =	simm.s32 $0xFFFFFFFF;
	p2 =	slt.u32 s8, $0xFFFFF086  }
0x1c: {  	p1 =	slt.u32 s9, $0xF7A;
	s5 =	simm.s32 @!p2 $0x0  }
0x1d: {  	s5 =	simm.s32 @p1 $0x1;
	p0 =	seq.s32 s7, s2  }
0x1e: {  	s7 =	smul.u32 @!p0 $0xF7A, s2;
	p2 =	seq.s32 @!p0 s5, $0x0  }
0x1f: {  	s9 =	smul.u32 $0xF7A, s1;
	s8 =	simm.s32 @!p0 $0x1BF5;
	p2 =	por !p2, p0  }
0x20: {  	[sflag:s8] =	ssyncset.s32 @!p0 $0xFFFFF086;
	s6 =	sadd.s32 @!p0 s3, s7;
	s7 =	simm.s32 @!p0 $0x108  }
0x21: {  	s3 =	sadd.s32 s3, s9;
	s6 =	sadd.s32 @!p0 $0x88, s6;
	s7 =	simm.s32 @p2 $0x1082  }
0x22: {  	[simem:s7], [sflag:s8] =	dma.local @!p0 [hbm:s6], $0xF7A  }
0x23: {  	s9 =	sor.u32 $0xD0000000, s2;
	s6 =	simm.s32 $0x108;
	_ =	swait.ge @!p0 [sflag:s8], $0x0  }
0x24: {  	s3 =	sadd.s32 $0x88, s3;
	s6 =	simm.s32 @!p1 $0x1082;
	[sflag:s4] =	ssyncset.s32 $0xFFFFF086  }
0x25: {  	[simem:s6], [sflag:s4] =	dma.local [hbm:s3], $0xF7A  }
0x26: {  	[smem:$0x3F97] =	sst s1;
	(tag) =	ssettag s2;
	_ =	strace s9  }
0x27: {  	s1 =	sld [smem:$0x3FA7]  }
0x28: {  	s2 =	sld [smem:$0x3FA8]  }
0x29: {  	s4 =	sld [smem:$0x3FAA]  }
0x2a: {  	p0 =	seq.s32 s5, $0x0;
	s5 =	sld [smem:$0x3FAB]  }
0x2b: {  	s6 =	sld [smem:$0x3FAC]  }
0x2c: {  	s7 =	sld [smem:$0x3FAD]  }
0x2d: {  	s3 =	simm.s32 $0x108;
	s8 =	sld [smem:$0x3FAE]  }
0x2e: {  	s3 =	simm.s32 @!p0 $0x1082;
	s9 =	sld [smem:$0x3FAF]  }
0x2f: {  	lr =	sadd.s32 s0, s3;
	s0 =	sld [smem:$0x3FA6]  }
0x30: {  	s3 =	sld [smem:$0x3FA9]  }
0x31: {  	[smem:$0x3FB2] =	sst s10  }
0x32: {  	s10 =	sld [smem:$0x3FB0];
	_ =	sdelay $0x3  }
0x33: {  	p0 =	seq.s32 s10, $0x1;
	s10 =	sld [smem:$0x3FB2];
	_ =	sdelay $0x3  }
0x34: {  	[smem:$0x3FB2] =	sst s10  }
0x35: {  	s10 =	sld [smem:$0x3FB1];
	_ =	sdelay $0x3  }
0x36: {  	p1 =	seq.s32 s10, $0x1;
	s10 =	sld [smem:$0x3FB2];
	_ =	sdelay $0x3  }
0x37: {  	[smem:$0x3FB2] =	sst s10  }
0x38: {  	s10 =	sld [smem:$0x3FB3]  }
0x39: {  	_ = 	snop;
	(pc) =	sbr.ind lr, $3  }
0x3a: {  	_ = 	snop  }
0x3b: {  	_ = 	snop  }
0x3c: {  	p2 =	seq.s32 s10, $0x1;
	s10 =	sld [smem:$0x3FB2]  }
0x3d: {  	_ =	shalt  }
0x3e: {  	_ =	shalt  }
0x3f: {  	_ =	shalt  }
0x40: {  	_ =	shalt  }
0x41: {  	_ =	shalt  }
0x42: {  	_ =	shalt  }
0x43: {  	_ =	shalt  }
0x44: {  	_ =	shalt  }
0x45: {  	_ =	shalt  }
0x46: {  	_ =	shalt  }
0x47: {  	_ =	shalt  }
0x48: {  	_ =	shalt  }
0x49: {  	_ =	shalt  }
0x4a: {  	_ =	shalt  }
0x4b: {  	_ =	shalt  }
0x4c: {  	_ =	shalt  }
0x4d: {  	_ =	shalt  }
0x4e: {  	_ =	shalt  }
0x4f: {  	_ =	shalt  }
0x50: {  	_ =	shalt  }
0x51: {  	_ =	shalt  }
0x52: {  	_ =	shalt  }
0x53: {  	_ =	shalt  }
0x54: {  	_ =	shalt  }
0x55: {  	_ =	shalt  }
0x56: {  	_ =	shalt  }
0x57: {  	_ =	shalt  }
0x58: {  	_ =	shalt  }
0x59: {  	_ =	shalt  }
0x5a: {  	_ =	shalt  }
0x5b: {  	_ =	shalt  }
0x5c: {  	_ =	shalt  }
0x5d: {  	_ =	shalt  }
0x5e: {  	_ =	shalt  }
0x5f: {  	_ =	shalt  }
0x60: {  	_ =	shalt  }
0x61: {  	_ =	shalt  }
0x62: {  	_ =	shalt  }
0x63: {  	_ =	shalt  }
0x64: {  	_ =	shalt  }
0x65: {  	_ =	shalt  }
0x66: {  	_ =	shalt  }
0x67: {  	_ =	shalt  }
0x68: {  	_ =	shalt  }
0x69: {  	_ =	shalt  }
0x6a: {  	_ =	shalt  }
0x6b: {  	_ =	shalt  }
0x6c: {  	_ =	shalt  }
0x6d: {  	_ =	shalt  }
0x6e: {  	_ =	shalt  }
0x6f: {  	_ =	shalt  }
0x70: {  	_ =	shalt  }
0x71: {  	_ =	shalt  }
0x72: {  	_ =	shalt  }
0x73: {  	_ =	shalt  }
0x74: {  	_ =	shalt  }
0x75: {  	_ =	shalt  }
0x76: {  	_ =	shalt  }
0x77: {  	_ =	shalt  }
0x78: {  	_ =	shalt  }
0x79: {  	_ =	shalt  }
0x7a: {  	_ =	shalt  }
0x7b: {  	_ =	shalt  }
0x7c: {  	_ =	shalt  }
0x7d: {  	_ =	shalt  }
0x7e: {  	_ =	shalt  }
0x7f: {  	_ =	shalt  }
0x80: {  	_ =	shalt  }
0x81: {  	_ =	shalt  }
0x82: {  	_ =	shalt  }
0x83: {  	_ =	shalt  }
0x84: {  	_ =	shalt  }
0x85: {  	_ =	shalt  }
0x86: {  	_ =	shalt  }
0x87: {  	_ =	shalt  }
.Lfunc_end0:
.L_simem_size_0:
called_computation.2_lowered:
.L_overlay_start_0:
0x88: {  	s2 =	sld [smem:$0x3FD9]  }
0x89: {  	s3 =	sld [smem:$0x3FFE];
	_ =	sdelay $0x1  }
0x8a: {  	s1 =	srdreg.scid  }
0x8b: {  	s0 =	sand.u32 $0x1, s1  }
0x8c: {  	s16 =	sshll.u32 s0, $0xA;
	s2 =	sadd.s32 s3, s2  }
0x8d: {  	s2 =	sadd.s32 s2, s16  }
0x8e: {  	[smem:$0x3FBE] =	sst s2  }
0x8f: {  	_ = 	snop  }
0x90: {  	(tm) =	ssettm $0x1  }
0x91: {  	s17 =	sld [smem:$0x3FFB];
	_ =	sdelay $0x3  }
0x92: {  	_ =	strace s17  }
0x93: {  	s2 =	sld [smem:$0x3FFC];
	_ =	sdelay $0x3  }
0x94: {  	_ =	strace s2  }
0x95: {  	s2 =	sld [smem:$0x3FFD];
	_ =	sdelay $0x3  }
0x96: {  	_ =	strace s2  }
0x97: {  	_ =	strace $0x8FFFFFFF  }
0x98: {  	s18 =	sld [smem:$0x3FDB];
	_ =	sdelay $0x1  }
0x99: {  	s19 =	simm.s32 $_scs_section_size  }
0x9a: {  	s4 =	simm.s32 $_size__tile_overlayer_lowered;
	s5 =	simm.s32 $_tile_overlayer_lowered  }
0x9b: {  	s22 =	simm.s32 $0x1BFF;
	s21 =	sshll.u32 s5, $0x1;
	s2 =	sadd.s32 s19, s18  }
0x9c: {  	s6 =	simm.s32 $0x0;
	s20 =	sshll.u32 s4, $0x1;
	s4 =	sadd.s32 s21, s2  }
0x9d: {  	[timem:s6], [sflag:s22] =	dma.local [hbm:s4], s20  }
0x9e: {  	_ =	swait.ge [sflag:s22], s20  }
0x9f: {  	s3 =	ssub.s32 $0x0, s20;
	[sflag:s22] =	ssyncset.done $0x0  }
0xa0: {  	[sflag:s22] =	ssyncadd.s32 s3;
	_ =	sdelay $0x1  }
0xa1: {  	s23 =	simm.s32 $0x1B8B  }
0xa2: {  	_ =	swait.ge [sflag:s23], $0x1  }
0xa3: {  	[sflag:s23] =	ssyncset.done $0x0  }
0xa4: {  	s25 =	simm.s32 $0x1B8E;
	s24 =	sld [smem:$0x3FFE];
	[sflag:s23] =	ssyncadd.s32 $0xFFFFFFFF  }
0xa5: {  	s26 =	simm.s32 $execute0_lowered;
	[smem:$0x3FD2] =	sst s25  }
0xa6: {  	s4 =	sshll.u32 s26, $0x1;
	_ =	strace $0x8000004C;
	[dreg:$0x1] =	wrdreg $0xFFFFFFFF  }
0xa7: {  	s28 =	simm.s32 $_size_execute0_lowered;
	s2 =	sadd.s32 s2, s4;
	[dreg:$0x0] =	wrdreg $0x0  }
0xa8: {  	s4 =	sshll.u32 s28, $0x1;
	[dreg:$0x2] =	wrdreg s2  }
0xa9: {  	[dreg:$0x3] =	wrdreg s4  }
0xaa: {  	[dreg:$0x4] =	wrdreg $0xC0  }
0xab: {  	_ =	task [dreg:s6], $0x5FFFF  }
0xac: {  	[dreg:$0x1] =	wrdreg $0xFFFFFFFF  }
0xad: {  	[dreg:$0x0] =	wrdreg $0x60  }
0xae: {  	[dreg:$0x2] =	wrdreg s24  }
0xaf: {  	[dreg:$0x3] =	wrdreg $0x9  }
0xb0: {  	_ =	task.clear_ibuf [dreg:s6], $0x4FFFF;
	_ =	strace $0x9000004C  }
0xb1: {  	s29 =	simm.s32 $0x9;
	_ =	strace $0x8000004E  }
0xb2: {  	_ =	swait.ge [sflag:s29], $0x1  }
0xb3: {  	[sflag:s29] =	ssyncadd.s32 $0xFFFFFFFF  }
0xb4: {  	_ =	strace $0x9000004E  }
0xb5: {  	_ =	sfence  }
0xb6: {  	s30 =	sld [smem:$0x0];
	_ =	sdelay $0x2  }
0xb7: {  	s31 =	sshll.u32 s1, $0xD;
	s1 =	sshrl.u32 s1, $0x2  }
0xb8: {  	s3 =	sand.u32 $0x4000, s31;
	s1 =	sadd.s32 s1, s30  }
0xb9: {  	s0 =	sor.u32 s3, s0;
	s1 =	sshll.u32 s1, $0x11  }
0xba: {  	s0 =	sor.u32 s1, s0  }
0xbb: {  	s0 =	sadd.s32 $0x8F2B, s0  }
0xbc: {  	[sflag:s0] =	ssyncadd.remote.s32 $0x1  }
0xbd: {  	_ =	sfence.sel $0xFFFF  }
0xbe: {  	[dreg:$0x0] =	wrdreg $0xFFFFFFFF;
	(pc) =	sbr.abs _section_cstart, $3  }
0xbf: {  	[dreg:$0x1] =	wrdreg $0xFFFFFFFF  }
0xc0: {  	_ =	task.clear_ibuf [dreg:s6], $0x2FFFF;
	_ =	strace $0x9FFFFFFF  }
0xc1: {  	(tm) =	ssettm $0x7FFFFFFF  }
tec
execute0_lowered:
.L_overlay_start_1:
0x0: {  	(tag) =	ssettag $0x1  }
0x1: {  	s4 =	rddreg [dreg:$0x0]  }
0x2: {  	s0 =	rddreg [dreg:$0x1]  }
0x3: {  	s3 =	srdreg.scid;
	s1 =	stileid.u32  }
0x4: {  	s2 =	simm.s32 $0x0;
	s13 =	simm.s32 $0x1;
	s14 =	simm.s32 $0x2  }
0x5: {  	s15 =	simm.s32 $0x3;
	s16 =	simm.s32 $0x26C0;
	s9 =	smul.u32 $0x4E20, s1  }
0x6: {  	s17 =	simm.s32 $0x0;
	s5 =	sand.u32 $0x1, s3;
	s30 =	smul.u32 $0x9C40, s1  }
0x7: {  	s28 =	sshll.u32 s1, $0x1;
	[smem:$0x7FF] =	sst s2;
	s11 =	smul.u32 $0x2710, s5  }
0x8: {  	s3 =	sadd.s32 $0x596C00, s4;
	s6 =	sor.u32 s5, s28;
	s31 =	smul.u32 $0x4E20, s5  }
0x9: {  	s12 =	sadd.s32 $0x4FA800, s4;
	s8 =	ssub.s32 $0x2, s5;
	s7 =	smul.u32 $0x2710, s6  }
0xa: {  	_ =	strace $0x8000004D;
	s6 =	smul.u32 $0x27100, s6;
	s10 =	sshrl.u32 s8, $0x1  }
0xb: {  	s8 =	ssub.s32 s8, s10;
	s29 =	sadd.s32 s11, s9;
	s9 =	sadd.s32 s30, s12  }
0xc: {  	s10 =	simm.s32 $0x50;
	s7 =	sshrl.u32 s7, $0x3;
	s6 =	sshrl.u32 s6, $0x3  }
0xd: {  	s11 =	simm.s32 $0x2710;
	s7 =	sadd.s32 s7, s4;
	s6 =	sadd.s32 s12, s6  }
0xe: {  	s4 =	sadd.s32 $0xEA00, s7;
	s7 =	sshll.u32 s29, $0x1;
	s5 =	sadd.s32 $0x4D80, s6  }
0xf: {  	s6 =	smax.u32 s8, $0x1;
	s8 =	sadd.s32 s31, s9;
	s7 =	sadd.s32 s12, s7  }
0x10: {  	s9 =	simm.s32 $0x4;
	s12 =	simm.s32 $0x2C10;
	s7 =	sadd.s32 $0xA0, s7  }
.LBB2_1:
0x11: {  	[tilespmem:s2], [sflag:$0x4] =	stream.linear.gather [hbm4b:s4+s2], $0x2710, $0x38;
	[tilespmem:$0x3110] =	vst v63  }
0x12: {  	_ =	swait.ge [sflag:s9], $0x2710  }
0x13: {  	[sflag:s9] =	ssyncset.done $0x0  }
0x14: {  	s18 =	simm.s32 $0x0;
	[sflag:s9] =	ssyncadd.s32 $0xFFFFD8F0  }
0x15: {  	[tilespmem:s11], [sflag:$0x1] =	stream.indirect.gather [hbm4b:s3+s10], $0x10, s18, s10, $0xb8;
	[tilespmem:$0x3110] =	vst v63  }
0x16: {  	_ = 	snop  }
0x17: {  	[tilespmem:s12], [sflag:$0x2] =	stream.indirect.gather [hbm4b:s3+s10], $0x10, s10, s10, $0xb8;
	[tilespmem:$0x3110] =	vst v63  }
0x18: {  	_ =	swait.ge [sflag:s13], $0x500  }
0x19: {  	[sflag:s13] =	ssyncset.done $0x0  }
0x1a: {  	s30 =	sadd.s32 $0x0, s8;
	[sflag:s13] =	ssyncadd.s32 $0xFFFFFB00  }
0x1b: {  	[hbm4b:s30+s2] =	stream.linear.scatter [tilespmem:s11], [sflag:$0x3], $0x500, $0x38;
	[tilespmem:$0x3110] =	vst v63  }
0x1c: {  	_ =	swait.ge [sflag:s14], $0x500  }
0x1d: {  	[sflag:s14] =	ssyncset.done $0x0  }
0x1e: {  	s31 =	sadd.s32 $0x0, s7;
	[sflag:s14] =	ssyncadd.s32 $0xFFFFFB00  }
0x1f: {  	[hbm4b:s31+s2] =	stream.linear.scatter [tilespmem:s12], [sflag:$0x3], $0x500, $0x38;
	[tilespmem:$0x3110] =	vst v63  }
0x20: {  	_ =	swait.ge [sflag:s15], $0x500  }
0x21: {  	[sflag:s15] =	ssyncset.done $0x0  }
0x22: {  	[sflag:s15] =	ssyncadd.s32 $0xFFFFFB00  }
0x23: {  	s20 =	simm.s32 $0x280;
	_ =	swait.ge [sflag:s15], $0x500  }
0x24: {  	s19 =	simm.s32 $0xF0;
	s18 =	simm.s32 $0x140;
	[sflag:s15] =	ssyncset.done $0x0  }
.LBB2_2:
0x25: {  	p0 =	sne.s32 s20, $0x4C40;
	s21 =	sadd.s32 $0xFFFFFFB0, s19;
	[sflag:s15] =	ssyncadd.s32 $0xFFFFFB00  }
0x26: {  	[tilespmem:s11], [sflag:$0x1] =	stream.indirect.gather [hbm4b:s3+s10], $0x10, s21, s10, $0xb8;
	[tilespmem:$0x3110] =	vst v63  }
0x27: {  	s21 =	smov.u32 s20;
	s20 =	sadd.s32 $0x140, s20  }
0x28: {  	[tilespmem:s12], [sflag:$0x2] =	stream.indirect.gather [hbm4b:s3+s10], $0x10, s19, s10, $0xb8;
	[tilespmem:$0x3110] =	vst v63  }
0x29: {  	_ =	swait.ge [sflag:s13], $0x500  }
0x2a: {  	[sflag:s13] =	ssyncset.done $0x0  }
0x2b: {  	s22 =	sadd.s32 s18, s8;
	[sflag:s13] =	ssyncadd.s32 $0xFFFFFB00  }
0x2c: {  	[hbm4b:s22+s2] =	stream.linear.scatter [tilespmem:s11], [sflag:$0x3], $0x500, $0x38;
	[tilespmem:$0x3110] =	vst v63  }
0x2d: {  	_ =	swait.ge [sflag:s14], $0x500  }
0x2e: {  	[sflag:s14] =	ssyncset.done $0x0  }
0x2f: {  	s22 =	sadd.s32 s18, s7;
	s18 =	smov.u32 s21;
	[sflag:s14] =	ssyncadd.s32 $0xFFFFFB00  }
0x30: {  	[hbm4b:s22+s2] =	stream.linear.scatter [tilespmem:s12], [sflag:$0x3], $0x500, $0x38;
	[tilespmem:$0x3110] =	vst v63  }
.Ltmp0:
0x31: {  	_ =	swait.ge [sflag:s15], $0x500;
	(pc) =	sbr.rel @p0 .LBB2_2-.Ltmp0, $4  }
0x32: {  	[sflag:s15] =	ssyncset.done $0x0  }
0x33: {  	[sflag:s15] =	ssyncadd.s32 $0xFFFFFB00  }
0x34: {  	_ =	swait.ge [sflag:s15], $0x500  }
0x35: {  	s19 =	sadd.s32 $0xA0, s19;
	[sflag:s15] =	ssyncset.done $0x0  }
0x36: {  	s20 =	sadd.s32 $0xFFFFFFB0, s19;
	[sflag:s15] =	ssyncadd.s32 $0xFFFFFB00  }
0x37: {  	[tilespmem:s11], [sflag:$0x1] =	stream.indirect.gather [hbm4b:s3+s10], $0x10, s20, s10, $0xb8;
	[tilespmem:$0x3110] =	vst v63  }
0x38: {  	_ = 	snop  }
0x39: {  	[tilespmem:s12], [sflag:$0x2] =	stream.indirect.gather [hbm4b:s3+s10], $0x10, s19, s10, $0xb8;
	[tilespmem:$0x3110] =	vst v63  }
0x3a: {  	_ =	swait.ge [sflag:s13], $0x500  }
0x3b: {  	[sflag:s13] =	ssyncset.done $0x0  }
0x3c: {  	s30 =	sadd.s32 s18, s8;
	[sflag:s13] =	ssyncadd.s32 $0xFFFFFB00  }
0x3d: {  	[hbm4b:s30+s2] =	stream.linear.scatter [tilespmem:s11], [sflag:$0x3], $0x500, $0x38;
	[tilespmem:$0x3110] =	vst v63  }
0x3e: {  	_ =	swait.ge [sflag:s14], $0x500  }
0x3f: {  	[sflag:s14] =	ssyncset.done $0x0  }
0x40: {  	s31 =	sadd.s32 s18, s7;
	[sflag:s14] =	ssyncadd.s32 $0xFFFFFB00  }
0x41: {  	[hbm4b:s31+s2] =	stream.linear.scatter [tilespmem:s12], [sflag:$0x3], $0x500, $0x38;
	[tilespmem:$0x3110] =	vst v63  }
0x42: {  	_ =	swait.ge [sflag:s15], $0x500  }
0x43: {  	[sflag:s15] =	ssyncset.done $0x0  }
0x44: {  	[sflag:s15] =	ssyncadd.s32 $0xFFFFFB00  }
0x45: {  	_ =	swait.ge [sflag:s15], $0x500  }
0x46: {  	[sflag:s15] =	ssyncset.done $0x0  }
0x47: {  	[sflag:s15] =	ssyncadd.s32 $0xFFFFFB00  }
0x48: {  	[tilespmem:s11], [sflag:$0x1] =	stream.indirect.gather [hbm4b:s3+s10], $0x10, s16, s10, $0xb8;
	[tilespmem:$0x3110] =	vst v63  }
0x49: {  	s17 =	sadd.s32 $0x1, s17;
	_ =	swait.ge [sflag:s13], $0x500  }
0x4a: {  	p0 =	sne.s32 s17, s6;
	[sflag:s13] =	ssyncset.done $0x0  }
.Ltmp1:
0x4b: {  	[sflag:s13] =	ssyncadd.s32 $0xFFFFFB00;
	(pc) =	sbr.rel @p0 .LBB2_1-.Ltmp1, $4  }
0x4c: {  	[hbm4b:s5+s2] =	stream.linear.scatter [tilespmem:s11], [sflag:$0x3], $0x500, $0x38;
	[tilespmem:$0x3110] =	vst v63  }
0x4d: {  	_ =	swait.ge [sflag:s15], $0x500  }
0x4e: {  	[sflag:s15] =	ssyncset.done $0x0  }
0x4f: {  	[sflag:s15] =	ssyncadd.s32 $0xFFFFFB00  }
0x50: {  	_ =	sfence.sel $0x180000  }
0x51: {  	[bflag:$0x0] =	sbarrier.arrive $0xFFFF  }
0x52: {  	p0 =	sne.s32 s1, $0x0;
	_ =	strace $0x9000004D  }
0x53: {  	s0 =	sadd.s32 @!p0 $0x100000, s0;
	[bflag:$0x2] =	sbarrier.arrive $0xFFFF  }
0x54: {  	[sflag:s0] =	ssyncadd.tile.s32 @!p0 $0x1;
	_ =	shalt  }
.Lfunc_end2:
_tile_overlayer_lowered:
.L_overlay_start_2:
0x55: {  	(tag) =	ssettag $0x2  }
0x56: {  	s0 =	rddreg [dreg:$0x0];
	s2 =	stileid.u32  }
0x57: {  	s1 =	rddreg [dreg:$0x1];
	p0 =	sne.s32 s2, $0x0  }
0x58: {  	s3 =	rddreg [dreg:$0x2];
	[bflag:$0x3] =	sbarrier.arrive $0xFFFF;
	s2 =	simm.s32 @!p0 $0x1C04  }
0x59: {  	[timem:s3], [sflag:s2] =	dma.local @!p0 [hbm:s0], s1  }
0x5a: {  	s0 =	simm.s32 @!p0 $0x4  }
0x5b: {  	_ =	swait.ge @!p0 [sflag:s0], s1  }
0x5c: {  	s1 =	ssub.s32 @!p0 $0x0, s1;
	[sflag:s0] =	ssyncset.done @!p0 $0x0  }
0x5d: {  	[sflag:s0] =	ssyncadd.s32 @!p0 s1  }
0x5e: {  	[bflag:$0x3] =	sbarrier.arrive $0xFFFF  }
0x5f: {  	_ =	shalt  }

// kernel: kernel.18.cloned.1.call-start
scs
__scs_entry_jumppad:
0x0: {  	(pc) =	sbr.rel $0x88, $3  }
0x1: {  	(tag) =	ssettag $0x0;
	lr =	simm.s32 $0x1  }
0x2: {  	[smem:$0x3F97] =	sst lr;
	_ =	strace $0xD0000000  }
0x3: {  	_ = 	snop  }
0x4: {  	_ = 	snop  }
0x5: {  	_ = 	snop  }
0x6: {  	_ = 	snop  }
0x7: {  	_ = 	snop  }
__scs_overlays_trampoline_lowered:
0x8: {  	[smem:$0x3FA6] =	sst s0  }
0x9: {  	[smem:$0x3FA7] =	sst s1  }
0xa: {  	[smem:$0x3FA8] =	sst s2  }
0xb: {  	[smem:$0x3FA9] =	sst s3  }
0xc: {  	[smem:$0x3FAA] =	sst s4  }
0xd: {  	[smem:$0x3FAB] =	sst s5  }
0xe: {  	[smem:$0x3FAC] =	sst s6  }
0xf: {  	[smem:$0x3FAD] =	sst s7  }
0x10: {  	[smem:$0x3FAE] =	sst s8  }
0x11: {  	[smem:$0x3FAF] =	sst s9;
	s0 =	simm.s32 @!p0 $0x0  }
0x12: {  	s1 =	sld [smem:$0x3F95];
	s0 =	simm.s32 @p0 $0x1  }
0x13: {  	[smem:$0x3FB0] =	sst s0;
	s0 =	simm.s32 @!p1 $0x0  }
0x14: {  	s2 =	sld [smem:$0x3F94];
	s0 =	simm.s32 @p1 $0x1  }
0x15: {  	[smem:$0x3FB1] =	sst s0;
	s0 =	simm.s32 @!p2 $0x0  }
0x16: {  	s3 =	sld [smem:$0x3FDB];
	s0 =	simm.s32 @p2 $0x1  }
0x17: {  	s4 =	simm.s32 $0x1BF5;
	[smem:$0x3FB3] =	sst s0  }
0x18: {  	s0 =	sld [smem:$0x3F96];
	_ =	swait.ge [sflag:s4], $0x0  }
0x19: {  	s7 =	sld [smem:$0x3F97]  }
0x1a: {  	s8 =	sadd.s32 $0xFFFFE003, lr  }
0x1b: {  	s9 =	sadd.s32 $0xFFFFFEF7, lr;
	s5 =	simm.s32 $0xFFFFFFFF;
	p2 =	slt.u32 s8, $0xFFFFF086  }
0x1c: {  	p1 =	slt.u32 s9, $0xF7A;
	s5 =	simm.s32 @!p2 $0x0  }
0x1d: {  	s5 =	simm.s32 @p1 $0x1;
	p0 =	seq.s32 s7, s2  }
0x1e: {  	s7 =	smul.u32 @!p0 $0xF7A, s2;
	p2 =	seq.s32 @!p0 s5, $0x0  }
0x1f: {  	s9 =	smul.u32 $0xF7A, s1;
	s8 =	simm.s32 @!p0 $0x1BF5;
	p2 =	por !p2, p0  }
0x20: {  	[sflag:s8] =	ssyncset.s32 @!p0 $0xFFFFF086;
	s6 =	sadd.s32 @!p0 s3, s7;
	s7 =	simm.s32 @!p0 $0x108  }
0x21: {  	s3 =	sadd.s32 s3, s9;
	s6 =	sadd.s32 @!p0 $0x88, s6;
	s7 =	simm.s32 @p2 $0x1082  }
0x22: {  	[simem:s7], [sflag:s8] =	dma.local @!p0 [hbm:s6], $0xF7A  }
0x23: {  	s9 =	sor.u32 $0xD0000000, s2;
	s6 =	simm.s32 $0x108;
	_ =	swait.ge @!p0 [sflag:s8], $0x0  }
0x24: {  	s3 =	sadd.s32 $0x88, s3;
	s6 =	simm.s32 @!p1 $0x1082;
	[sflag:s4] =	ssyncset.s32 $0xFFFFF086  }
0x25: {  	[simem:s6], [sflag:s4] =	dma.local [hbm:s3], $0xF7A  }
0x26: {  	[smem:$0x3F97] =	sst s1;
	(tag) =	ssettag s2;
	_ =	strace s9  }
0x27: {  	s1 =	sld [smem:$0x3FA7]  }
0x28: {  	s2 =	sld [smem:$0x3FA8]  }
0x29: {  	s4 =	sld [smem:$0x3FAA]  }
0x2a: {  	p0 =	seq.s32 s5, $0x0;
	s5 =	sld [smem:$0x3FAB]  }
0x2b: {  	s6 =	sld [smem:$0x3FAC]  }
0x2c: {  	s7 =	sld [smem:$0x3FAD]  }
0x2d: {  	s3 =	simm.s32 $0x108;
	s8 =	sld [smem:$0x3FAE]  }
0x2e: {  	s3 =	simm.s32 @!p0 $0x1082;
	s9 =	sld [smem:$0x3FAF]  }
0x2f: {  	lr =	sadd.s32 s0, s3;
	s0 =	sld [smem:$0x3FA6]  }
0x30: {  	s3 =	sld [smem:$0x3FA9]  }
0x31: {  	[smem:$0x3FB2] =	sst s10  }
0x32: {  	s10 =	sld [smem:$0x3FB0];
	_ =	sdelay $0x3  }
0x33: {  	p0 =	seq.s32 s10, $0x1;
	s10 =	sld [smem:$0x3FB2];
	_ =	sdelay $0x3  }
0x34: {  	[smem:$0x3FB2] =	sst s10  }
0x35: {  	s10 =	sld [smem:$0x3FB1];
	_ =	sdelay $0x3  }
0x36: {  	p1 =	seq.s32 s10, $0x1;
	s10 =	sld [smem:$0x3FB2];
	_ =	sdelay $0x3  }
0x37: {  	[smem:$0x3FB2] =	sst s10  }
0x38: {  	s10 =	sld [smem:$0x3FB3]  }
0x39: {  	_ = 	snop;
	(pc) =	sbr.ind lr, $3  }
0x3a: {  	_ = 	snop  }
0x3b: {  	_ = 	snop  }
0x3c: {  	p2 =	seq.s32 s10, $0x1;
	s10 =	sld [smem:$0x3FB2]  }
0x3d: {  	_ =	shalt  }
0x3e: {  	_ =	shalt  }
0x3f: {  	_ =	shalt  }
0x40: {  	_ =	shalt  }
0x41: {  	_ =	shalt  }
0x42: {  	_ =	shalt  }
0x43: {  	_ =	shalt  }
0x44: {  	_ =	shalt  }
0x45: {  	_ =	shalt  }
0x46: {  	_ =	shalt  }
0x47: {  	_ =	shalt  }
0x48: {  	_ =	shalt  }
0x49: {  	_ =	shalt  }
0x4a: {  	_ =	shalt  }
0x4b: {  	_ =	shalt  }
0x4c: {  	_ =	shalt  }
0x4d: {  	_ =	shalt  }
0x4e: {  	_ =	shalt  }
0x4f: {  	_ =	shalt  }
0x50: {  	_ =	shalt  }
0x51: {  	_ =	shalt  }
0x52: {  	_ =	shalt  }
0x53: {  	_ =	shalt  }
0x54: {  	_ =	shalt  }
0x55: {  	_ =	shalt  }
0x56: {  	_ =	shalt  }
0x57: {  	_ =	shalt  }
0x58: {  	_ =	shalt  }
0x59: {  	_ =	shalt  }
0x5a: {  	_ =	shalt  }
0x5b: {  	_ =	shalt  }
0x5c: {  	_ =	shalt  }
0x5d: {  	_ =	shalt  }
0x5e: {  	_ =	shalt  }
0x5f: {  	_ =	shalt  }
0x60: {  	_ =	shalt  }
0x61: {  	_ =	shalt  }
0x62: {  	_ =	shalt  }
0x63: {  	_ =	shalt  }
0x64: {  	_ =	shalt  }
0x65: {  	_ =	shalt  }
0x66: {  	_ =	shalt  }
0x67: {  	_ =	shalt  }
0x68: {  	_ =	shalt  }
0x69: {  	_ =	shalt  }
0x6a: {  	_ =	shalt  }
0x6b: {  	_ =	shalt  }
0x6c: {  	_ =	shalt  }
0x6d: {  	_ =	shalt  }
0x6e: {  	_ =	shalt  }
0x6f: {  	_ =	shalt  }
0x70: {  	_ =	shalt  }
0x71: {  	_ =	shalt  }
0x72: {  	_ =	shalt  }
0x73: {  	_ =	shalt  }
0x74: {  	_ =	shalt  }
0x75: {  	_ =	shalt  }
0x76: {  	_ =	shalt  }
0x77: {  	_ =	shalt  }
0x78: {  	_ =	shalt  }
0x79: {  	_ =	shalt  }
0x7a: {  	_ =	shalt  }
0x7b: {  	_ =	shalt  }
0x7c: {  	_ =	shalt  }
0x7d: {  	_ =	shalt  }
0x7e: {  	_ =	shalt  }
0x7f: {  	_ =	shalt  }
0x80: {  	_ =	shalt  }
0x81: {  	_ =	shalt  }
0x82: {  	_ =	shalt  }
0x83: {  	_ =	shalt  }
0x84: {  	_ =	shalt  }
0x85: {  	_ =	shalt  }
0x86: {  	_ =	shalt  }
0x87: {  	_ =	shalt  }
.Lfunc_end0:
.L_simem_size_0:
called_computation.3_lowered:
.L_overlay_start_0:
0x88: {  	s2 =	sld [smem:$0x3FD9]  }
0x89: {  	s3 =	sld [smem:$0x3FFE];
	_ =	sdelay $0x1  }
0x8a: {  	s1 =	srdreg.scid  }
0x8b: {  	s0 =	sand.u32 $0x1, s1  }
0x8c: {  	s16 =	sshll.u32 s0, $0xA;
	s2 =	sadd.s32 s3, s2  }
0x8d: {  	s2 =	sadd.s32 s2, s16  }
0x8e: {  	[smem:$0x3FBE] =	sst s2  }
0x8f: {  	_ = 	snop  }
0x90: {  	(tm) =	ssettm $0x1  }
0x91: {  	s17 =	sld [smem:$0x3FFB];
	_ =	sdelay $0x3  }
0x92: {  	_ =	strace s17  }
0x93: {  	s2 =	sld [smem:$0x3FFC];
	_ =	sdelay $0x3  }
0x94: {  	_ =	strace s2  }
0x95: {  	s2 =	sld [smem:$0x3FFD];
	_ =	sdelay $0x3  }
0x96: {  	_ =	strace s2  }
0x97: {  	_ =	strace $0x8FFFFFFF  }
0x98: {  	s18 =	sld [smem:$0x3FDB];
	_ =	sdelay $0x1  }
0x99: {  	s19 =	simm.s32 $_scs_section_size  }
0x9a: {  	s4 =	simm.s32 $_size__tile_overlayer_lowered;
	s5 =	simm.s32 $_tile_overlayer_lowered  }
0x9b: {  	s22 =	simm.s32 $0x1BFF;
	s21 =	sshll.u32 s5, $0x1;
	s2 =	sadd.s32 s19, s18  }
0x9c: {  	s6 =	simm.s32 $0x0;
	s20 =	sshll.u32 s4, $0x1;
	s4 =	sadd.s32 s21, s2  }
0x9d: {  	[timem:s6], [sflag:s22] =	dma.local [hbm:s4], s20  }
0x9e: {  	_ =	swait.ge [sflag:s22], s20  }
0x9f: {  	s3 =	ssub.s32 $0x0, s20;
	[sflag:s22] =	ssyncset.done $0x0  }
0xa0: {  	[sflag:s22] =	ssyncadd.s32 s3;
	_ =	sdelay $0x1  }
0xa1: {  	s23 =	simm.s32 $0x1B8B  }
0xa2: {  	_ =	swait.ge [sflag:s23], $0x1  }
0xa3: {  	[sflag:s23] =	ssyncset.done $0x0  }
0xa4: {  	s25 =	simm.s32 $0x1B8E;
	s24 =	sld [smem:$0x3FFE];
	[sflag:s23] =	ssyncadd.s32 $0xFFFFFFFF  }
0xa5: {  	s26 =	simm.s32 $execute0_lowered;
	[smem:$0x3FD2] =	sst s25  }
0xa6: {  	s4 =	sshll.u32 s26, $0x1;
	_ =	strace $0x8000004F;
	[dreg:$0x1] =	wrdreg $0xFFFFFFFF  }
0xa7: {  	s28 =	simm.s32 $_size_execute0_lowered;
	s2 =	sadd.s32 s2, s4;
	[dreg:$0x0] =	wrdreg $0x0  }
0xa8: {  	s4 =	sshll.u32 s28, $0x1;
	[dreg:$0x2] =	wrdreg s2  }
0xa9: {  	[dreg:$0x3] =	wrdreg s4  }
0xaa: {  	[dreg:$0x4] =	wrdreg $0xC0  }
0xab: {  	_ =	task [dreg:s6], $0x5FFFF  }
0xac: {  	[dreg:$0x1] =	wrdreg $0xFFFFFFFF  }
0xad: {  	[dreg:$0x0] =	wrdreg $0x60  }
0xae: {  	[dreg:$0x2] =	wrdreg s24  }
0xaf: {  	[dreg:$0x3] =	wrdreg $0x5AA00  }
0xb0: {  	[dreg:$0x4] =	wrdreg $0x9  }
0xb1: {  	_ =	task.clear_ibuf [dreg:s6], $0x5FFFF;
	_ =	strace $0x9000004F  }
0xb2: {  	s29 =	simm.s32 $0x9;
	_ =	strace $0x80000051  }
0xb3: {  	_ =	swait.ge [sflag:s29], $0x1  }
0xb4: {  	[sflag:s29] =	ssyncadd.s32 $0xFFFFFFFF  }
0xb5: {  	_ =	strace $0x90000051  }
0xb6: {  	_ =	sfence  }
0xb7: {  	s30 =	sld [smem:$0x0];
	_ =	sdelay $0x2  }
0xb8: {  	s31 =	sshll.u32 s1, $0xD;
	s1 =	sshrl.u32 s1, $0x2  }
0xb9: {  	s3 =	sand.u32 $0x4000, s31;
	s1 =	sadd.s32 s1, s30  }
0xba: {  	s0 =	sor.u32 s3, s0;
	s1 =	sshll.u32 s1, $0x11  }
0xbb: {  	s0 =	sor.u32 s1, s0  }
0xbc: {  	s0 =	sadd.s32 $0x8F2B, s0  }
0xbd: {  	[sflag:s0] =	ssyncadd.remote.s32 $0x1  }
0xbe: {  	_ =	sfence.sel $0xFFFF  }
0xbf: {  	[dreg:$0x0] =	wrdreg $0xFFFFFFFF;
	(pc) =	sbr.abs _section_cstart, $3  }
0xc0: {  	[dreg:$0x1] =	wrdreg $0xFFFFFFFF  }
0xc1: {  	_ =	task.clear_ibuf [dreg:s6], $0x2FFFF;
	_ =	strace $0x9FFFFFFF  }
0xc2: {  	(tm) =	ssettm $0x7FFFFFFF  }
0xc3: {  	_ =	shalt  }
tec
execute0_lowered:
.L_overlay_start_1:
0x0: {  	(tag) =	ssettag $0x1  }
0x1: {  	s5 =	rddreg [dreg:$0x0]  }
0x2: {  	s2 =	rddreg [dreg:$0x1]  }
0x3: {  	s0 =	rddreg [dreg:$0x2]  }
0x4: {  	s3 =	simm.s32 $0x0;
	s1 =	stileid.u32;
	s4 =	srdreg.scid  }
0x5: {  	[smem:$0x7FF] =	sst s3;
	s7 =	smul.u32 $0x15F00, s1;
	s9 =	sand.u32 $0x1, s4  }
0x6: {  	s20 =	sshll.u32 s1, $0x1;
	s11 =	sadd.s32 $0x5C2C00, s5;
	s23 =	smul.u32 $0x57E40, s1  }
0x7: {  	s10 =	sadd.s32 $0x18800, s5;
	s15 =	sadd.s32 $0x149100, s2;
	s19 =	smul.u32 $0x4E20, s1  }
0x8: {  	s13 =	sadd.s32 $0xEA00, s5;
	p0 =	seq.s32 s1, $0xF;
	s17 =	smul.u32 $0x15F900, s9  }
0x9: {  	_ =	strace $0x80000050;
	s4 =	sor.u32 s9, s20;
	s25 =	smul.u32 $0x2710, s9  }
0xa: {  	s8 =	ssub.s32 $0x2, s9;
	s20 =	smul.u32 $0x2BF20, s9;
	s6 =	sshrl.u32 s7, $0x3  }
0xb: {  	s4 =	smul.u32 $0x2710, s4;
	s12 =	sshrl.u32 s8, $0x1;
	s16 =	sadd.s32 s7, s2  }
0xc: {  	s6 =	sadd.s32 s6, s5;
	s12 =	ssub.s32 s8, s12;
	s5 =	sadd.s32 $0x5BFE20, s5  }
0xd: {  	s18 =	sadd.s32 s7, s17;
	s17 =	sshrl.u32 s17, $0x3;
	s28 =	sadd.s32 s25, s19  }
0xe: {  	s16 =	sshrl.u32 @!p0 s16, $0x3;
	s19 =	simm.s32 $0x2DA0;
	s14 =	sadd.s32 $0x26C0, s4  }
0xf: {  	s4 =	sadd.s32 $0x596C00, s6;
	s24 =	sshrl.u32 s18, $0x3;
	s26 =	sadd.s32 s11, s17  }
0x10: {  	s30 =	sadd.s32 $0x50, s28;
	s17 =	simm.s32 $0xA0;
	s18 =	simm.s32 $0x50  }
0x11: {  	s21 =	smul.u32 $0x12, s14;
	s22 =	sshrl.u32 s14, $0x3;
	s8 =	sadd.s32 s11, s24  }
0x12: {  	s9 =	sadd.s32 $0x29220, s26;
	s31 =	sshrl.u32 s30, $0x3;
	s14 =	sshrl.u32 s28, $0x3  }
0x13: {  	s6 =	sadd.s32 s13, s22;
	s22 =	simm.s32 $0x2;
	s7 =	sadd.s32 s10, s21  }
0x14: {  	s10 =	sadd.s32 s23, s10;
	s21 =	simm.s32 $0x3;
	s23 =	simm.s32 $0x0  }
0x15: {  	s29 =	sadd.s32 s20, s10;
	s10 =	smax.u32 s12, $0x1;
	s12 =	sadd.s32 s31, s13  }
0x16: {  	s13 =	sadd.s32 s14, s13;
	s14 =	sshrl.u32 @p0 s15, $0x3;
	s15 =	sshll.u32 @!p0 s1, $0x6  }
0x17: {  	s20 =	simm.s32 $0x1;
	s11 =	sadd.s32 $0x5A0, s29;
	s15 =	sor.u32 @!p0 $0x1C03, s15  }
.LBB2_1:
0x18: {  	s24 =	simm.s32 @p0 $0x1FC3  }
0x19: {  	[spmem:s14], [sflag:s24] =	dma.local @p0 [hbm:s5], $0x2D00  }
0x1a: {  	s24 =	simm.s32 @p0 $0x3  }
0x1b: {  	_ =	swait.ge @p0 [sflag:s24], $0x2D00  }
0x1c: {  	[sflag:s24] =	ssyncset.done @p0 $0x0  }
0x1d: {  	[sflag:s24] =	ssyncadd.s32 @p0 $0xFFFFD300;
	s24 =	simm.s32 @!p0 $0x3  }
0x1e: {  	[spmem:s16], [sflag:s15] =	dma.local @!p0 [hbm:s4], $0x2BE0  }
0x1f: {  	_ =	swait.ge @!p0 [sflag:s24], $0x2BE0  }
0x20: {  	[sflag:s24] =	ssyncset.done @!p0 $0x0  }
0x21: {  	[sflag:s24] =	ssyncadd.s32 @!p0 $0xFFFFD420  }
0x22: {  	s29 =	sadd.s32 $0x0, s13;
	[bflag:$0x0] =	sbarrier.arrive $0xFFFF  }
0x23: {  	[tilespmem:s3], [sflag:$0x1] =	stream.linear.gather [hbm4b:s29+s3], $0x50, $0x38;
	[tilespmem:$0x1BA30] =	vst v63  }
0x24: {  	s30 =	sadd.s32 $0xFFFFFA60, s11  }
0x25: {  	[tilespmem:s17], [sflag:$0x1] =	stream.linear.gather [hbm4b:s30+s3], $0x2D00, $0x38;
	[tilespmem:$0x1BA30] =	vst v63  }
0x26: {  	s31 =	sadd.s32 $0x0, s12  }
0x27: {  	[tilespmem:s18], [sflag:$0x2] =	stream.linear.gather [hbm4b:s31+s3], $0x50, $0x38;
	[tilespmem:$0x1BA30] =	vst v63  }
0x28: {  	_ = 	snop  }
0x29: {  	[tilespmem:s19], [sflag:$0x2] =	stream.linear.gather [hbm4b:s11+s3], $0x2D00, $0x38;
	[tilespmem:$0x1BA30] =	vst v63  }
0x2a: {  	_ =	swait.ge [sflag:s20], $0x50  }
0x2b: {  	[sflag:s20] =	ssyncset.done $0x0  }
0x2c: {  	[sflag:s20] =	ssyncadd.s32 $0xFFFFFFB0  }
0x2d: {  	_ =	swait.ge [sflag:s20], $0x2D00  }
0x2e: {  	[sflag:s20] =	ssyncset.done $0x0  }
0x2f: {  	[sflag:s20] =	ssyncadd.s32 $0xFFFFD300  }
0x30: {  	[spmem:s2] =	stream.indirect.scatter.add.f32 [tilespmem:s17], [sflag:$0x3], $0x90, s3, s18, $0xb8;
	[tilespmem:$0x1BA30] =	vst v63  }
0x31: {  	_ =	swait.ge [sflag:s21], $0x2D00  }
0x32: {  	[sflag:s21] =	ssyncset.done $0x0  }
0x33: {  	[sflag:s21] =	ssyncadd.s32 $0xFFFFD300  }
0x34: {  	_ =	swait.ge [sflag:s22], $0x50  }
0x35: {  	[sflag:s22] =	ssyncset.done $0x0  }
0x36: {  	[sflag:s22] =	ssyncadd.s32 $0xFFFFFFB0  }
0x37: {  	_ =	swait.ge [sflag:s22], $0x2D00  }
0x38: {  	[sflag:s22] =	ssyncset.done $0x0  }
0x39: {  	[sflag:s22] =	ssyncadd.s32 $0xFFFFD300  }
0x3a: {  	[spmem:s2] =	stream.indirect.scatter.add.f32 [tilespmem:s19], [sflag:$0x3], $0x90, s18, s18, $0xb8;
	[tilespmem:$0x1BA30] =	vst v63  }
0x3b: {  	s26 =	simm.s32 $0x28;
	_ =	swait.ge [sflag:s21], $0x2D00  }
0x3c: {  	s25 =	sadd.s32 $0xB40, s11;
	s24 =	simm.s32 $0x14;
	[sflag:s21] =	ssyncset.done $0x0  }
.LBB2_2:
0x3d: {  	s28 =	sadd.s32 s24, s13  }
0x3e: {  	[sflag:s21] =	ssyncadd.s32 $0xFFFFD300;
	s29 =	smov.u32 s26;
	s30 =	sadd.s32 $0x14, s26  }
0x3f: {  	[tilespmem:s3], [sflag:$0x1] =	stream.linear.gather [hbm4b:s28+s3], $0x50, $0x38;
	[tilespmem:$0x1BA30] =	vst v63  }
0x40: {  	p1 =	sne.s32 s26, $0x4C4;
	s26 =	sadd.s32 $0xFFFFFA60, s25  }
0x41: {  	[tilespmem:s17], [sflag:$0x1] =	stream.linear.gather [hbm4b:s26+s3], $0x2D00, $0x38;
	[tilespmem:$0x1BA30] =	vst v63  }
0x42: {  	s26 =	sadd.s32 s24, s12;
	s24 =	smov.u32 s29  }
0x43: {  	[tilespmem:s18], [sflag:$0x2] =	stream.linear.gather [hbm4b:s26+s3], $0x50, $0x38;
	[tilespmem:$0x1BA30] =	vst v63  }
0x44: {  	_ = 	snop  }
0x45: {  	[tilespmem:s19], [sflag:$0x2] =	stream.linear.gather [hbm4b:s25+s3], $0x2D00, $0x38;
	[tilespmem:$0x1BA30] =	vst v63  }
0x46: {  	_ =	swait.ge [sflag:s20], $0x50  }
0x47: {  	[sflag:s20] =	ssyncset.done $0x0  }
0x48: {  	[sflag:s20] =	ssyncadd.s32 $0xFFFFFFB0  }
0x49: {  	_ =	swait.ge [sflag:s20], $0x2D00  }
0x4a: {  	[sflag:s20] =	ssyncset.done $0x0  }
0x4b: {  	[sflag:s20] =	ssyncadd.s32 $0xFFFFD300  }
0x4c: {  	[spmem:s2] =	stream.indirect.scatter.add.f32 [tilespmem:s17], [sflag:$0x3], $0x90, s3, s18, $0xb8;
	[tilespmem:$0x1BA30] =	vst v63  }
0x4d: {  	_ =	swait.ge [sflag:s21], $0x2D00  }
0x4e: {  	[sflag:s21] =	ssyncset.done $0x0  }
0x4f: {  	[sflag:s21] =	ssyncadd.s32 $0xFFFFD300  }
0x50: {  	_ =	swait.ge [sflag:s22], $0x50  }
0x51: {  	[sflag:s22] =	ssyncset.done $0x0  }
0x52: {  	[sflag:s22] =	ssyncadd.s32 $0xFFFFFFB0  }
0x53: {  	_ =	swait.ge [sflag:s22], $0x2D00  }
.Ltmp0:
0x54: {  	[sflag:s22] =	ssyncset.done $0x0;
	(pc) =	sbr.rel @p1 .LBB2_2-.Ltmp0, $4  }
0x55: {  	[sflag:s22] =	ssyncadd.s32 $0xFFFFD300  }
0x56: {  	[spmem:s2] =	stream.indirect.scatter.add.f32 [tilespmem:s19], [sflag:$0x3], $0x90, s18, s18, $0xb8;
	[tilespmem:$0x1BA30] =	vst v63  }
0x57: {  	_ =	swait.ge [sflag:s21], $0x2D00  }
0x58: {  	s26 =	smov.u32 s30;
	s25 =	sadd.s32 $0xB40, s25;
	[sflag:s21] =	ssyncset.done $0x0  }
0x59: {  	s26 =	sadd.s32 s24, s13;
	[sflag:s21] =	ssyncadd.s32 $0xFFFFD300  }
0x5a: {  	[tilespmem:s3], [sflag:$0x1] =	stream.linear.gather [hbm4b:s26+s3], $0x50, $0x38;
	[tilespmem:$0x1BA30] =	vst v63  }
0x5b: {  	s30 =	sadd.s32 $0xFFFFFA60, s25  }
0x5c: {  	[tilespmem:s17], [sflag:$0x1] =	stream.linear.gather [hbm4b:s30+s3], $0x2D00, $0x38;
	[tilespmem:$0x1BA30] =	vst v63  }
0x5d: {  	s31 =	sadd.s32 s24, s12  }
0x5e: {  	[tilespmem:s18], [sflag:$0x2] =	stream.linear.gather [hbm4b:s31+s3], $0x50, $0x38;
	[tilespmem:$0x1BA30] =	vst v63  }
0x5f: {  	_ = 	snop  }
0x60: {  	[tilespmem:s19], [sflag:$0x2] =	stream.linear.gather [hbm4b:s25+s3], $0x2D00, $0x38;
	[tilespmem:$0x1BA30] =	vst v63  }
0x61: {  	_ =	swait.ge [sflag:s20], $0x50  }
0x62: {  	[sflag:s20] =	ssyncset.done $0x0  }
0x63: {  	[sflag:s20] =	ssyncadd.s32 $0xFFFFFFB0  }
0x64: {  	_ =	swait.ge [sflag:s20], $0x2D00  }
0x65: {  	[sflag:s20] =	ssyncset.done $0x0  }
0x66: {  	[sflag:s20] =	ssyncadd.s32 $0xFFFFD300  }
0x67: {  	[spmem:s2] =	stream.indirect.scatter.add.f32 [tilespmem:s17], [sflag:$0x3], $0x90, s3, s18, $0xb8;
	[tilespmem:$0x1BA30] =	vst v63  }
0x68: {  	_ =	swait.ge [sflag:s21], $0x2D00  }
0x69: {  	[sflag:s21] =	ssyncset.done $0x0  }
0x6a: {  	[sflag:s21] =	ssyncadd.s32 $0xFFFFD300  }
0x6b: {  	_ =	swait.ge [sflag:s22], $0x50  }
0x6c: {  	[sflag:s22] =	ssyncset.done $0x0  }
0x6d: {  	[sflag:s22] =	ssyncadd.s32 $0xFFFFFFB0  }
0x6e: {  	_ =	swait.ge [sflag:s22], $0x2D00  }
0x6f: {  	[sflag:s22] =	ssyncset.done $0x0  }
0x70: {  	[sflag:s22] =	ssyncadd.s32 $0xFFFFD300  }
0x71: {  	[spmem:s2] =	stream.indirect.scatter.add.f32 [tilespmem:s19], [sflag:$0x3], $0x90, s18, s18, $0xb8;
	[tilespmem:$0x1BA30] =	vst v63  }
0x72: {  	_ =	swait.ge [sflag:s21], $0x2D00  }
0x73: {  	[sflag:s21] =	ssyncset.done $0x0  }
0x74: {  	[sflag:s21] =	ssyncadd.s32 $0xFFFFD300  }
0x75: {  	[tilespmem:s3], [sflag:$0x1] =	stream.linear.gather [hbm4b:s6+s3], $0x50, $0x38;
	[tilespmem:$0x1BA30] =	vst v63  }
0x76: {  	_ = 	snop  }
0x77: {  	[tilespmem:s17], [sflag:$0x1] =	stream.linear.gather [hbm4b:s7+s3], $0x2D00, $0x38;
	[tilespmem:$0x1BA30] =	vst v63  }
0x78: {  	_ =	swait.ge [sflag:s20], $0x50  }
0x79: {  	[sflag:s20] =	ssyncset.done $0x0  }
0x7a: {  	[sflag:s20] =	ssyncadd.s32 $0xFFFFFFB0  }
0x7b: {  	_ =	swait.ge [sflag:s20], $0x2D00  }
0x7c: {  	[sflag:s20] =	ssyncset.done $0x0  }
0x7d: {  	[sflag:s20] =	ssyncadd.s32 $0xFFFFD300  }
0x7e: {  	[spmem:s2] =	stream.indirect.scatter.add.f32 [tilespmem:s17], [sflag:$0x3], $0x90, s3, s18, $0xb8;
	[tilespmem:$0x1BA30] =	vst v63  }
0x7f: {  	_ =	swait.ge [sflag:s21], $0x2D00  }
0x80: {  	[sflag:s21] =	ssyncset.done $0x0  }
0x81: {  	[sflag:s21] =	ssyncadd.s32 $0xFFFFD300  }
0x82: {  	s24 =	simm.s32 @p0 $0x1FC3;
	[bflag:$0x0] =	sbarrier.arrive $0xFFFF  }
0x83: {  	[hbm:s9], [sflag:s24] =	dma.local @p0 [spmem:s14], $0x2D00  }
0x84: {  	s24 =	simm.s32 @p0 $0x3  }
0x85: {  	s23 =	sadd.s32 $0x1, s23;
	_ =	swait.ge @p0 [sflag:s24], $0x2D00  }
0x86: {  	p1 =	sne.s32 s23, s10;
	[sflag:s24] =	ssyncset.done @p0 $0x0  }
.Ltmp1:
0x87: {  	[sflag:s24] =	ssyncadd.s32 @p0 $0xFFFFD300;
	s24 =	simm.s32 @!p0 $0x3;
	(pc) =	sbr.rel @p1 .LBB2_1-.Ltmp1, $4  }
0x88: {  	[hbm:s8], [sflag:s15] =	dma.local @!p0 [spmem:s16], $0x2BE0  }
0x89: {  	_ =	swait.ge @!p0 [sflag:s24], $0x2BE0  }
0x8a: {  	[sflag:s24] =	ssyncset.done @!p0 $0x0  }
0x8b: {  	[sflag:s24] =	ssyncadd.s32 @!p0 $0xFFFFD420  }
0x8c: {  	_ =	sfence.sel $0x180000  }
0x8d: {  	[bflag:$0x0] =	sbarrier.arrive $0xFFFF  }
0x8e: {  	p0 =	sne.s32 s1, $0x0;
	_ =	strace $0x90000050  }
0x8f: {  	s0 =	sadd.s32 @!p0 $0x100000, s0;
	[bflag:$0x2] =	sbarrier.arrive $0xFFFF  }
0x90: {  	[sflag:s0] =	ssyncadd.tile.s32 @!p0 $0x1;
	_ =	shalt  }
.Lfunc_end2:
_tile_overlayer_lowered:
.L_overlay_start_2:
0x91: {  	(tag) =	ssettag $0x2  }
0x92: {  	s0 =	rddreg [dreg:$0x0];
	s2 =	stileid.u32  }
0x93: {  	s1 =	rddreg [dreg:$0x1];
	p0 =	sne.s32 s2, $0x0  }
0x94: {  	s3 =	rddreg [dreg:$0x2];
	[bflag:$0x3] =	sbarrier.arrive $0xFFFF;
	s2 =	simm.s32 @!p0 $0x1C03  }
0x95: {  	[timem:s3], [sflag:s2] =	dma.local @!p0 [hbm:s0], s1  }
0x96: {  	s0 =	simm.s32 @!p0 $0x3  }
0x97: {  	_ =	swait.ge @!p0 [sflag:s0], s1  }
0x98: {  	s1 =	ssub.s32 @!p0 $0x0, s1;
	[sflag:s0] =	ssyncset.done @!p0 $0x0  }
0x99: {  	[sflag:s0] =	ssyncadd.s32 @!p0 s1  }
0x9a: {  	[bflag:$0x3] =	sbarrier.arrive $0xFFFF  }
0x9b: {  	_ =	shalt  }

// kernel: kernel.9.cloned.1.call-start
scs
__scs_entry_jumppad:
0x0: {  	(pc) =	sbr.rel $0x88, $3  }
0x1: {  	(tag) =	ssettag $0x0;
	lr =	simm.s32 $0x1  }
0x2: {  	[smem:$0x3F97] =	sst lr;
	_ =	strace $0xD0000000  }
0x3: {  	_ = 	snop  }
0x4: {  	_ = 	snop  }
0x5: {  	_ = 	snop  }
0x6: {  	_ = 	snop  }
0x7: {  	_ = 	snop  }
__scs_overlays_trampoline_lowered:
0x8: {  	[smem:$0x3FA6] =	sst s0  }
0x9: {  	[smem:$0x3FA7] =	sst s1  }
0xa: {  	[smem:$0x3FA8] =	sst s2  }
0xb: {  	[smem:$0x3FA9] =	sst s3  }
0xc: {  	[smem:$0x3FAA] =	sst s4  }
0xd: {  	[smem:$0x3FAB] =	sst s5  }
0xe: {  	[smem:$0x3FAC] =	sst s6  }
0xf: {  	[smem:$0x3FAD] =	sst s7  }
0x10: {  	[smem:$0x3FAE] =	sst s8  }
0x11: {  	[smem:$0x3FAF] =	sst s9;
	s0 =	simm.s32 @!p0 $0x0  }
0x12: {  	s1 =	sld [smem:$0x3F95];
	s0 =	simm.s32 @p0 $0x1  }
0x13: {  	[smem:$0x3FB0] =	sst s0;
	s0 =	simm.s32 @!p1 $0x0  }
0x14: {  	s2 =	sld [smem:$0x3F94];
	s0 =	simm.s32 @p1 $0x1  }
0x15: {  	[smem:$0x3FB1] =	sst s0;
	s0 =	simm.s32 @!p2 $0x0  }
0x16: {  	s3 =	sld [smem:$0x3FDB];
	s0 =	simm.s32 @p2 $0x1  }
0x17: {  	s4 =	simm.s32 $0x1BF5;
	[smem:$0x3FB3] =	sst s0  }
0x18: {  	s0 =	sld [smem:$0x3F96];
	_ =	swait.ge [sflag:s4], $0x0  }
0x19: {  	s7 =	sld [smem:$0x3F97]  }
0x1a: {  	s8 =	sadd.s32 $0xFFFFE003, lr  }
0x1b: {  	s9 =	sadd.s32 $0xFFFFFEF7, lr;
	s5 =	simm.s32 $0xFFFFFFFF;
	p2 =	slt.u32 s8, $0xFFFFF086  }
0x1c: {  	p1 =	slt.u32 s9, $0xF7A;
	s5 =	simm.s32 @!p2 $0x0  }
0x1d: {  	s5 =	simm.s32 @p1 $0x1;
	p0 =	seq.s32 s7, s2  }
0x1e: {  	s7 =	smul.u32 @!p0 $0xF7A, s2;
	p2 =	seq.s32 @!p0 s5, $0x0  }
0x1f: {  	s9 =	smul.u32 $0xF7A, s1;
	s8 =	simm.s32 @!p0 $0x1BF5;
	p2 =	por !p2, p0  }
0x20: {  	[sflag:s8] =	ssyncset.s32 @!p0 $0xFFFFF086;
	s6 =	sadd.s32 @!p0 s3, s7;
	s7 =	simm.s32 @!p0 $0x108  }
0x21: {  	s3 =	sadd.s32 s3, s9;
	s6 =	sadd.s32 @!p0 $0x88, s6;
	s7 =	simm.s32 @p2 $0x1082  }
0x22: {  	[simem:s7], [sflag:s8] =	dma.local @!p0 [hbm:s6], $0xF7A  }
0x23: {  	s9 =	sor.u32 $0xD0000000, s2;
	s6 =	simm.s32 $0x108;
	_ =	swait.ge @!p0 [sflag:s8], $0x0  }
0x24: {  	s3 =	sadd.s32 $0x88, s3;
	s6 =	simm.s32 @!p1 $0x1082;
	[sflag:s4] =	ssyncset.s32 $0xFFFFF086  }
0x25: {  	[simem:s6], [sflag:s4] =	dma.local [hbm:s3], $0xF7A  }
0x26: {  	[smem:$0x3F97] =	sst s1;
	(tag) =	ssettag s2;
	_ =	strace s9  }
0x27: {  	s1 =	sld [smem:$0x3FA7]  }
0x28: {  	s2 =	sld [smem:$0x3FA8]  }
0x29: {  	s4 =	sld [smem:$0x3FAA]  }
0x2a: {  	p0 =	seq.s32 s5, $0x0;
	s5 =	sld [smem:$0x3FAB]  }
0x2b: {  	s6 =	sld [smem:$0x3FAC]  }
0x2c: {  	s7 =	sld [smem:$0x3FAD]  }
0x2d: {  	s3 =	simm.s32 $0x108;
	s8 =	sld [smem:$0x3FAE]  }
0x2e: {  	s3 =	simm.s32 @!p0 $0x1082;
	s9 =	sld [smem:$0x3FAF]  }
0x2f: {  	lr =	sadd.s32 s0, s3;
	s0 =	sld [smem:$0x3FA6]  }
0x30: {  	s3 =	sld [smem:$0x3FA9]  }
0x31: {  	[smem:$0x3FB2] =	sst s10  }
0x32: {  	s10 =	sld [smem:$0x3FB0];
	_ =	sdelay $0x3  }
0x33: {  	p0 =	seq.s32 s10, $0x1;
	s10 =	sld [smem:$0x3FB2];
	_ =	sdelay $0x3  }
0x34: {  	[smem:$0x3FB2] =	sst s10  }
0x35: {  	s10 =	sld [smem:$0x3FB1];
	_ =	sdelay $0x3  }
0x36: {  	p1 =	seq.s32 s10, $0x1;
	s10 =	sld [smem:$0x3FB2];
	_ =	sdelay $0x3  }
0x37: {  	[smem:$0x3FB2] =	sst s10  }
0x38: {  	s10 =	sld [smem:$0x3FB3]  }
0x39: {  	_ = 	snop;
	(pc) =	sbr.ind lr, $3  }
0x3a: {  	_ = 	snop  }
0x3b: {  	_ = 	snop  }
0x3c: {  	p2 =	seq.s32 s10, $0x1;
	s10 =	sld [smem:$0x3FB2]  }
0x3d: {  	_ =	shalt  }
0x3e: {  	_ =	shalt  }
0x3f: {  	_ =	shalt  }
0x40: {  	_ =	shalt  }
0x41: {  	_ =	shalt  }
0x42: {  	_ =	shalt  }
0x43: {  	_ =	shalt  }
0x44: {  	_ =	shalt  }
0x45: {  	_ =	shalt  }
0x46: {  	_ =	shalt  }
0x47: {  	_ =	shalt  }
0x48: {  	_ =	shalt  }
0x49: {  	_ =	shalt  }
0x4a: {  	_ =	shalt  }
0x4b: {  	_ =	shalt  }
0x4c: {  	_ =	shalt  }
0x4d: {  	_ =	shalt  }
0x4e: {  	_ =	shalt  }
0x4f: {  	_ =	shalt  }
0x50: {  	_ =	shalt  }
0x51: {  	_ =	shalt  }
0x52: {  	_ =	shalt  }
0x53: {  	_ =	shalt  }
0x54: {  	_ =	shalt  }
0x55: {  	_ =	shalt  }
0x56: {  	_ =	shalt  }
0x57: {  	_ =	shalt  }
0x58: {  	_ =	shalt  }
0x59: {  	_ =	shalt  }
0x5a: {  	_ =	shalt  }
0x5b: {  	_ =	shalt  }
0x5c: {  	_ =	shalt  }
0x5d: {  	_ =	shalt  }
0x5e: {  	_ =	shalt  }
0x5f: {  	_ =	shalt  }
0x60: {  	_ =	shalt  }
0x61: {  	_ =	shalt  }
0x62: {  	_ =	shalt  }
0x63: {  	_ =	shalt  }
0x64: {  	_ =	shalt  }
0x65: {  	_ =	shalt  }
0x66: {  	_ =	shalt  }
0x67: {  	_ =	shalt  }
0x68: {  	_ =	shalt  }
0x69: {  	_ =	shalt  }
0x6a: {  	_ =	shalt  }
0x6b: {  	_ =	shalt  }
0x6c: {  	_ =	shalt  }
0x6d: {  	_ =	shalt  }
0x6e: {  	_ =	shalt  }
0x6f: {  	_ =	shalt  }
0x70: {  	_ =	shalt  }
0x71: {  	_ =	shalt  }
0x72: {  	_ =	shalt  }
0x73: {  	_ =	shalt  }
0x74: {  	_ =	shalt  }
0x75: {  	_ =	shalt  }
0x76: {  	_ =	shalt  }
0x77: {  	_ =	shalt  }
0x78: {  	_ =	shalt  }
0x79: {  	_ =	shalt  }
0x7a: {  	_ =	shalt  }
0x7b: {  	_ =	shalt  }
0x7c: {  	_ =	shalt  }
0x7d: {  	_ =	shalt  }
0x7e: {  	_ =	shalt  }
0x7f: {  	_ =	shalt  }
0x80: {  	_ =	shalt  }
0x81: {  	_ =	shalt  }
0x82: {  	_ =	shalt  }
0x83: {  	_ =	shalt  }
0x84: {  	_ =	shalt  }
0x85: {  	_ =	shalt  }
0x86: {  	_ =	shalt  }
0x87: {  	_ =	shalt  }
.Lfunc_end0:
.L_simem_size_0:
called_computation_lowered:
.L_overlay_start_0:
0x88: {  	s2 =	sld [smem:$0x3FD9]  }
0x89: {  	s3 =	sld [smem:$0x3FFE];
	_ =	sdelay $0x1  }
0x8a: {  	s1 =	srdreg.scid  }
0x8b: {  	s0 =	sand.u32 $0x1, s1  }
0x8c: {  	s16 =	sshll.u32 s0, $0xA;
	s2 =	sadd.s32 s3, s2  }
0x8d: {  	s2 =	sadd.s32 s2, s16  }
0x8e: {  	[smem:$0x3FBE] =	sst s2  }
0x8f: {  	_ = 	snop  }
0x90: {  	(tm) =	ssettm $0x1  }
0x91: {  	s17 =	sld [smem:$0x3FFB];
	_ =	sdelay $0x3  }
0x92: {  	_ =	strace s17  }
0x93: {  	s2 =	sld [smem:$0x3FFC];
	_ =	sdelay $0x3  }
0x94: {  	_ =	strace s2  }
0x95: {  	s2 =	sld [smem:$0x3FFD];
	_ =	sdelay $0x3  }
0x96: {  	_ =	strace s2  }
0x97: {  	_ =	strace $0x8FFFFFFF  }
0x98: {  	s18 =	sld [smem:$0x3FDB];
	_ =	sdelay $0x1  }
0x99: {  	s19 =	simm.s32 $_scs_section_size  }
0x9a: {  	s4 =	simm.s32 $_size__tile_overlayer_lowered;
	s5 =	simm.s32 $_tile_overlayer_lowered  }
0x9b: {  	s22 =	simm.s32 $0x1BFF;
	s21 =	sshll.u32 s5, $0x1;
	s2 =	sadd.s32 s19, s18  }
0x9c: {  	s6 =	simm.s32 $0x0;
	s20 =	sshll.u32 s4, $0x1;
	s4 =	sadd.s32 s21, s2  }
0x9d: {  	[timem:s6], [sflag:s22] =	dma.local [hbm:s4], s20  }
0x9e: {  	_ =	swait.ge [sflag:s22], s20  }
0x9f: {  	s3 =	ssub.s32 $0x0, s20;
	[sflag:s22] =	ssyncset.done $0x0  }
0xa0: {  	[sflag:s22] =	ssyncadd.s32 s3;
	_ =	sdelay $0x1  }
0xa1: {  	s23 =	simm.s32 $0x1B8B  }
0xa2: {  	_ =	swait.ge [sflag:s23], $0x1  }
0xa3: {  	[sflag:s23] =	ssyncset.done $0x0  }
0xa4: {  	s25 =	simm.s32 $0x1B8E;
	s24 =	sld [smem:$0x3FFE];
	[sflag:s23] =	ssyncadd.s32 $0xFFFFFFFF  }
0xa5: {  	s26 =	simm.s32 $execute0_lowered;
	[smem:$0x3FD2] =	sst s25  }
0xa6: {  	s4 =	sshll.u32 s26, $0x1;
	_ =	strace $0x80000046;
	[dreg:$0x1] =	wrdreg $0xFFFFFFFF  }
0xa7: {  	s28 =	simm.s32 $_size_execute0_lowered;
	s2 =	sadd.s32 s2, s4;
	[dreg:$0x0] =	wrdreg $0x0  }
0xa8: {  	s4 =	sshll.u32 s28, $0x1;
	[dreg:$0x2] =	wrdreg s2  }
0xa9: {  	[dreg:$0x3] =	wrdreg s4  }
0xaa: {  	[dreg:$0x4] =	wrdreg $0xC0  }
0xab: {  	_ =	task [dreg:s6], $0x5FFFF  }
0xac: {  	[dreg:$0x1] =	wrdreg $0xFFFFFFFF  }
0xad: {  	[dreg:$0x0] =	wrdreg $0x60  }
0xae: {  	[dreg:$0x2] =	wrdreg s24  }
0xaf: {  	[dreg:$0x3] =	wrdreg $0x9  }
0xb0: {  	_ =	task.clear_ibuf [dreg:s6], $0x4FFFF;
	_ =	strace $0x90000046  }
0xb1: {  	s29 =	simm.s32 $0x9;
	_ =	strace $0x80000048  }
0xb2: {  	_ =	swait.ge [sflag:s29], $0x1  }
0xb3: {  	[sflag:s29] =	ssyncadd.s32 $0xFFFFFFFF  }
0xb4: {  	_ =	strace $0x90000048  }
0xb5: {  	_ =	sfence  }
0xb6: {  	s30 =	sld [smem:$0x0];
	_ =	sdelay $0x2  }
0xb7: {  	s31 =	sshll.u32 s1, $0xD;
	s1 =	sshrl.u32 s1, $0x2  }
0xb8: {  	s3 =	sand.u32 $0x4000, s31;
	s1 =	sadd.s32 s1, s30  }
0xb9: {  	s0 =	sor.u32 s3, s0;
	s1 =	sshll.u32 s1, $0x11  }
0xba: {  	s0 =	sor.u32 s1, s0  }
0xbb: {  	s0 =	sadd.s32 $0x8F2B, s0  }
0xbc: {  	[sflag:s0] =	ssyncadd.remote.s32 $0x1  }
0xbd: {  	_ =	sfence.sel $0xFFFF  }
0xbe: {  	[dreg:$0x0] =	wrdreg $0xFFFFFFFF;
	(pc) =	sbr.abs _section_cstart, $3  }
0xbf: {  	[dreg:$0x1] =	wrdreg $0xFFFFFFFF  }
0xc0: {  	_ =	task.clear_ibuf [dreg:s6], $0x2FFFF;
	_ =	strace $0x9FFFFFFF  }
0xc1: {  	(tm) =	ssettm $0x7FFFFFFF  }
tec
execute0_lowered:
.L_overlay_start_1:
0x0: {  	(tag) =	ssettag $0x1  }
0x1: {  	s1 =	srdreg.scid  }
0x2: {  	s0 =	stileid.u32;
	s4 =	rddreg [dreg:$0x0]  }
0x3: {  	s2 =	simm.s32 $0x0;
	s14 =	simm.s32 $0x4E20;
	s15 =	simm.s32 $0x7B20  }
0x4: {  	s16 =	simm.s32 $0xA820;
	s17 =	simm.s32 $0xD520;
	s18 =	simm.s32 $0x1  }
0x5: {  	s19 =	simm.s32 $0x2;
	s20 =	simm.s32 $0x3;
	s21 =	simm.s32 $0x26C0  }
0x6: {  	s22 =	simm.s32 $0x4DD0;
	s7 =	sand.u32 $0x1, s1;
	s1 =	rddreg [dreg:$0x1]  }
0x7: {  	s23 =	simm.s32 $0x0;
	s3 =	sshll.u32 s0, $0x1;
	[smem:$0x7FF] =	sst s2  }
0x8: {  	s9 =	sadd.s32 $0x5C2C00, s4;
	s11 =	sadd.s32 $0x44800, s4;
	s12 =	smul.u32 $0x57E40, s0  }
0x9: {  	s5 =	sor.u32 s7, s3;
	_ =	strace $0x80000047;
	s13 =	smul.u32 $0x2BF20, s7  }
0xa: {  	s3 =	sadd.s32 $0x18800, s4;
	s8 =	ssub.s32 $0x2, s7;
	s6 =	smul.u32 $0x2710, s5  }
0xb: {  	s5 =	smul.u32 $0x15F900, s5;
	s10 =	sshrl.u32 s8, $0x1;
	s31 =	sadd.s32 s12, s11  }
0xc: {  	s8 =	ssub.s32 s8, s10;
	s10 =	sadd.s32 s13, s31;
	s6 =	sshrl.u32 s6, $0x3  }
0xd: {  	s5 =	sshrl.u32 s5, $0x3;
	s8 =	smax.u32 s8, $0x1;
	s6 =	sadd.s32 s6, s4  }
0xe: {  	s10 =	sadd.s32 $0x5A0, s10;
	s30 =	sadd.s32 $0x2B980, s5;
	s4 =	sadd.s32 $0xEA00, s6  }
0xf: {  	s5 =	sadd.s32 $0x4C00, s6;
	s6 =	sadd.s32 s9, s30;
	s9 =	sadd.s32 s12, s9  }
0x10: {  	s7 =	sadd.s32 s11, s30;
	s11 =	simm.s32 $0x4;
	s9 =	sadd.s32 s13, s9  }
0x11: {  	s12 =	simm.s32 $0x2710;
	s13 =	simm.s32 $0x50;
	s9 =	sadd.s32 $0x5A0, s9  }
.LBB2_1:
0x12: {  	[tilespmem:s2], [sflag:$0x4] =	stream.linear.gather [hbm4b:s4+s2], $0x2710, $0x38;
	[tilespmem:$0x10220] =	vst v63  }
0x13: {  	_ =	swait.ge [sflag:s11], $0x2710  }
0x14: {  	[sflag:s11] =	ssyncset.done $0x0  }
0x15: {  	[sflag:s11] =	ssyncadd.s32 $0xFFFFD8F0  }
0x16: {  	[tilespmem:s12], [sflag:$0x4] =	stream.linear.gather [hbm4b:s5+s2], $0x2710, $0x38;
	[tilespmem:$0x10220] =	vst v63  }
0x17: {  	_ =	swait.ge [sflag:s11], $0x2710  }
0x18: {  	[sflag:s11] =	ssyncset.done $0x0  }
0x19: {  	s24 =	simm.s32 $0x0;
	[sflag:s11] =	ssyncadd.s32 $0xFFFFD8F0  }
0x1a: {  	[tilespmem:s14], [sflag:$0x1] =	stream.indirect.gather [hbm4b:s3+s13], $0x90, s24, s13, $0xb8;
	[tilespmem:$0x10220] =	vst v63  }
0x1b: {  	s25 =	simm.s32 $0x2710  }
0x1c: {  	[tilespmem:s15], [sflag:$0x1] =	stream.indirect.gather [hbm4b:s3+s13], $0x90, s25, s13, $0xb8;
	[tilespmem:$0x10220] =	vst v63  }
0x1d: {  	s26 =	simm.s32 $0x50  }
0x1e: {  	[tilespmem:s16], [sflag:$0x2] =	stream.indirect.gather [hbm4b:s3+s13], $0x90, s26, s13, $0xb8;
	[tilespmem:$0x10220] =	vst v63  }
0x1f: {  	s28 =	simm.s32 $0x2760  }
0x20: {  	[tilespmem:s17], [sflag:$0x2] =	stream.indirect.gather [hbm4b:s3+s13], $0x90, s28, s13, $0xb8;
	[tilespmem:$0x10220] =	vst v63  }
0x21: {  	_ =	swait.ge [sflag:s18], $0x2D00  }
0x22: {  	[sflag:s18] =	ssyncset.done $0x0  }
0x23: {  	[sflag:s18] =	ssyncadd.s32 $0xFFFFD300  }
0x24: {  	_ =	swait.ge [sflag:s18], $0x2D00  }
0x25: {  	[sflag:s18] =	ssyncset.done $0x0  }
0x26: {  	s30 =	sadd.s32 $0xFFFFFA60, s9;
	[sflag:s18] =	ssyncadd.s32 $0xFFFFD300  }
0x27: {  	[hbm4b:s30+s2] =	stream.linear.scatter [tilespmem:s14], [sflag:$0x3], $0x2D00, $0x38;
	[tilespmem:$0x10220] =	vst v63  }
0x28: {  	s31 =	sadd.s32 $0xFFFFFA60, s10  }
0x29: {  	[hbm4b:s31+s2] =	stream.linear.scatter [tilespmem:s15], [sflag:$0x3], $0x2D00, $0x38;
	[tilespmem:$0x10220] =	vst v63  }
0x2a: {  	_ =	swait.ge [sflag:s19], $0x2D00  }
0x2b: {  	[sflag:s19] =	ssyncset.done $0x0  }
0x2c: {  	[sflag:s19] =	ssyncadd.s32 $0xFFFFD300  }
0x2d: {  	_ =	swait.ge [sflag:s19], $0x2D00  }
0x2e: {  	[sflag:s19] =	ssyncset.done $0x0  }
0x2f: {  	[sflag:s19] =	ssyncadd.s32 $0xFFFFD300  }
0x30: {  	[hbm4b:s9+s2] =	stream.linear.scatter [tilespmem:s16], [sflag:$0x3], $0x2D00, $0x38;
	[tilespmem:$0x10220] =	vst v63  }
0x31: {  	_ = 	snop  }
0x32: {  	[hbm4b:s10+s2] =	stream.linear.scatter [tilespmem:s17], [sflag:$0x3], $0x2D00, $0x38;
	[tilespmem:$0x10220] =	vst v63  }
0x33: {  	_ =	swait.ge [sflag:s20], $0x2D00  }
0x34: {  	[sflag:s20] =	ssyncset.done $0x0  }
0x35: {  	[sflag:s20] =	ssyncadd.s32 $0xFFFFD300  }
0x36: {  	_ =	swait.ge [sflag:s20], $0x2D00  }
0x37: {  	[sflag:s20] =	ssyncset.done $0x0  }
0x38: {  	[sflag:s20] =	ssyncadd.s32 $0xFFFFD300  }
0x39: {  	_ =	swait.ge [sflag:s20], $0x2D00  }
0x3a: {  	[sflag:s20] =	ssyncset.done $0x0  }
0x3b: {  	[sflag:s20] =	ssyncadd.s32 $0xFFFFD300  }
0x3c: {  	s29 =	simm.s32 $0x500;
	s24 =	sadd.s32 $0xB40, s9;
	_ =	swait.ge [sflag:s20], $0x2D00  }
0x3d: {  	s25 =	sadd.s32 $0xB40, s10;
	s26 =	simm.s32 $0x280;
	[sflag:s20] =	ssyncset.done $0x0  }
.LBB2_2:
0x3e: {  	s30 =	sshra.s32 s26, $0x2  }
0x3f: {  	[sflag:s20] =	ssyncadd.s32 $0xFFFFD300;
	s26 =	smov.u32 s29;
	s28 =	sadd.s32 $0x280, s29  }
0x40: {  	[tilespmem:s14], [sflag:$0x1] =	stream.indirect.gather [hbm4b:s3+s13], $0x90, s30, s13, $0xb8;
	[tilespmem:$0x10220] =	vst v63  }
0x41: {  	p0 =	sne.s32 s29, $0x9880;
	s29 =	sadd.s32 $0x2710, s30  }
0x42: {  	[tilespmem:s15], [sflag:$0x1] =	stream.indirect.gather [hbm4b:s3+s13], $0x90, s29, s13, $0xb8;
	[tilespmem:$0x10220] =	vst v63  }
0x43: {  	s29 =	sadd.s32 $0x50, s30  }
0x44: {  	[tilespmem:s16], [sflag:$0x2] =	stream.indirect.gather [hbm4b:s3+s13], $0x90, s29, s13, $0xb8;
	[tilespmem:$0x10220] =	vst v63  }
0x45: {  	s29 =	sadd.s32 $0x2760, s30  }
0x46: {  	[tilespmem:s17], [sflag:$0x2] =	stream.indirect.gather [hbm4b:s3+s13], $0x90, s29, s13, $0xb8;
	[tilespmem:$0x10220] =	vst v63  }
0x47: {  	_ =	swait.ge [sflag:s18], $0x2D00  }
0x48: {  	[sflag:s18] =	ssyncset.done $0x0  }
0x49: {  	[sflag:s18] =	ssyncadd.s32 $0xFFFFD300  }
0x4a: {  	_ =	swait.ge [sflag:s18], $0x2D00  }
0x4b: {  	[sflag:s18] =	ssyncset.done $0x0  }
0x4c: {  	s29 =	sadd.s32 $0xFFFFFA60, s24;
	[sflag:s18] =	ssyncadd.s32 $0xFFFFD300  }
0x4d: {  	[hbm4b:s29+s2] =	stream.linear.scatter [tilespmem:s14], [sflag:$0x3], $0x2D00, $0x38;
	[tilespmem:$0x10220] =	vst v63  }
0x4e: {  	s29 =	sadd.s32 $0xFFFFFA60, s25  }
0x4f: {  	[hbm4b:s29+s2] =	stream.linear.scatter [tilespmem:s15], [sflag:$0x3], $0x2D00, $0x38;
	[tilespmem:$0x10220] =	vst v63  }
0x50: {  	_ =	swait.ge [sflag:s19], $0x2D00  }
0x51: {  	[sflag:s19] =	ssyncset.done $0x0  }
0x52: {  	[sflag:s19] =	ssyncadd.s32 $0xFFFFD300  }
0x53: {  	_ =	swait.ge [sflag:s19], $0x2D00  }
0x54: {  	[sflag:s19] =	ssyncset.done $0x0  }
0x55: {  	[sflag:s19] =	ssyncadd.s32 $0xFFFFD300  }
0x56: {  	[hbm4b:s24+s2] =	stream.linear.scatter [tilespmem:s16], [sflag:$0x3], $0x2D00, $0x38;
	[tilespmem:$0x10220] =	vst v63  }
0x57: {  	_ = 	snop  }
0x58: {  	[hbm4b:s25+s2] =	stream.linear.scatter [tilespmem:s17], [sflag:$0x3], $0x2D00, $0x38;
	[tilespmem:$0x10220] =	vst v63  }
0x59: {  	_ =	swait.ge [sflag:s20], $0x2D00  }
0x5a: {  	[sflag:s20] =	ssyncset.done $0x0  }
0x5b: {  	[sflag:s20] =	ssyncadd.s32 $0xFFFFD300  }
0x5c: {  	_ =	swait.ge [sflag:s20], $0x2D00  }
0x5d: {  	[sflag:s20] =	ssyncset.done $0x0  }
0x5e: {  	[sflag:s20] =	ssyncadd.s32 $0xFFFFD300  }
.Ltmp0:
0x5f: {  	_ =	swait.ge [sflag:s20], $0x2D00;
	(pc) =	sbr.rel @p0 .LBB2_2-.Ltmp0, $4  }
0x60: {  	[sflag:s20] =	ssyncset.done $0x0  }
0x61: {  	[sflag:s20] =	ssyncadd.s32 $0xFFFFD300  }
0x62: {  	s29 =	smov.u32 s28;
	_ =	swait.ge [sflag:s20], $0x2D00  }
0x63: {  	s24 =	sadd.s32 $0xB40, s24;
	s25 =	sadd.s32 $0xB40, s25;
	[sflag:s20] =	ssyncset.done $0x0  }
0x64: {  	s26 =	sshra.s32 s26, $0x2;
	[sflag:s20] =	ssyncadd.s32 $0xFFFFD300  }
0x65: {  	[tilespmem:s14], [sflag:$0x1] =	stream.indirect.gather [hbm4b:s3+s13], $0x90, s26, s13, $0xb8;
	[tilespmem:$0x10220] =	vst v63  }
0x66: {  	s28 =	sadd.s32 $0x2710, s26  }
0x67: {  	[tilespmem:s15], [sflag:$0x1] =	stream.indirect.gather [hbm4b:s3+s13], $0x90, s28, s13, $0xb8;
	[tilespmem:$0x10220] =	vst v63  }
0x68: {  	s29 =	sadd.s32 $0x50, s26  }
0x69: {  	[tilespmem:s16], [sflag:$0x2] =	stream.indirect.gather [hbm4b:s3+s13], $0x90, s29, s13, $0xb8;
	[tilespmem:$0x10220] =	vst v63  }
0x6a: {  	s26 =	sadd.s32 $0x2760, s26  }
0x6b: {  	[tilespmem:s17], [sflag:$0x2] =	stream.indirect.gather [hbm4b:s3+s13], $0x90, s26, s13, $0xb8;
	[tilespmem:$0x10220] =	vst v63  }
0x6c: {  	_ =	swait.ge [sflag:s18], $0x2D00  }
0x6d: {  	[sflag:s18] =	ssyncset.done $0x0  }
0x6e: {  	[sflag:s18] =	ssyncadd.s32 $0xFFFFD300  }
0x6f: {  	_ =	swait.ge [sflag:s18], $0x2D00  }
0x70: {  	[sflag:s18] =	ssyncset.done $0x0  }
0x71: {  	s30 =	sadd.s32 $0xFFFFFA60, s24;
	[sflag:s18] =	ssyncadd.s32 $0xFFFFD300  }
0x72: {  	[hbm4b:s30+s2] =	stream.linear.scatter [tilespmem:s14], [sflag:$0x3], $0x2D00, $0x38;
	[tilespmem:$0x10220] =	vst v63  }
0x73: {  	s31 =	sadd.s32 $0xFFFFFA60, s25  }
0x74: {  	[hbm4b:s31+s2] =	stream.linear.scatter [tilespmem:s15], [sflag:$0x3], $0x2D00, $0x38;
	[tilespmem:$0x10220] =	vst v63  }
0x75: {  	_ =	swait.ge [sflag:s19], $0x2D00  }
0x76: {  	[sflag:s19] =	ssyncset.done $0x0  }
0x77: {  	[sflag:s19] =	ssyncadd.s32 $0xFFFFD300  }
0x78: {  	_ =	swait.ge [sflag:s19], $0x2D00  }
0x79: {  	[sflag:s19] =	ssyncset.done $0x0  }
0x7a: {  	[sflag:s19] =	ssyncadd.s32 $0xFFFFD300  }
0x7b: {  	[hbm4b:s24+s2] =	stream.linear.scatter [tilespmem:s16], [sflag:$0x3], $0x2D00, $0x38;
	[tilespmem:$0x10220] =	vst v63  }
0x7c: {  	_ = 	snop  }
0x7d: {  	[hbm4b:s25+s2] =	stream.linear.scatter [tilespmem:s17], [sflag:$0x3], $0x2D00, $0x38;
	[tilespmem:$0x10220] =	vst v63  }
0x7e: {  	_ =	swait.ge [sflag:s20], $0x2D00  }
0x7f: {  	[sflag:s20] =	ssyncset.done $0x0  }
0x80: {  	[sflag:s20] =	ssyncadd.s32 $0xFFFFD300  }
0x81: {  	_ =	swait.ge [sflag:s20], $0x2D00  }
0x82: {  	[sflag:s20] =	ssyncset.done $0x0  }
0x83: {  	[sflag:s20] =	ssyncadd.s32 $0xFFFFD300  }
0x84: {  	_ =	swait.ge [sflag:s20], $0x2D00  }
0x85: {  	[sflag:s20] =	ssyncset.done $0x0  }
0x86: {  	[sflag:s20] =	ssyncadd.s32 $0xFFFFD300  }
0x87: {  	_ =	swait.ge [sflag:s20], $0x2D00  }
0x88: {  	[sflag:s20] =	ssyncset.done $0x0  }
0x89: {  	[sflag:s20] =	ssyncadd.s32 $0xFFFFD300  }
0x8a: {  	[tilespmem:s14], [sflag:$0x1] =	stream.indirect.gather [hbm4b:s3+s13], $0x90, s21, s13, $0xb8;
	[tilespmem:$0x10220] =	vst v63  }
0x8b: {  	_ = 	snop  }
0x8c: {  	[tilespmem:s15], [sflag:$0x1] =	stream.indirect.gather [hbm4b:s3+s13], $0x90, s22, s13, $0xb8;
	[tilespmem:$0x10220] =	vst v63  }
0x8d: {  	_ =	swait.ge [sflag:s18], $0x2D00  }
0x8e: {  	[sflag:s18] =	ssyncset.done $0x0  }
0x8f: {  	[sflag:s18] =	ssyncadd.s32 $0xFFFFD300  }
0x90: {  	_ =	swait.ge [sflag:s18], $0x2D00  }
0x91: {  	[sflag:s18] =	ssyncset.done $0x0  }
0x92: {  	[sflag:s18] =	ssyncadd.s32 $0xFFFFD300  }
0x93: {  	[hbm4b:s6+s2] =	stream.linear.scatter [tilespmem:s14], [sflag:$0x3], $0x2D00, $0x38;
	[tilespmem:$0x10220] =	vst v63  }
0x94: {  	s23 =	sadd.s32 $0x1, s23  }
0x95: {  	[hbm4b:s7+s2] =	stream.linear.scatter [tilespmem:s15], [sflag:$0x3], $0x2D00, $0x38;
	[tilespmem:$0x10220] =	vst v63  }
0x96: {  	p0 =	sne.s32 s23, s8;
	_ =	swait.ge [sflag:s20], $0x2D00  }
.Ltmp1:
0x97: {  	[sflag:s20] =	ssyncset.done $0x0;
	(pc) =	sbr.rel @p0 .LBB2_1-.Ltmp1, $4  }
0x98: {  	[sflag:s20] =	ssyncadd.s32 $0xFFFFD300  }
0x99: {  	_ =	swait.ge [sflag:s20], $0x2D00  }
0x9a: {  	[sflag:s20] =	ssyncset.done $0x0  }
0x9b: {  	[sflag:s20] =	ssyncadd.s32 $0xFFFFD300  }
0x9c: {  	_ =	sfence.sel $0x180000  }
0x9d: {  	[bflag:$0x0] =	sbarrier.arrive $0xFFFF  }
0x9e: {  	p0 =	sne.s32 s0, $0x0;
	_ =	strace $0x90000047  }
0x9f: {  	s0 =	sadd.s32 @!p0 $0x100000, s1;
	[bflag:$0x2] =	sbarrier.arrive $0xFFFF  }
0xa0: {  	[sflag:s0] =	ssyncadd.tile.s32 @!p0 $0x1;
	_ =	shalt  }
.Lfunc_end2:
_tile_overlayer_lowered:
.L_overlay_start_2:
0xa1: {  	(tag) =	ssettag $0x2  }
0xa2: {  	s0 =	rddreg [dreg:$0x0];
	s2 =	stileid.u32  }
0xa3: {  	s1 =	rddreg [dreg:$0x1];
	p0 =	sne.s32 s2, $0x0  }
0xa4: {  	s3 =	rddreg [dreg:$0x2];
	[bflag:$0x3] =	sbarrier.arrive $0xFFFF;
	s2 =	simm.s32 @!p0 $0x1C04  }
0xa5: {  	[timem:s3], [sflag:s2] =	dma.local @!p0 [hbm:s0], s1  }
0xa6: {  	s0 =	simm.s32 @!p0 $0x4  }
0xa7: {  	_ =	swait.ge @!p0 [sflag:s0], s1  }
0xa8: {  	s1 =	ssub.s32 @!p0 $0x0, s1;
	[sflag:s0] =	ssyncset.done @!p0 $0x0  }
0xa9: {  	[sflag:s0] =	ssyncadd.s32 @!p0 s1  }
0xaa: {  	[bflag:$0x3] =	sbarrier.arrive $0xFFFF  }
0xab: {  	_ =	shalt  }

</sc_bundles>
